<compile_context>
chip_gen: v7x
topology: tpu7x:2x2x1
jax: 0.10.2.dev20260603
libtpu: 0.0.44.dev20260713+nightly
codegen_flags: <defaults>
</compile_context>

<pallas_src>
import functools

import jax
import jax.numpy as jnp
from jax import lax
from jax.experimental import pallas as pl
from jax.experimental.pallas import tpu as pltpu
from jax.experimental.pallas import tpu_sc as plsc

N_ROWS = 1000000
K = 32
BATCH = 16384
_PACK = 128 // K

_NC = 2
_NS = 16
_NW = _NC * _NS
_BPW = BATCH // _NW
_L = 16
_CHUNK = 256


def _mf_body(users_hbm, items_hbm, pu_hbm, qi_hbm, out_hbm,
             idx_u, idx_i, row_u, row_i, u_rows, v_rows, out_v, sem):
    wid = lax.axis_index("s") * _NC + lax.axis_index("c")
    base = wid * _BPW

    pltpu.sync_copy(users_hbm.at[pl.ds(base, _BPW)], idx_u)
    pltpu.sync_copy(items_hbm.at[pl.ds(base, _BPW)], idx_i)

    def split(j, carry):
        iu = idx_u[pl.ds(j * _L, _L)]
        ii = idx_i[pl.ds(j * _L, _L)]
        row_u[pl.ds(j * _L, _L)] = iu >> 2
        row_i[pl.ds(j * _L, _L)] = ii >> 2
        idx_u[pl.ds(j * _L, _L)] = (iu & 3) * K
        idx_i[pl.ds(j * _L, _L)] = (ii & 3) * K
        return carry

    lax.fori_loop(0, _BPW // _L, split, 0)

    lane = lax.iota(jnp.int32, _L)
    perms = [(lane ^ s).reshape(_L, 1) for s in (1, 2, 4, 8)]
    _dnums = lax.GatherDimensionNumbers(
        offset_dims=(), collapsed_slice_dims=(0,), start_index_map=(0,))

    def _perm(x, p):
        return lax.gather(x, p, _dnums, slice_sizes=(1,),
                          mode=lax.GatherScatterMode.PROMISE_IN_BOUNDS)

    for c in range(_BPW // _CHUNK):
        cbase = c * _CHUNK
        cp_u = pltpu.async_copy(
            pu_hbm.at[row_u.at[pl.ds(cbase, _CHUNK)]], u_rows, sem)
        cp_v = pltpu.async_copy(
            qi_hbm.at[row_i.at[pl.ds(cbase, _CHUNK)]], v_rows, sem)
        cp_u.wait()
        cp_v.wait()

        def group(g, carry):
            gbase = cbase + g * _L
            sus = idx_u[pl.ds(gbase, _L)]
            sis = idx_i[pl.ds(gbase, _L)]
            acc = jnp.zeros((_L,), jnp.float32)
            for i in range(_L):
                b = gbase + i
                su = sus[i]
                si = sis[i]
                u0 = u_rows[b - cbase, pl.ds(su, _L)]
                v0 = v_rows[b - cbase, pl.ds(si, _L)]
                u1 = u_rows[b - cbase, pl.ds(su + _L, _L)]
                v1 = v_rows[b - cbase, pl.ds(si + _L, _L)]
                t = u0 * v0 + u1 * v1
                for p in perms:
                    t = t + _perm(t, p)
                acc = jnp.where(lane == i, t, acc)
            out_v[pl.ds(gbase, _L)] = acc
            return carry

        lax.fori_loop(0, _CHUNK // _L, group, 0)

    pltpu.sync_copy(out_v, out_hbm.at[pl.ds(base, _BPW)])


@jax.jit
def _mf(users, items, pu_table, qi_table):
    mesh = plsc.VectorSubcoreMesh(core_axis_name="c", subcore_axis_name="s")
    f = functools.partial(
        pl.kernel,
        mesh=mesh,
        compiler_params=pltpu.CompilerParams(use_tc_tiling_on_sc=False),
        out_type=jax.ShapeDtypeStruct((BATCH,), jnp.float32),
        scratch_types=[
            pltpu.VMEM((_BPW,), jnp.int32),
            pltpu.VMEM((_BPW,), jnp.int32),
            pltpu.VMEM((_BPW,), jnp.int32),
            pltpu.VMEM((_BPW,), jnp.int32),
            pltpu.VMEM((_CHUNK, 128), jnp.float32),
            pltpu.VMEM((_CHUNK, 128), jnp.float32),
            pltpu.VMEM((_BPW,), jnp.float32),
            pltpu.SemaphoreType.DMA,
        ],
    )(_mf_body)
    return f(users, items, pu_table, qi_table)


def kernel(users, items, pu_table, qi_table):
    pu_packed = pu_table.reshape(N_ROWS // _PACK, 128)
    qi_packed = qi_table.reshape(N_ROWS // _PACK, 128)
    out = _mf(users.reshape(-1), items.reshape(-1), pu_packed, qi_packed)
    return out.reshape(-1, 1)

# --- scband reference (transcript-rebuilt; emitter-appended) ---
"""Pipeline reference for scband-deep-mf-13589276525019 (READ-ONLY COPY).

The authoritative reference and input builder live on the scoring server;
editing this copy changes nothing except your own understanding.
"""

import jax, jax.numpy as jnp
import numpy as np

N_USERS = 1000000
N_ITEMS = 1000000
K = 32
BATCH = 16384

def setup_inputs(seed: int = 0) -> dict:
    key = jax.random.key(seed)
    k1, k2, k3, k4 = jax.random.split(key, 4)
    users = jax.random.randint(k1, (BATCH, 1), 0, N_USERS, dtype=jnp.int64) if jax.config.jax_enable_x64 else jax.random.randint(k1, (BATCH, 1), 0, N_USERS).astype(jnp.int32)
    items = jax.random.randint(k2, (BATCH, 1), 0, N_ITEMS, dtype=jnp.int64) if jax.config.jax_enable_x64 else jax.random.randint(k2, (BATCH, 1), 0, N_ITEMS).astype(jnp.int32)
    pu_table = jax.random.normal(k3, (N_USERS, K), dtype=jnp.float32) * 0.05
    qi_table = jax.random.normal(k4, (N_ITEMS, K), dtype=jnp.float32) * 0.05
    return {"users": users, "items": items, "pu_table": pu_table, "qi_table": qi_table}

def reference(users, items, pu_table, qi_table):
    # Embedding(n_users, K, input_length=1) -> (B, 1, K); Reshape((K,)) -> (B, K)
    u = jnp.take(pu_table, users.reshape(-1), axis=0)  # (B, K)
    v = jnp.take(qi_table, items.reshape(-1), axis=0)  # (B, K)
    # Dot(axes=1) over feature axis -> (B, 1)
    out = jnp.sum(u * v, axis=1, keepdims=True)
    return out

if __name__ == "__main__":
    import jax
    _d = setup_inputs()
    print(jax.jit(kernel)(*tuple(_d.values())))

</pallas_src>

<mosaic_0001>
#map = affine_map<(d0, d1) -> (0)>
#map1 = affine_map<(d0, d1) -> (0, 0)>
module attributes {stable_mosaic.version = 14 : i64} {
  func.func @_mf_body(%arg0: i32, %arg1: i32, %arg2: memref<16384xi32, #tpu.memory_space<hbm>>, %arg3: memref<16384xi32, #tpu.memory_space<hbm>>, %arg4: memref<250000x128xf32, #tpu.memory_space<hbm>>, %arg5: memref<250000x128xf32, #tpu.memory_space<hbm>>, %arg6: memref<16384xf32, #tpu.memory_space<hbm>>, %arg7: memref<512xi32, #tpu.memory_space<vmem>>, %arg8: memref<512xi32, #tpu.memory_space<vmem>>, %arg9: memref<512xi32, #tpu.memory_space<vmem>>, %arg10: memref<512xi32, #tpu.memory_space<vmem>>, %arg11: memref<256x128xf32, #tpu.memory_space<vmem>>, %arg12: memref<256x128xf32, #tpu.memory_space<vmem>>, %arg13: memref<512xf32, #tpu.memory_space<vmem>>, %arg14: memref<!tpu.dma_semaphore, #tpu.memory_space<semaphore_mem>>) attributes {dimension_semantics = [#tpu.dimension_semantics<core_parallel>, #tpu.dimension_semantics<subcore_parallel>], iteration_bounds = array<i64: 2, 16>, scalar_prefetch = 0 : i64, scratch_operands = 8 : i64, tpu.core_type = #tpu.core_type<sc_vector_subcore>, window_params = [{transform_indices = #map}, {transform_indices = #map}, {transform_indices = #map1}, {transform_indices = #map1}, {transform_indices = #map}]} {
    %mul3A = arith.constant 2 : i32
    %mul3A_0 = arith.muli %arg1, %mul3A : i32
    %add3A = arith.addi %mul3A_0, %arg0 : i32
    %mul3A_1 = arith.constant 512 : i32
    %mul3A_2 = arith.muli %add3A, %mul3A_1 : i32
    "tpu.region"() ({
      %run_scoped3A = tpu.sem_alloc : memref<!tpu.dma_semaphore, #tpu.memory_space<semaphore_mem>>
      %dma_start3A_72 = tpu.memref_slice %arg2[%mul3A_2] : memref<16384xi32, #tpu.memory_space<hbm>> -> memref<512xi32, #tpu.memory_space<hbm>>
      %dma_start3A_73 = tpu.memref_slice %arg2[%mul3A_2] : memref<16384xi32, #tpu.memory_space<hbm>> -> memref<512xi32, #tpu.memory_space<hbm>>
      tpu.enqueue_dma source(%dma_start3A_73 : memref<512xi32, #tpu.memory_space<hbm>>) target(%arg7 : memref<512xi32, #tpu.memory_space<vmem>>) target_semaphore(%run_scoped3A : memref<!tpu.dma_semaphore, #tpu.memory_space<semaphore_mem>>)
      %dma_wait3A_74 = tpu.memref_slice %arg2[%mul3A_2] : memref<16384xi32, #tpu.memory_space<hbm>> -> memref<512xi32, #tpu.memory_space<hbm>>
      %dma_wait3A_75 = tpu.memref_slice %arg2[%mul3A_2] : memref<16384xi32, #tpu.memory_space<hbm>> -> memref<512xi32, #tpu.memory_space<hbm>>
      tpu.wait_dma2 semaphore(%run_scoped3A : memref<!tpu.dma_semaphore, #tpu.memory_space<semaphore_mem>>) src(%dma_wait3A_75 : memref<512xi32, #tpu.memory_space<hbm>>) dst(%arg7 : memref<512xi32, #tpu.memory_space<vmem>>)
      tpu.yield
    }) : () -> ()
    "tpu.region"() ({
      %run_scoped3A = tpu.sem_alloc : memref<!tpu.dma_semaphore, #tpu.memory_space<semaphore_mem>>
      %dma_start3A_72 = tpu.memref_slice %arg3[%mul3A_2] : memref<16384xi32, #tpu.memory_space<hbm>> -> memref<512xi32, #tpu.memory_space<hbm>>
      %dma_start3A_73 = tpu.memref_slice %arg3[%mul3A_2] : memref<16384xi32, #tpu.memory_space<hbm>> -> memref<512xi32, #tpu.memory_space<hbm>>
      tpu.enqueue_dma source(%dma_start3A_73 : memref<512xi32, #tpu.memory_space<hbm>>) target(%arg8 : memref<512xi32, #tpu.memory_space<vmem>>) target_semaphore(%run_scoped3A : memref<!tpu.dma_semaphore, #tpu.memory_space<semaphore_mem>>)
      %dma_wait3A_74 = tpu.memref_slice %arg3[%mul3A_2] : memref<16384xi32, #tpu.memory_space<hbm>> -> memref<512xi32, #tpu.memory_space<hbm>>
      %dma_wait3A_75 = tpu.memref_slice %arg3[%mul3A_2] : memref<16384xi32, #tpu.memory_space<hbm>> -> memref<512xi32, #tpu.memory_space<hbm>>
      tpu.wait_dma2 semaphore(%run_scoped3A : memref<!tpu.dma_semaphore, #tpu.memory_space<semaphore_mem>>) src(%dma_wait3A_75 : memref<512xi32, #tpu.memory_space<hbm>>) dst(%arg8 : memref<512xi32, #tpu.memory_space<vmem>>)
      tpu.yield
    }) : () -> ()
    %scan3A = arith.constant 0 : i32
    %scan3A_3 = arith.constant 0 : i32
    %scan3A_4 = arith.constant 32 : i32
    %scan3A_5 = arith.addi %scan3A_3, %scan3A_4 : i32
    %scan3A_6 = arith.constant 1 : i32
    scf.for %scan3A_72 = %scan3A_3 to %scan3A_5 step %scan3A_6  : i32 {
      %mul3A_73 = arith.constant 16 : i32
      %mul3A_74 = arith.muli %scan3A_72, %mul3A_73 : i32
      %get3A = arith.index_cast %mul3A_74 : i32 to index
      %get3A_75 = tpu.vector_load %arg7[%get3A] {strides = array<i32>} : memref<512xi32, #tpu.memory_space<vmem>>, vector<16xi32>,
      %get3A_76 = vector.shape_cast %get3A_75 : vector<16xi32> to vector<16xi32>
      %mul3A_77 = arith.constant 16 : i32
      %mul3A_78 = arith.muli %scan3A_72, %mul3A_77 : i32
      %get3A_79 = arith.index_cast %mul3A_78 : i32 to index
      %get3A_80 = tpu.vector_load %arg8[%get3A_79] {strides = array<i32>} : memref<512xi32, #tpu.memory_space<vmem>>, vector<16xi32>,
      %get3A_81 = vector.shape_cast %get3A_80 : vector<16xi32> to vector<16xi32>
      %shift_right_arithmetic3A = arith.constant 2 : i32
      %shift_right_arithmetic3A_82 = vector.broadcast %shift_right_arithmetic3A : i32 to vector<16xi32>
      %shift_right_arithmetic3A_83 = arith.shrsi %get3A_76, %shift_right_arithmetic3A_82 : vector<16xi32>
      %mul3A_84 = arith.constant 16 : i32
      %mul3A_85 = arith.muli %scan3A_72, %mul3A_84 : i32
      %swap3A = arith.index_cast %mul3A_85 : i32 to index
      %swap3A_86 = tpu.vector_load %arg9[%swap3A] {strides = array<i32>} : memref<512xi32, #tpu.memory_space<vmem>>, vector<16xi32>,
      %swap3A_87 = vector.shape_cast %swap3A_86 : vector<16xi32> to vector<16xi32>
      %swap3A_88 = vector.shape_cast %shift_right_arithmetic3A_83 : vector<16xi32> to vector<16xi32>
      tpu.vector_store %arg9[%swap3A], %swap3A_88 {strides = array<i32>} : memref<512xi32, #tpu.memory_space<vmem>>, vector<16xi32>,
      %shift_right_arithmetic3A_89 = arith.constant 2 : i32
      %shift_right_arithmetic3A_90 = vector.broadcast %shift_right_arithmetic3A_89 : i32 to vector<16xi32>
      %shift_right_arithmetic3A_91 = arith.shrsi %get3A_81, %shift_right_arithmetic3A_90 : vector<16xi32>
      %mul3A_92 = arith.constant 16 : i32
      %mul3A_93 = arith.muli %scan3A_72, %mul3A_92 : i32
      %swap3A_94 = arith.index_cast %mul3A_93 : i32 to index
      %swap3A_95 = tpu.vector_load %arg10[%swap3A_94] {strides = array<i32>} : memref<512xi32, #tpu.memory_space<vmem>>, vector<16xi32>,
      %swap3A_96 = vector.shape_cast %swap3A_95 : vector<16xi32> to vector<16xi32>
      %swap3A_97 = vector.shape_cast %shift_right_arithmetic3A_91 : vector<16xi32> to vector<16xi32>
      tpu.vector_store %arg10[%swap3A_94], %swap3A_97 {strides = array<i32>} : memref<512xi32, #tpu.memory_space<vmem>>, vector<16xi32>,
      %and3A = arith.constant 3 : i32
      %and3A_98 = vector.broadcast %and3A : i32 to vector<16xi32>
      %and3A_99 = arith.andi %get3A_76, %and3A_98 : vector<16xi32>
      %mul3A_100 = arith.constant 32 : i32
      %mul3A_101 = vector.broadcast %mul3A_100 : i32 to vector<16xi32>
      %mul3A_102 = arith.muli %and3A_99, %mul3A_101 : vector<16xi32>
      %mul3A_103 = arith.constant 16 : i32
      %mul3A_104 = arith.muli %scan3A_72, %mul3A_103 : i32
      %swap3A_105 = arith.index_cast %mul3A_104 : i32 to index
      %swap3A_106 = tpu.vector_load %arg7[%swap3A_105] {strides = array<i32>} : memref<512xi32, #tpu.memory_space<vmem>>, vector<16xi32>,
      %swap3A_107 = vector.shape_cast %swap3A_106 : vector<16xi32> to vector<16xi32>
      %swap3A_108 = vector.shape_cast %mul3A_102 : vector<16xi32> to vector<16xi32>
      tpu.vector_store %arg7[%swap3A_105], %swap3A_108 {strides = array<i32>} : memref<512xi32, #tpu.memory_space<vmem>>, vector<16xi32>,
      %and3A_109 = arith.constant 3 : i32
      %and3A_110 = vector.broadcast %and3A_109 : i32 to vector<16xi32>
      %and3A_111 = arith.andi %get3A_81, %and3A_110 : vector<16xi32>
      %mul3A_112 = arith.constant 32 : i32
      %mul3A_113 = vector.broadcast %mul3A_112 : i32 to vector<16xi32>
      %mul3A_114 = arith.muli %and3A_111, %mul3A_113 : vector<16xi32>
      %mul3A_115 = arith.constant 16 : i32
      %mul3A_116 = arith.muli %scan3A_72, %mul3A_115 : i32
      %swap3A_117 = arith.index_cast %mul3A_116 : i32 to index
      %swap3A_118 = tpu.vector_load %arg8[%swap3A_117] {strides = array<i32>} : memref<512xi32, #tpu.memory_space<vmem>>, vector<16xi32>,
      %swap3A_119 = vector.shape_cast %swap3A_118 : vector<16xi32> to vector<16xi32>
      %swap3A_120 = vector.shape_cast %mul3A_114 : vector<16xi32> to vector<16xi32>
      tpu.vector_store %arg8[%swap3A_117], %swap3A_120 {strides = array<i32>} : memref<512xi32, #tpu.memory_space<vmem>>, vector<16xi32>,
    }
    %scan3A_7 = arith.constant 32 : i32
    %iota3A = tpu.iota {dimensions = array<i32: 0>} : vector<16xi32>
    %xor3A = arith.constant 1 : i32
    %xor3A_8 = vector.broadcast %xor3A : i32 to vector<16xi32>
    %xor3A_9 = arith.xori %iota3A, %xor3A_8 : vector<16xi32>
    %reshape3A = vector.shape_cast %xor3A_9 : vector<16xi32> to vector<16x1xi32>
    %xor3A_10 = arith.constant 2 : i32
    %xor3A_11 = vector.broadcast %xor3A_10 : i32 to vector<16xi32>
    %xor3A_12 = arith.xori %iota3A, %xor3A_11 : vector<16xi32>
    %reshape3A_13 = vector.shape_cast %xor3A_12 : vector<16xi32> to vector<16x1xi32>
    %xor3A_14 = arith.constant 4 : i32
    %xor3A_15 = vector.broadcast %xor3A_14 : i32 to vector<16xi32>
    %xor3A_16 = arith.xori %iota3A, %xor3A_15 : vector<16xi32>
    %reshape3A_17 = vector.shape_cast %xor3A_16 : vector<16xi32> to vector<16x1xi32>
    %xor3A_18 = arith.constant 8 : i32
    %xor3A_19 = vector.broadcast %xor3A_18 : i32 to vector<16xi32>
    %xor3A_20 = arith.xori %iota3A, %xor3A_19 : vector<16xi32>
    %reshape3A_21 = vector.shape_cast %xor3A_20 : vector<16xi32> to vector<16x1xi32>
    %dma_start3A = arith.constant 0 : i32
    %dma_start3A_22 = tpu.memref_slice %arg9[%dma_start3A] : memref<512xi32, #tpu.memory_space<vmem>> -> memref<256xi32, #tpu.memory_space<vmem>>
    %dma_start3A_23 = arith.constant 0 : i32
    %dma_start3A_24 = arith.constant 0 : i32
    %dma_start3A_25 = tpu.memref_slice %arg4[%dma_start3A_23, %dma_start3A_24] : memref<250000x128xf32, #tpu.memory_space<hbm>> -> memref<250000x128xf32, #tpu.memory_space<hbm>>
    tpu.enqueue_indirect_dma source(%dma_start3A_25 : memref<250000x128xf32, #tpu.memory_space<hbm>>) target(%arg11 : memref<256x128xf32, #tpu.memory_space<vmem>>) offsets(%dma_start3A_22 : memref<256xi32, #tpu.memory_space<vmem>>) semaphore(%arg14 : memref<!tpu.dma_semaphore, #tpu.memory_space<semaphore_mem>>)
    %dma_start3A_26 = arith.constant 0 : i32
    %dma_start3A_27 = tpu.memref_slice %arg10[%dma_start3A_26] : memref<512xi32, #tpu.memory_space<vmem>> -> memref<256xi32, #tpu.memory_space<vmem>>
    %dma_start3A_28 = arith.constant 0 : i32
    %dma_start3A_29 = arith.constant 0 : i32
    %dma_start3A_30 = tpu.memref_slice %arg5[%dma_start3A_28, %dma_start3A_29] : memref<250000x128xf32, #tpu.memory_space<hbm>> -> memref<250000x128xf32, #tpu.memory_space<hbm>>
    tpu.enqueue_indirect_dma source(%dma_start3A_30 : memref<250000x128xf32, #tpu.memory_space<hbm>>) target(%arg12 : memref<256x128xf32, #tpu.memory_space<vmem>>) offsets(%dma_start3A_27 : memref<256xi32, #tpu.memory_space<vmem>>) semaphore(%arg14 : memref<!tpu.dma_semaphore, #tpu.memory_space<semaphore_mem>>)
    %dma_wait3A = arith.constant 0 : i32
    %dma_wait3A_31 = tpu.memref_slice %arg9[%dma_wait3A] : memref<512xi32, #tpu.memory_space<vmem>> -> memref<256xi32, #tpu.memory_space<vmem>>
    %dma_wait3A_32 = arith.constant 0 : i32
    %dma_wait3A_33 = arith.constant 0 : i32
    %dma_wait3A_34 = tpu.memref_slice %arg4[%dma_wait3A_32, %dma_wait3A_33] : memref<250000x128xf32, #tpu.memory_space<hbm>> -> memref<250000x128xf32, #tpu.memory_space<hbm>>
    tpu.wait_indirect_dma semaphore(%arg14 : memref<!tpu.dma_semaphore, #tpu.memory_space<semaphore_mem>>) src(%dma_wait3A_34 : memref<250000x128xf32, #tpu.memory_space<hbm>>) dst(%arg11 : memref<256x128xf32, #tpu.memory_space<vmem>>)
    %dma_wait3A_35 = arith.constant 0 : i32
    %dma_wait3A_36 = tpu.memref_slice %arg10[%dma_wait3A_35] : memref<512xi32, #tpu.memory_space<vmem>> -> memref<256xi32, #tpu.memory_space<vmem>>
    %dma_wait3A_37 = arith.constant 0 : i32
    %dma_wait3A_38 = arith.constant 0 : i32
    %dma_wait3A_39 = tpu.memref_slice %arg5[%dma_wait3A_37, %dma_wait3A_38] : memref<250000x128xf32, #tpu.memory_space<hbm>> -> memref<250000x128xf32, #tpu.memory_space<hbm>>
    tpu.wait_indirect_dma semaphore(%arg14 : memref<!tpu.dma_semaphore, #tpu.memory_space<semaphore_mem>>) src(%dma_wait3A_39 : memref<250000x128xf32, #tpu.memory_space<hbm>>) dst(%arg12 : memref<256x128xf32, #tpu.memory_space<vmem>>)
    %scan3A_40 = arith.constant 0 : i32
    %scan3A_41 = arith.constant 0 : i32
    %scan3A_42 = arith.constant 16 : i32
    %scan3A_43 = arith.addi %scan3A_41, %scan3A_42 : i32
    %scan3A_44 = arith.constant 1 : i32
    scf.for %scan3A_72 = %scan3A_41 to %scan3A_43 step %scan3A_44  : i32 {
      %mul3A_73 = arith.constant 16 : i32
      %mul3A_74 = arith.muli %scan3A_72, %mul3A_73 : i32
      %add3A_75 = arith.constant 0 : i32
      %add3A_76 = arith.addi %add3A_75, %mul3A_74 : i32
      %get3A = arith.index_cast %add3A_76 : i32 to index
      %get3A_77 = tpu.vector_load %arg7[%get3A] {strides = array<i32>} : memref<512xi32, #tpu.memory_space<vmem>>, vector<16xi32>,
      %get3A_78 = vector.shape_cast %get3A_77 : vector<16xi32> to vector<16xi32>
      %get3A_79 = arith.index_cast %add3A_76 : i32 to index
      %get3A_80 = tpu.vector_load %arg8[%get3A_79] {strides = array<i32>} : memref<512xi32, #tpu.memory_space<vmem>>, vector<16xi32>,
      %get3A_81 = vector.shape_cast %get3A_80 : vector<16xi32> to vector<16xi32>
      %broadcast_in_dim3A = arith.constant 0.000000e+00 : f32
      %broadcast_in_dim3A_82 = vector.broadcast %broadcast_in_dim3A : f32 to vector<16xf32>
      %add3A_83 = arith.constant 0 : i32
      %add3A_84 = arith.addi %add3A_76, %add3A_83 : i32
      %slice3A = vector.extract_strided_slice %get3A_78 {offsets = [0], sizes = [1], strides = [1]} : vector<16xi32> to vector<1xi32>
      %squeeze3A = vector.extract %slice3A[0] : i32 from vector<1xi32>
      %slice3A_85 = vector.extract_strided_slice %get3A_81 {offsets = [0], sizes = [1], strides = [1]} : vector<16xi32> to vector<1xi32>
      %squeeze3A_86 = vector.extract %slice3A_85[0] : i32 from vector<1xi32>
      %sub3A = arith.constant 0 : i32
      %sub3A_87 = arith.subi %add3A_84, %sub3A : i32
      %get3A_88 = arith.index_cast %sub3A_87 : i32 to index
      %get3A_89 = arith.index_cast %squeeze3A : i32 to index
      %get3A_90 = tpu.vector_load %arg11[%get3A_88, %get3A_89] {strides = array<i32>} : memref<256x128xf32, #tpu.memory_space<vmem>>, vector<1x16xf32>,
      %get3A_91 = vector.shape_cast %get3A_90 : vector<1x16xf32> to vector<16xf32>
      %sub3A_92 = arith.constant 0 : i32
      %sub3A_93 = arith.subi %add3A_84, %sub3A_92 : i32
      %get3A_94 = arith.index_cast %sub3A_93 : i32 to index
      %get3A_95 = arith.index_cast %squeeze3A_86 : i32 to index
      %get3A_96 = tpu.vector_load %arg12[%get3A_94, %get3A_95] {strides = array<i32>} : memref<256x128xf32, #tpu.memory_space<vmem>>, vector<1x16xf32>,
      %get3A_97 = vector.shape_cast %get3A_96 : vector<1x16xf32> to vector<16xf32>
      %sub3A_98 = arith.constant 0 : i32
      %sub3A_99 = arith.subi %add3A_84, %sub3A_98 : i32
      %add3A_100 = arith.constant 16 : i32
      %add3A_101 = arith.addi %squeeze3A, %add3A_100 : i32
      %get3A_102 = arith.index_cast %sub3A_99 : i32 to index
      %get3A_103 = arith.index_cast %add3A_101 : i32 to index
      %get3A_104 = tpu.vector_load %arg11[%get3A_102, %get3A_103] {strides = array<i32>} : memref<256x128xf32, #tpu.memory_space<vmem>>, vector<1x16xf32>,
      %get3A_105 = vector.shape_cast %get3A_104 : vector<1x16xf32> to vector<16xf32>
      %sub3A_106 = arith.constant 0 : i32
      %sub3A_107 = arith.subi %add3A_84, %sub3A_106 : i32
      %add3A_108 = arith.constant 16 : i32
      %add3A_109 = arith.addi %squeeze3A_86, %add3A_108 : i32
      %get3A_110 = arith.index_cast %sub3A_107 : i32 to index
      %get3A_111 = arith.index_cast %add3A_109 : i32 to index
      %get3A_112 = tpu.vector_load %arg12[%get3A_110, %get3A_111] {strides = array<i32>} : memref<256x128xf32, #tpu.memory_space<vmem>>, vector<1x16xf32>,
      %get3A_113 = vector.shape_cast %get3A_112 : vector<1x16xf32> to vector<16xf32>
      %mul3A_114 = arith.mulf %get3A_91, %get3A_97 : vector<16xf32>
      %mul3A_115 = arith.mulf %get3A_105, %get3A_113 : vector<16xf32>
      %add3A_116 = arith.addf %mul3A_114, %mul3A_115 : vector<16xf32>
      %gather3A = vector.shape_cast %reshape3A : vector<16x1xi32> to vector<16xi32>
      %gather3A_117 = tpu.dynamic_gather %add3A_116[%gather3A] in [0] : vector<16xf32>, vector<16xi32> -> vector<16xf32>
      %add3A_118 = arith.addf %add3A_116, %gather3A_117 : vector<16xf32>
      %gather3A_119 = vector.shape_cast %reshape3A_13 : vector<16x1xi32> to vector<16xi32>
      %gather3A_120 = tpu.dynamic_gather %add3A_118[%gather3A_119] in [0] : vector<16xf32>, vector<16xi32> -> vector<16xf32>
      %add3A_121 = arith.addf %add3A_118, %gather3A_120 : vector<16xf32>
      %gather3A_122 = vector.shape_cast %reshape3A_17 : vector<16x1xi32> to vector<16xi32>
      %gather3A_123 = tpu.dynamic_gather %add3A_121[%gather3A_122] in [0] : vector<16xf32>, vector<16xi32> -> vector<16xf32>
      %add3A_124 = arith.addf %add3A_121, %gather3A_123 : vector<16xf32>
      %gather3A_125 = vector.shape_cast %reshape3A_21 : vector<16x1xi32> to vector<16xi32>
      %gather3A_126 = tpu.dynamic_gather %add3A_124[%gather3A_125] in [0] : vector<16xf32>, vector<16xi32> -> vector<16xf32>
      %add3A_127 = arith.addf %add3A_124, %gather3A_126 : vector<16xf32>
      %eq3A = arith.constant 0 : i32
      %eq3A_128 = vector.broadcast %eq3A : i32 to vector<16xi32>
      %eq3A_129 = arith.cmpi eq, %iota3A, %eq3A_128 : vector<16xi32>
      %select_n3A = arith.select %eq3A_129, %add3A_127, %broadcast_in_dim3A_82 : vector<16xi1>, vector<16xf32>
      %add3A_130 = arith.constant 1 : i32
      %add3A_131 = arith.addi %add3A_76, %add3A_130 : i32
      %slice3A_132 = vector.extract_strided_slice %get3A_78 {offsets = [1], sizes = [1], strides = [1]} : vector<16xi32> to vector<1xi32>
      %squeeze3A_133 = vector.extract %slice3A_132[0] : i32 from vector<1xi32>
      %slice3A_134 = vector.extract_strided_slice %get3A_81 {offsets = [1], sizes = [1], strides = [1]} : vector<16xi32> to vector<1xi32>
      %squeeze3A_135 = vector.extract %slice3A_134[0] : i32 from vector<1xi32>
      %sub3A_136 = arith.constant 0 : i32
      %sub3A_137 = arith.subi %add3A_131, %sub3A_136 : i32
      %get3A_138 = arith.index_cast %sub3A_137 : i32 to index
      %get3A_139 = arith.index_cast %squeeze3A_133 : i32 to index
      %get3A_140 = tpu.vector_load %arg11[%get3A_138, %get3A_139] {strides = array<i32>} : memref<256x128xf32, #tpu.memory_space<vmem>>, vector<1x16xf32>,
      %get3A_141 = vector.shape_cast %get3A_140 : vector<1x16xf32> to vector<16xf32>
      %sub3A_142 = arith.constant 0 : i32
      %sub3A_143 = arith.subi %add3A_131, %sub3A_142 : i32
      %get3A_144 = arith.index_cast %sub3A_143 : i32 to index
      %get3A_145 = arith.index_cast %squeeze3A_135 : i32 to index
      %get3A_146 = tpu.vector_load %arg12[%get3A_144, %get3A_145] {strides = array<i32>} : memref<256x128xf32, #tpu.memory_space<vmem>>, vector<1x16xf32>,
      %get3A_147 = vector.shape_cast %get3A_146 : vector<1x16xf32> to vector<16xf32>
      %sub3A_148 = arith.constant 0 : i32
      %sub3A_149 = arith.subi %add3A_131, %sub3A_148 : i32
      %add3A_150 = arith.constant 16 : i32
      %add3A_151 = arith.addi %squeeze3A_133, %add3A_150 : i32
      %get3A_152 = arith.index_cast %sub3A_149 : i32 to index
      %get3A_153 = arith.index_cast %add3A_151 : i32 to index
      %get3A_154 = tpu.vector_load %arg11[%get3A_152, %get3A_153] {strides = array<i32>} : memref<256x128xf32, #tpu.memory_space<vmem>>, vector<1x16xf32>,
      %get3A_155 = vector.shape_cast %get3A_154 : vector<1x16xf32> to vector<16xf32>
      %sub3A_156 = arith.constant 0 : i32
      %sub3A_157 = arith.subi %add3A_131, %sub3A_156 : i32
      %add3A_158 = arith.constant 16 : i32
      %add3A_159 = arith.addi %squeeze3A_135, %add3A_158 : i32
      %get3A_160 = arith.index_cast %sub3A_157 : i32 to index
      %get3A_161 = arith.index_cast %add3A_159 : i32 to index
      %get3A_162 = tpu.vector_load %arg12[%get3A_160, %get3A_161] {strides = array<i32>} : memref<256x128xf32, #tpu.memory_space<vmem>>, vector<1x16xf32>,
      %get3A_163 = vector.shape_cast %get3A_162 : vector<1x16xf32> to vector<16xf32>
      %mul3A_164 = arith.mulf %get3A_141, %get3A_147 : vector<16xf32>
      %mul3A_165 = arith.mulf %get3A_155, %get3A_163 : vector<16xf32>
      %add3A_166 = arith.addf %mul3A_164, %mul3A_165 : vector<16xf32>
      %gather3A_167 = vector.shape_cast %reshape3A : vector<16x1xi32> to vector<16xi32>
      %gather3A_168 = tpu.dynamic_gather %add3A_166[%gather3A_167] in [0] : vector<16xf32>, vector<16xi32> -> vector<16xf32>
      %add3A_169 = arith.addf %add3A_166, %gather3A_168 : vector<16xf32>
      %gather3A_170 = vector.shape_cast %reshape3A_13 : vector<16x1xi32> to vector<16xi32>
      %gather3A_171 = tpu.dynamic_gather %add3A_169[%gather3A_170] in [0] : vector<16xf32>, vector<16xi32> -> vector<16xf32>
      %add3A_172 = arith.addf %add3A_169, %gather3A_171 : vector<16xf32>
      %gather3A_173 = vector.shape_cast %reshape3A_17 : vector<16x1xi32> to vector<16xi32>
      %gather3A_174 = tpu.dynamic_gather %add3A_172[%gather3A_173] in [0] : vector<16xf32>, vector<16xi32> -> vector<16xf32>
      %add3A_175 = arith.addf %add3A_172, %gather3A_174 : vector<16xf32>
      %gather3A_176 = vector.shape_cast %reshape3A_21 : vector<16x1xi32> to vector<16xi32>
      %gather3A_177 = tpu.dynamic_gather %add3A_175[%gather3A_176] in [0] : vector<16xf32>, vector<16xi32> -> vector<16xf32>
      %add3A_178 = arith.addf %add3A_175, %gather3A_177 : vector<16xf32>
      %eq3A_179 = arith.constant 1 : i32
      %eq3A_180 = vector.broadcast %eq3A_179 : i32 to vector<16xi32>
      %eq3A_181 = arith.cmpi eq, %iota3A, %eq3A_180 : vector<16xi32>
      %select_n3A_182 = arith.select %eq3A_181, %add3A_178, %select_n3A : vector<16xi1>, vector<16xf32>
      %add3A_183 = arith.constant 2 : i32
      %add3A_184 = arith.addi %add3A_76, %add3A_183 : i32
      %slice3A_185 = vector.extract_strided_slice %get3A_78 {offsets = [2], sizes = [1], strides = [1]} : vector<16xi32> to vector<1xi32>
      %squeeze3A_186 = vector.extract %slice3A_185[0] : i32 from vector<1xi32>
      %slice3A_187 = vector.extract_strided_slice %get3A_81 {offsets = [2], sizes = [1], strides = [1]} : vector<16xi32> to vector<1xi32>
      %squeeze3A_188 = vector.extract %slice3A_187[0] : i32 from vector<1xi32>
      %sub3A_189 = arith.constant 0 : i32
      %sub3A_190 = arith.subi %add3A_184, %sub3A_189 : i32
      %get3A_191 = arith.index_cast %sub3A_190 : i32 to index
      %get3A_192 = arith.index_cast %squeeze3A_186 : i32 to index
      %get3A_193 = tpu.vector_load %arg11[%get3A_191, %get3A_192] {strides = array<i32>} : memref<256x128xf32, #tpu.memory_space<vmem>>, vector<1x16xf32>,
      %get3A_194 = vector.shape_cast %get3A_193 : vector<1x16xf32> to vector<16xf32>
      %sub3A_195 = arith.constant 0 : i32
      %sub3A_196 = arith.subi %add3A_184, %sub3A_195 : i32
      %get3A_197 = arith.index_cast %sub3A_196 : i32 to index
      %get3A_198 = arith.index_cast %squeeze3A_188 : i32 to index
      %get3A_199 = tpu.vector_load %arg12[%get3A_197, %get3A_198] {strides = array<i32>} : memref<256x128xf32, #tpu.memory_space<vmem>>, vector<1x16xf32>,
      %get3A_200 = vector.shape_cast %get3A_199 : vector<1x16xf32> to vector<16xf32>
      %sub3A_201 = arith.constant 0 : i32
      %sub3A_202 = arith.subi %add3A_184, %sub3A_201 : i32
      %add3A_203 = arith.constant 16 : i32
      %add3A_204 = arith.addi %squeeze3A_186, %add3A_203 : i32
      %get3A_205 = arith.index_cast %sub3A_202 : i32 to index
      %get3A_206 = arith.index_cast %add3A_204 : i32 to index
      %get3A_207 = tpu.vector_load %arg11[%get3A_205, %get3A_206] {strides = array<i32>} : memref<256x128xf32, #tpu.memory_space<vmem>>, vector<1x16xf32>,
      %get3A_208 = vector.shape_cast %get3A_207 : vector<1x16xf32> to vector<16xf32>
      %sub3A_209 = arith.constant 0 : i32
      %sub3A_210 = arith.subi %add3A_184, %sub3A_209 : i32
      %add3A_211 = arith.constant 16 : i32
      %add3A_212 = arith.addi %squeeze3A_188, %add3A_211 : i32
      %get3A_213 = arith.index_cast %sub3A_210 : i32 to index
      %get3A_214 = arith.index_cast %add3A_212 : i32 to index
      %get3A_215 = tpu.vector_load %arg12[%get3A_213, %get3A_214] {strides = array<i32>} : memref<256x128xf32, #tpu.memory_space<vmem>>, vector<1x16xf32>,
      %get3A_216 = vector.shape_cast %get3A_215 : vector<1x16xf32> to vector<16xf32>
      %mul3A_217 = arith.mulf %get3A_194, %get3A_200 : vector<16xf32>
      %mul3A_218 = arith.mulf %get3A_208, %get3A_216 : vector<16xf32>
      %add3A_219 = arith.addf %mul3A_217, %mul3A_218 : vector<16xf32>
      %gather3A_220 = vector.shape_cast %reshape3A : vector<16x1xi32> to vector<16xi32>
      %gather3A_221 = tpu.dynamic_gather %add3A_219[%gather3A_220] in [0] : vector<16xf32>, vector<16xi32> -> vector<16xf32>
      %add3A_222 = arith.addf %add3A_219, %gather3A_221 : vector<16xf32>
      %gather3A_223 = vector.shape_cast %reshape3A_13 : vector<16x1xi32> to vector<16xi32>
      %gather3A_224 = tpu.dynamic_gather %add3A_222[%gather3A_223] in [0] : vector<16xf32>, vector<16xi32> -> vector<16xf32>
      %add3A_225 = arith.addf %add3A_222, %gather3A_224 : vector<16xf32>
      %gather3A_226 = vector.shape_cast %reshape3A_17 : vector<16x1xi32> to vector<16xi32>
      %gather3A_227 = tpu.dynamic_gather %add3A_225[%gather3A_226] in [0] : vector<16xf32>, vector<16xi32> -> vector<16xf32>
      %add3A_228 = arith.addf %add3A_225, %gather3A_227 : vector<16xf32>
      %gather3A_229 = vector.shape_cast %reshape3A_21 : vector<16x1xi32> to vector<16xi32>
      %gather3A_230 = tpu.dynamic_gather %add3A_228[%gather3A_229] in [0] : vector<16xf32>, vector<16xi32> -> vector<16xf32>
      %add3A_231 = arith.addf %add3A_228, %gather3A_230 : vector<16xf32>
      %eq3A_232 = arith.constant 2 : i32
      %eq3A_233 = vector.broadcast %eq3A_232 : i32 to vector<16xi32>
      %eq3A_234 = arith.cmpi eq, %iota3A, %eq3A_233 : vector<16xi32>
      %select_n3A_235 = arith.select %eq3A_234, %add3A_231, %select_n3A_182 : vector<16xi1>, vector<16xf32>
      %add3A_236 = arith.constant 3 : i32
      %add3A_237 = arith.addi %add3A_76, %add3A_236 : i32
      %slice3A_238 = vector.extract_strided_slice %get3A_78 {offsets = [3], sizes = [1], strides = [1]} : vector<16xi32> to vector<1xi32>
      %squeeze3A_239 = vector.extract %slice3A_238[0] : i32 from vector<1xi32>
      %slice3A_240 = vector.extract_strided_slice %get3A_81 {offsets = [3], sizes = [1], strides = [1]} : vector<16xi32> to vector<1xi32>
      %squeeze3A_241 = vector.extract %slice3A_240[0] : i32 from vector<1xi32>
      %sub3A_242 = arith.constant 0 : i32
      %sub3A_243 = arith.subi %add3A_237, %sub3A_242 : i32
      %get3A_244 = arith.index_cast %sub3A_243 : i32 to index
      %get3A_245 = arith.index_cast %squeeze3A_239 : i32 to index
      %get3A_246 = tpu.vector_load %arg11[%get3A_244, %get3A_245] {strides = array<i32>} : memref<256x128xf32, #tpu.memory_space<vmem>>, vector<1x16xf32>,
      %get3A_247 = vector.shape_cast %get3A_246 : vector<1x16xf32> to vector<16xf32>
      %sub3A_248 = arith.constant 0 : i32
      %sub3A_249 = arith.subi %add3A_237, %sub3A_248 : i32
      %get3A_250 = arith.index_cast %sub3A_249 : i32 to index
      %get3A_251 = arith.index_cast %squeeze3A_241 : i32 to index
      %get3A_252 = tpu.vector_load %arg12[%get3A_250, %get3A_251] {strides = array<i32>} : memref<256x128xf32, #tpu.memory_space<vmem>>, vector<1x16xf32>,
      %get3A_253 = vector.shape_cast %get3A_252 : vector<1x16xf32> to vector<16xf32>
      %sub3A_254 = arith.constant 0 : i32
      %sub3A_255 = arith.subi %add3A_237, %sub3A_254 : i32
      %add3A_256 = arith.constant 16 : i32
      %add3A_257 = arith.addi %squeeze3A_239, %add3A_256 : i32
      %get3A_258 = arith.index_cast %sub3A_255 : i32 to index
      %get3A_259 = arith.index_cast %add3A_257 : i32 to index
      %get3A_260 = tpu.vector_load %arg11[%get3A_258, %get3A_259] {strides = array<i32>} : memref<256x128xf32, #tpu.memory_space<vmem>>, vector<1x16xf32>,
      %get3A_261 = vector.shape_cast %get3A_260 : vector<1x16xf32> to vector<16xf32>
      %sub3A_262 = arith.constant 0 : i32
      %sub3A_263 = arith.subi %add3A_237, %sub3A_262 : i32
      %add3A_264 = arith.constant 16 : i32
      %add3A_265 = arith.addi %squeeze3A_241, %add3A_264 : i32
      %get3A_266 = arith.index_cast %sub3A_263 : i32 to index
      %get3A_267 = arith.index_cast %add3A_265 : i32 to index
      %get3A_268 = tpu.vector_load %arg12[%get3A_266, %get3A_267] {strides = array<i32>} : memref<256x128xf32, #tpu.memory_space<vmem>>, vector<1x16xf32>,
      %get3A_269 = vector.shape_cast %get3A_268 : vector<1x16xf32> to vector<16xf32>
      %mul3A_270 = arith.mulf %get3A_247, %get3A_253 : vector<16xf32>
      %mul3A_271 = arith.mulf %get3A_261, %get3A_269 : vector<16xf32>
      %add3A_272 = arith.addf %mul3A_270, %mul3A_271 : vector<16xf32>
      %gather3A_273 = vector.shape_cast %reshape3A : vector<16x1xi32> to vector<16xi32>
      %gather3A_274 = tpu.dynamic_gather %add3A_272[%gather3A_273] in [0] : vector<16xf32>, vector<16xi32> -> vector<16xf32>
      %add3A_275 = arith.addf %add3A_272, %gather3A_274 : vector<16xf32>
      %gather3A_276 = vector.shape_cast %reshape3A_13 : vector<16x1xi32> to vector<16xi32>
      %gather3A_277 = tpu.dynamic_gather %add3A_275[%gather3A_276] in [0] : vector<16xf32>, vector<16xi32> -> vector<16xf32>
      %add3A_278 = arith.addf %add3A_275, %gather3A_277 : vector<16xf32>
      %gather3A_279 = vector.shape_cast %reshape3A_17 : vector<16x1xi32> to vector<16xi32>
      %gather3A_280 = tpu.dynamic_gather %add3A_278[%gather3A_279] in [0] : vector<16xf32>, vector<16xi32> -> vector<16xf32>
      %add3A_281 = arith.addf %add3A_278, %gather3A_280 : vector<16xf32>
      %gather3A_282 = vector.shape_cast %reshape3A_21 : vector<16x1xi32> to vector<16xi32>
      %gather3A_283 = tpu.dynamic_gather %add3A_281[%gather3A_282] in [0] : vector<16xf32>, vector<16xi32> -> vector<16xf32>
      %add3A_284 = arith.addf %add3A_281, %gather3A_283 : vector<16xf32>
      %eq3A_285 = arith.constant 3 : i32
      %eq3A_286 = vector.broadcast %eq3A_285 : i32 to vector<16xi32>
      %eq3A_287 = arith.cmpi eq, %iota3A, %eq3A_286 : vector<16xi32>
      %select_n3A_288 = arith.select %eq3A_287, %add3A_284, %select_n3A_235 : vector<16xi1>, vector<16xf32>
      %add3A_289 = arith.constant 4 : i32
      %add3A_290 = arith.addi %add3A_76, %add3A_289 : i32
      %slice3A_291 = vector.extract_strided_slice %get3A_78 {offsets = [4], sizes = [1], strides = [1]} : vector<16xi32> to vector<1xi32>
      %squeeze3A_292 = vector.extract %slice3A_291[0] : i32 from vector<1xi32>
      %slice3A_293 = vector.extract_strided_slice %get3A_81 {offsets = [4], sizes = [1], strides = [1]} : vector<16xi32> to vector<1xi32>
      %squeeze3A_294 = vector.extract %slice3A_293[0] : i32 from vector<1xi32>
      %sub3A_295 = arith.constant 0 : i32
      %sub3A_296 = arith.subi %add3A_290, %sub3A_295 : i32
      %get3A_297 = arith.index_cast %sub3A_296 : i32 to index
      %get3A_298 = arith.index_cast %squeeze3A_292 : i32 to index
      %get3A_299 = tpu.vector_load %arg11[%get3A_297, %get3A_298] {strides = array<i32>} : memref<256x128xf32, #tpu.memory_space<vmem>>, vector<1x16xf32>,
      %get3A_300 = vector.shape_cast %get3A_299 : vector<1x16xf32> to vector<16xf32>
      %sub3A_301 = arith.constant 0 : i32
      %sub3A_302 = arith.subi %add3A_290, %sub3A_301 : i32
      %get3A_303 = arith.index_cast %sub3A_302 : i32 to index
      %get3A_304 = arith.index_cast %squeeze3A_294 : i32 to index
      %get3A_305 = tpu.vector_load %arg12[%get3A_303, %get3A_304] {strides = array<i32>} : memref<256x128xf32, #tpu.memory_space<vmem>>, vector<1x16xf32>,
      %get3A_306 = vector.shape_cast %get3A_305 : vector<1x16xf32> to vector<16xf32>
      %sub3A_307 = arith.constant 0 : i32
      %sub3A_308 = arith.subi %add3A_290, %sub3A_307 : i32
      %add3A_309 = arith.constant 16 : i32
      %add3A_310 = arith.addi %squeeze3A_292, %add3A_309 : i32
      %get3A_311 = arith.index_cast %sub3A_308 : i32 to index
      %get3A_312 = arith.index_cast %add3A_310 : i32 to index
      %get3A_313 = tpu.vector_load %arg11[%get3A_311, %get3A_312] {strides = array<i32>} : memref<256x128xf32, #tpu.memory_space<vmem>>, vector<1x16xf32>,
      %get3A_314 = vector.shape_cast %get3A_313 : vector<1x16xf32> to vector<16xf32>
      %sub3A_315 = arith.constant 0 : i32
      %sub3A_316 = arith.subi %add3A_290, %sub3A_315 : i32
      %add3A_317 = arith.constant 16 : i32
      %add3A_318 = arith.addi %squeeze3A_294, %add3A_317 : i32
      %get3A_319 = arith.index_cast %sub3A_316 : i32 to index
      %get3A_320 = arith.index_cast %add3A_318 : i32 to index
      %get3A_321 = tpu.vector_load %arg12[%get3A_319, %get3A_320] {strides = array<i32>} : memref<256x128xf32, #tpu.memory_space<vmem>>, vector<1x16xf32>,
      %get3A_322 = vector.shape_cast %get3A_321 : vector<1x16xf32> to vector<16xf32>
      %mul3A_323 = arith.mulf %get3A_300, %get3A_306 : vector<16xf32>
      %mul3A_324 = arith.mulf %get3A_314, %get3A_322 : vector<16xf32>
      %add3A_325 = arith.addf %mul3A_323, %mul3A_324 : vector<16xf32>
      %gather3A_326 = vector.shape_cast %reshape3A : vector<16x1xi32> to vector<16xi32>
      %gather3A_327 = tpu.dynamic_gather %add3A_325[%gather3A_326] in [0] : vector<16xf32>, vector<16xi32> -> vector<16xf32>
      %add3A_328 = arith.addf %add3A_325, %gather3A_327 : vector<16xf32>
      %gather3A_329 = vector.shape_cast %reshape3A_13 : vector<16x1xi32> to vector<16xi32>
      %gather3A_330 = tpu.dynamic_gather %add3A_328[%gather3A_329] in [0] : vector<16xf32>, vector<16xi32> -> vector<16xf32>
      %add3A_331 = arith.addf %add3A_328, %gather3A_330 : vector<16xf32>
      %gather3A_332 = vector.shape_cast %reshape3A_17 : vector<16x1xi32> to vector<16xi32>
      %gather3A_333 = tpu.dynamic_gather %add3A_331[%gather3A_332] in [0] : vector<16xf32>, vector<16xi32> -> vector<16xf32>
      %add3A_334 = arith.addf %add3A_331, %gather3A_333 : vector<16xf32>
      %gather3A_335 = vector.shape_cast %reshape3A_21 : vector<16x1xi32> to vector<16xi32>
      %gather3A_336 = tpu.dynamic_gather %add3A_334[%gather3A_335] in [0] : vector<16xf32>, vector<16xi32> -> vector<16xf32>
      %add3A_337 = arith.addf %add3A_334, %gather3A_336 : vector<16xf32>
      %eq3A_338 = arith.constant 4 : i32
      %eq3A_339 = vector.broadcast %eq3A_338 : i32 to vector<16xi32>
      %eq3A_340 = arith.cmpi eq, %iota3A, %eq3A_339 : vector<16xi32>
      %select_n3A_341 = arith.select %eq3A_340, %add3A_337, %select_n3A_288 : vector<16xi1>, vector<16xf32>
      %add3A_342 = arith.constant 5 : i32
      %add3A_343 = arith.addi %add3A_76, %add3A_342 : i32
      %slice3A_344 = vector.extract_strided_slice %get3A_78 {offsets = [5], sizes = [1], strides = [1]} : vector<16xi32> to vector<1xi32>
      %squeeze3A_345 = vector.extract %slice3A_344[0] : i32 from vector<1xi32>
      %slice3A_346 = vector.extract_strided_slice %get3A_81 {offsets = [5], sizes = [1], strides = [1]} : vector<16xi32> to vector<1xi32>
      %squeeze3A_347 = vector.extract %slice3A_346[0] : i32 from vector<1xi32>
      %sub3A_348 = arith.constant 0 : i32
      %sub3A_349 = arith.subi %add3A_343, %sub3A_348 : i32
      %get3A_350 = arith.index_cast %sub3A_349 : i32 to index
      %get3A_351 = arith.index_cast %squeeze3A_345 : i32 to index
      %get3A_352 = tpu.vector_load %arg11[%get3A_350, %get3A_351] {strides = array<i32>} : memref<256x128xf32, #tpu.memory_space<vmem>>, vector<1x16xf32>,
      %get3A_353 = vector.shape_cast %get3A_352 : vector<1x16xf32> to vector<16xf32>
      %sub3A_354 = arith.constant 0 : i32
      %sub3A_355 = arith.subi %add3A_343, %sub3A_354 : i32
      %get3A_356 = arith.index_cast %sub3A_355 : i32 to index
      %get3A_357 = arith.index_cast %squeeze3A_347 : i32 to index
      %get3A_358 = tpu.vector_load %arg12[%get3A_356, %get3A_357] {strides = array<i32>} : memref<256x128xf32, #tpu.memory_space<vmem>>, vector<1x16xf32>,
      %get3A_359 = vector.shape_cast %get3A_358 : vector<1x16xf32> to vector<16xf32>
      %sub3A_360 = arith.constant 0 : i32
      %sub3A_361 = arith.subi %add3A_343, %sub3A_360 : i32
      %add3A_362 = arith.constant 16 : i32
      %add3A_363 = arith.addi %squeeze3A_345, %add3A_362 : i32
      %get3A_364 = arith.index_cast %sub3A_361 : i32 to index
      %get3A_365 = arith.index_cast %add3A_363 : i32 to index
      %get3A_366 = tpu.vector_load %arg11[%get3A_364, %get3A_365] {strides = array<i32>} : memref<256x128xf32, #tpu.memory_space<vmem>>, vector<1x16xf32>,
      %get3A_367 = vector.shape_cast %get3A_366 : vector<1x16xf32> to vector<16xf32>
      %sub3A_368 = arith.constant 0 : i32
      %sub3A_369 = arith.subi %add3A_343, %sub3A_368 : i32
      %add3A_370 = arith.constant 16 : i32
      %add3A_371 = arith.addi %squeeze3A_347, %add3A_370 : i32
      %get3A_372 = arith.index_cast %sub3A_369 : i32 to index
      %get3A_373 = arith.index_cast %add3A_371 : i32 to index
      %get3A_374 = tpu.vector_load %arg12[%get3A_372, %get3A_373] {strides = array<i32>} : memref<256x128xf32, #tpu.memory_space<vmem>>, vector<1x16xf32>,
      %get3A_375 = vector.shape_cast %get3A_374 : vector<1x16xf32> to vector<16xf32>
      %mul3A_376 = arith.mulf %get3A_353, %get3A_359 : vector<16xf32>
      %mul3A_377 = arith.mulf %get3A_367, %get3A_375 : vector<16xf32>
      %add3A_378 = arith.addf %mul3A_376, %mul3A_377 : vector<16xf32>
      %gather3A_379 = vector.shape_cast %reshape3A : vector<16x1xi32> to vector<16xi32>
      %gather3A_380 = tpu.dynamic_gather %add3A_378[%gather3A_379] in [0] : vector<16xf32>, vector<16xi32> -> vector<16xf32>
      %add3A_381 = arith.addf %add3A_378, %gather3A_380 : vector<16xf32>
      %gather3A_382 = vector.shape_cast %reshape3A_13 : vector<16x1xi32> to vector<16xi32>
      %gather3A_383 = tpu.dynamic_gather %add3A_381[%gather3A_382] in [0] : vector<16xf32>, vector<16xi32> -> vector<16xf32>
      %add3A_384 = arith.addf %add3A_381, %gather3A_383 : vector<16xf32>
      %gather3A_385 = vector.shape_cast %reshape3A_17 : vector<16x1xi32> to vector<16xi32>
      %gather3A_386 = tpu.dynamic_gather %add3A_384[%gather3A_385] in [0] : vector<16xf32>, vector<16xi32> -> vector<16xf32>
      %add3A_387 = arith.addf %add3A_384, %gather3A_386 : vector<16xf32>
      %gather3A_388 = vector.shape_cast %reshape3A_21 : vector<16x1xi32> to vector<16xi32>
      %gather3A_389 = tpu.dynamic_gather %add3A_387[%gather3A_388] in [0] : vector<16xf32>, vector<16xi32> -> vector<16xf32>
      %add3A_390 = arith.addf %add3A_387, %gather3A_389 : vector<16xf32>
      %eq3A_391 = arith.constant 5 : i32
      %eq3A_392 = vector.broadcast %eq3A_391 : i32 to vector<16xi32>
      %eq3A_393 = arith.cmpi eq, %iota3A, %eq3A_392 : vector<16xi32>
      %select_n3A_394 = arith.select %eq3A_393, %add3A_390, %select_n3A_341 : vector<16xi1>, vector<16xf32>
      %add3A_395 = arith.constant 6 : i32
      %add3A_396 = arith.addi %add3A_76, %add3A_395 : i32
      %slice3A_397 = vector.extract_strided_slice %get3A_78 {offsets = [6], sizes = [1], strides = [1]} : vector<16xi32> to vector<1xi32>
      %squeeze3A_398 = vector.extract %slice3A_397[0] : i32 from vector<1xi32>
      %slice3A_399 = vector.extract_strided_slice %get3A_81 {offsets = [6], sizes = [1], strides = [1]} : vector<16xi32> to vector<1xi32>
      %squeeze3A_400 = vector.extract %slice3A_399[0] : i32 from vector<1xi32>
      %sub3A_401 = arith.constant 0 : i32
      %sub3A_402 = arith.subi %add3A_396, %sub3A_401 : i32
      %get3A_403 = arith.index_cast %sub3A_402 : i32 to index
      %get3A_404 = arith.index_cast %squeeze3A_398 : i32 to index
      %get3A_405 = tpu.vector_load %arg11[%get3A_403, %get3A_404] {strides = array<i32>} : memref<256x128xf32, #tpu.memory_space<vmem>>, vector<1x16xf32>,
      %get3A_406 = vector.shape_cast %get3A_405 : vector<1x16xf32> to vector<16xf32>
      %sub3A_407 = arith.constant 0 : i32
      %sub3A_408 = arith.subi %add3A_396, %sub3A_407 : i32
      %get3A_409 = arith.index_cast %sub3A_408 : i32 to index
      %get3A_410 = arith.index_cast %squeeze3A_400 : i32 to index
      %get3A_411 = tpu.vector_load %arg12[%get3A_409, %get3A_410] {strides = array<i32>} : memref<256x128xf32, #tpu.memory_space<vmem>>, vector<1x16xf32>,
      %get3A_412 = vector.shape_cast %get3A_411 : vector<1x16xf32> to vector<16xf32>
      %sub3A_413 = arith.constant 0 : i32
      %sub3A_414 = arith.subi %add3A_396, %sub3A_413 : i32
      %add3A_415 = arith.constant 16 : i32
      %add3A_416 = arith.addi %squeeze3A_398, %add3A_415 : i32
      %get3A_417 = arith.index_cast %sub3A_414 : i32 to index
      %get3A_418 = arith.index_cast %add3A_416 : i32 to index
      %get3A_419 = tpu.vector_load %arg11[%get3A_417, %get3A_418] {strides = array<i32>} : memref<256x128xf32, #tpu.memory_space<vmem>>, vector<1x16xf32>,
      %get3A_420 = vector.shape_cast %get3A_419 : vector<1x16xf32> to vector<16xf32>
      %sub3A_421 = arith.constant 0 : i32
      %sub3A_422 = arith.subi %add3A_396, %sub3A_421 : i32
      %add3A_423 = arith.constant 16 : i32
      %add3A_424 = arith.addi %squeeze3A_400, %add3A_423 : i32
      %get3A_425 = arith.index_cast %sub3A_422 : i32 to index
      %get3A_426 = arith.index_cast %add3A_424 : i32 to index
      %get3A_427 = tpu.vector_load %arg12[%get3A_425, %get3A_426] {strides = array<i32>} : memref<256x128xf32, #tpu.memory_space<vmem>>, vector<1x16xf32>,
      %get3A_428 = vector.shape_cast %get3A_427 : vector<1x16xf32> to vector<16xf32>
      %mul3A_429 = arith.mulf %get3A_406, %get3A_412 : vector<16xf32>
      %mul3A_430 = arith.mulf %get3A_420, %get3A_428 : vector<16xf32>
      %add3A_431 = arith.addf %mul3A_429, %mul3A_430 : vector<16xf32>
      %gather3A_432 = vector.shape_cast %reshape3A : vector<16x1xi32> to vector<16xi32>
      %gather3A_433 = tpu.dynamic_gather %add3A_431[%gather3A_432] in [0] : vector<16xf32>, vector<16xi32> -> vector<16xf32>
      %add3A_434 = arith.addf %add3A_431, %gather3A_433 : vector<16xf32>
      %gather3A_435 = vector.shape_cast %reshape3A_13 : vector<16x1xi32> to vector<16xi32>
      %gather3A_436 = tpu.dynamic_gather %add3A_434[%gather3A_435] in [0] : vector<16xf32>, vector<16xi32> -> vector<16xf32>
      %add3A_437 = arith.addf %add3A_434, %gather3A_436 : vector<16xf32>
      %gather3A_438 = vector.shape_cast %reshape3A_17 : vector<16x1xi32> to vector<16xi32>
      %gather3A_439 = tpu.dynamic_gather %add3A_437[%gather3A_438] in [0] : vector<16xf32>, vector<16xi32> -> vector<16xf32>
      %add3A_440 = arith.addf %add3A_437, %gather3A_439 : vector<16xf32>
      %gather3A_441 = vector.shape_cast %reshape3A_21 : vector<16x1xi32> to vector<16xi32>
      %gather3A_442 = tpu.dynamic_gather %add3A_440[%gather3A_441] in [0] : vector<16xf32>, vector<16xi32> -> vector<16xf32>
      %add3A_443 = arith.addf %add3A_440, %gather3A_442 : vector<16xf32>
      %eq3A_444 = arith.constant 6 : i32
      %eq3A_445 = vector.broadcast %eq3A_444 : i32 to vector<16xi32>
      %eq3A_446 = arith.cmpi eq, %iota3A, %eq3A_445 : vector<16xi32>
      %select_n3A_447 = arith.select %eq3A_446, %add3A_443, %select_n3A_394 : vector<16xi1>, vector<16xf32>
      %add3A_448 = arith.constant 7 : i32
      %add3A_449 = arith.addi %add3A_76, %add3A_448 : i32
      %slice3A_450 = vector.extract_strided_slice %get3A_78 {offsets = [7], sizes = [1], strides = [1]} : vector<16xi32> to vector<1xi32>
      %squeeze3A_451 = vector.extract %slice3A_450[0] : i32 from vector<1xi32>
      %slice3A_452 = vector.extract_strided_slice %get3A_81 {offsets = [7], sizes = [1], strides = [1]} : vector<16xi32> to vector<1xi32>
      %squeeze3A_453 = vector.extract %slice3A_452[0] : i32 from vector<1xi32>
      %sub3A_454 = arith.constant 0 : i32
      %sub3A_455 = arith.subi %add3A_449, %sub3A_454 : i32
      %get3A_456 = arith.index_cast %sub3A_455 : i32 to index
      %get3A_457 = arith.index_cast %squeeze3A_451 : i32 to index
      %get3A_458 = tpu.vector_load %arg11[%get3A_456, %get3A_457] {strides = array<i32>} : memref<256x128xf32, #tpu.memory_space<vmem>>, vector<1x16xf32>,
      %get3A_459 = vector.shape_cast %get3A_458 : vector<1x16xf32> to vector<16xf32>
      %sub3A_460 = arith.constant 0 : i32
      %sub3A_461 = arith.subi %add3A_449, %sub3A_460 : i32
      %get3A_462 = arith.index_cast %sub3A_461 : i32 to index
      %get3A_463 = arith.index_cast %squeeze3A_453 : i32 to index
      %get3A_464 = tpu.vector_load %arg12[%get3A_462, %get3A_463] {strides = array<i32>} : memref<256x128xf32, #tpu.memory_space<vmem>>, vector<1x16xf32>,
      %get3A_465 = vector.shape_cast %get3A_464 : vector<1x16xf32> to vector<16xf32>
      %sub3A_466 = arith.constant 0 : i32
      %sub3A_467 = arith.subi %add3A_449, %sub3A_466 : i32
      %add3A_468 = arith.constant 16 : i32
      %add3A_469 = arith.addi %squeeze3A_451, %add3A_468 : i32
      %get3A_470 = arith.index_cast %sub3A_467 : i32 to index
      %get3A_471 = arith.index_cast %add3A_469 : i32 to index
      %get3A_472 = tpu.vector_load %arg11[%get3A_470, %get3A_471] {strides = array<i32>} : memref<256x128xf32, #tpu.memory_space<vmem>>, vector<1x16xf32>,
      %get3A_473 = vector.shape_cast %get3A_472 : vector<1x16xf32> to vector<16xf32>
      %sub3A_474 = arith.constant 0 : i32
      %sub3A_475 = arith.subi %add3A_449, %sub3A_474 : i32
      %add3A_476 = arith.constant 16 : i32
      %add3A_477 = arith.addi %squeeze3A_453, %add3A_476 : i32
      %get3A_478 = arith.index_cast %sub3A_475 : i32 to index
      %get3A_479 = arith.index_cast %add3A_477 : i32 to index
      %get3A_480 = tpu.vector_load %arg12[%get3A_478, %get3A_479] {strides = array<i32>} : memref<256x128xf32, #tpu.memory_space<vmem>>, vector<1x16xf32>,
      %get3A_481 = vector.shape_cast %get3A_480 : vector<1x16xf32> to vector<16xf32>
      %mul3A_482 = arith.mulf %get3A_459, %get3A_465 : vector<16xf32>
      %mul3A_483 = arith.mulf %get3A_473, %get3A_481 : vector<16xf32>
      %add3A_484 = arith.addf %mul3A_482, %mul3A_483 : vector<16xf32>
      %gather3A_485 = vector.shape_cast %reshape3A : vector<16x1xi32> to vector<16xi32>
      %gather3A_486 = tpu.dynamic_gather %add3A_484[%gather3A_485] in [0] : vector<16xf32>, vector<16xi32> -> vector<16xf32>
      %add3A_487 = arith.addf %add3A_484, %gather3A_486 : vector<16xf32>
      %gather3A_488 = vector.shape_cast %reshape3A_13 : vector<16x1xi32> to vector<16xi32>
      %gather3A_489 = tpu.dynamic_gather %add3A_487[%gather3A_488] in [0] : vector<16xf32>, vector<16xi32> -> vector<16xf32>
      %add3A_490 = arith.addf %add3A_487, %gather3A_489 : vector<16xf32>
      %gather3A_491 = vector.shape_cast %reshape3A_17 : vector<16x1xi32> to vector<16xi32>
      %gather3A_492 = tpu.dynamic_gather %add3A_490[%gather3A_491] in [0] : vector<16xf32>, vector<16xi32> -> vector<16xf32>
      %add3A_493 = arith.addf %add3A_490, %gather3A_492 : vector<16xf32>
      %gather3A_494 = vector.shape_cast %reshape3A_21 : vector<16x1xi32> to vector<16xi32>
      %gather3A_495 = tpu.dynamic_gather %add3A_493[%gather3A_494] in [0] : vector<16xf32>, vector<16xi32> -> vector<16xf32>
      %add3A_496 = arith.addf %add3A_493, %gather3A_495 : vector<16xf32>
      %eq3A_497 = arith.constant 7 : i32
      %eq3A_498 = vector.broadcast %eq3A_497 : i32 to vector<16xi32>
      %eq3A_499 = arith.cmpi eq, %iota3A, %eq3A_498 : vector<16xi32>
      %select_n3A_500 = arith.select %eq3A_499, %add3A_496, %select_n3A_447 : vector<16xi1>, vector<16xf32>
      %add3A_501 = arith.constant 8 : i32
      %add3A_502 = arith.addi %add3A_76, %add3A_501 : i32
      %slice3A_503 = vector.extract_strided_slice %get3A_78 {offsets = [8], sizes = [1], strides = [1]} : vector<16xi32> to vector<1xi32>
      %squeeze3A_504 = vector.extract %slice3A_503[0] : i32 from vector<1xi32>
      %slice3A_505 = vector.extract_strided_slice %get3A_81 {offsets = [8], sizes = [1], strides = [1]} : vector<16xi32> to vector<1xi32>
      %squeeze3A_506 = vector.extract %slice3A_505[0] : i32 from vector<1xi32>
      %sub3A_507 = arith.constant 0 : i32
      %sub3A_508 = arith.subi %add3A_502, %sub3A_507 : i32
      %get3A_509 = arith.index_cast %sub3A_508 : i32 to index
      %get3A_510 = arith.index_cast %squeeze3A_504 : i32 to index
      %get3A_511 = tpu.vector_load %arg11[%get3A_509, %get3A_510] {strides = array<i32>} : memref<256x128xf32, #tpu.memory_space<vmem>>, vector<1x16xf32>,
      %get3A_512 = vector.shape_cast %get3A_511 : vector<1x16xf32> to vector<16xf32>
      %sub3A_513 = arith.constant 0 : i32
      %sub3A_514 = arith.subi %add3A_502, %sub3A_513 : i32
      %get3A_515 = arith.index_cast %sub3A_514 : i32 to index
      %get3A_516 = arith.index_cast %squeeze3A_506 : i32 to index
      %get3A_517 = tpu.vector_load %arg12[%get3A_515, %get3A_516] {strides = array<i32>} : memref<256x128xf32, #tpu.memory_space<vmem>>, vector<1x16xf32>,
      %get3A_518 = vector.shape_cast %get3A_517 : vector<1x16xf32> to vector<16xf32>
      %sub3A_519 = arith.constant 0 : i32
      %sub3A_520 = arith.subi %add3A_502, %sub3A_519 : i32
      %add3A_521 = arith.constant 16 : i32
      %add3A_522 = arith.addi %squeeze3A_504, %add3A_521 : i32
      %get3A_523 = arith.index_cast %sub3A_520 : i32 to index
      %get3A_524 = arith.index_cast %add3A_522 : i32 to index
      %get3A_525 = tpu.vector_load %arg11[%get3A_523, %get3A_524] {strides = array<i32>} : memref<256x128xf32, #tpu.memory_space<vmem>>, vector<1x16xf32>,
      %get3A_526 = vector.shape_cast %get3A_525 : vector<1x16xf32> to vector<16xf32>
      %sub3A_527 = arith.constant 0 : i32
      %sub3A_528 = arith.subi %add3A_502, %sub3A_527 : i32
      %add3A_529 = arith.constant 16 : i32
      %add3A_530 = arith.addi %squeeze3A_506, %add3A_529 : i32
      %get3A_531 = arith.index_cast %sub3A_528 : i32 to index
      %get3A_532 = arith.index_cast %add3A_530 : i32 to index
      %get3A_533 = tpu.vector_load %arg12[%get3A_531, %get3A_532] {strides = array<i32>} : memref<256x128xf32, #tpu.memory_space<vmem>>, vector<1x16xf32>,
      %get3A_534 = vector.shape_cast %get3A_533 : vector<1x16xf32> to vector<16xf32>
      %mul3A_535 = arith.mulf %get3A_512, %get3A_518 : vector<16xf32>
      %mul3A_536 = arith.mulf %get3A_526, %get3A_534 : vector<16xf32>
      %add3A_537 = arith.addf %mul3A_535, %mul3A_536 : vector<16xf32>
      %gather3A_538 = vector.shape_cast %reshape3A : vector<16x1xi32> to vector<16xi32>
      %gather3A_539 = tpu.dynamic_gather %add3A_537[%gather3A_538] in [0] : vector<16xf32>, vector<16xi32> -> vector<16xf32>
      %add3A_540 = arith.addf %add3A_537, %gather3A_539 : vector<16xf32>
      %gather3A_541 = vector.shape_cast %reshape3A_13 : vector<16x1xi32> to vector<16xi32>
      %gather3A_542 = tpu.dynamic_gather %add3A_540[%gather3A_541] in [0] : vector<16xf32>, vector<16xi32> -> vector<16xf32>
      %add3A_543 = arith.addf %add3A_540, %gather3A_542 : vector<16xf32>
      %gather3A_544 = vector.shape_cast %reshape3A_17 : vector<16x1xi32> to vector<16xi32>
      %gather3A_545 = tpu.dynamic_gather %add3A_543[%gather3A_544] in [0] : vector<16xf32>, vector<16xi32> -> vector<16xf32>
      %add3A_546 = arith.addf %add3A_543, %gather3A_545 : vector<16xf32>
      %gather3A_547 = vector.shape_cast %reshape3A_21 : vector<16x1xi32> to vector<16xi32>
      %gather3A_548 = tpu.dynamic_gather %add3A_546[%gather3A_547] in [0] : vector<16xf32>, vector<16xi32> -> vector<16xf32>
      %add3A_549 = arith.addf %add3A_546, %gather3A_548 : vector<16xf32>
      %eq3A_550 = arith.constant 8 : i32
      %eq3A_551 = vector.broadcast %eq3A_550 : i32 to vector<16xi32>
      %eq3A_552 = arith.cmpi eq, %iota3A, %eq3A_551 : vector<16xi32>
      %select_n3A_553 = arith.select %eq3A_552, %add3A_549, %select_n3A_500 : vector<16xi1>, vector<16xf32>
      %add3A_554 = arith.constant 9 : i32
      %add3A_555 = arith.addi %add3A_76, %add3A_554 : i32
      %slice3A_556 = vector.extract_strided_slice %get3A_78 {offsets = [9], sizes = [1], strides = [1]} : vector<16xi32> to vector<1xi32>
      %squeeze3A_557 = vector.extract %slice3A_556[0] : i32 from vector<1xi32>
      %slice3A_558 = vector.extract_strided_slice %get3A_81 {offsets = [9], sizes = [1], strides = [1]} : vector<16xi32> to vector<1xi32>
      %squeeze3A_559 = vector.extract %slice3A_558[0] : i32 from vector<1xi32>
      %sub3A_560 = arith.constant 0 : i32
      %sub3A_561 = arith.subi %add3A_555, %sub3A_560 : i32
      %get3A_562 = arith.index_cast %sub3A_561 : i32 to index
      %get3A_563 = arith.index_cast %squeeze3A_557 : i32 to index
      %get3A_564 = tpu.vector_load %arg11[%get3A_562, %get3A_563] {strides = array<i32>} : memref<256x128xf32, #tpu.memory_space<vmem>>, vector<1x16xf32>,
      %get3A_565 = vector.shape_cast %get3A_564 : vector<1x16xf32> to vector<16xf32>
      %sub3A_566 = arith.constant 0 : i32
      %sub3A_567 = arith.subi %add3A_555, %sub3A_566 : i32
      %get3A_568 = arith.index_cast %sub3A_567 : i32 to index
      %get3A_569 = arith.index_cast %squeeze3A_559 : i32 to index
      %get3A_570 = tpu.vector_load %arg12[%get3A_568, %get3A_569] {strides = array<i32>} : memref<256x128xf32, #tpu.memory_space<vmem>>, vector<1x16xf32>,
      %get3A_571 = vector.shape_cast %get3A_570 : vector<1x16xf32> to vector<16xf32>
      %sub3A_572 = arith.constant 0 : i32
      %sub3A_573 = arith.subi %add3A_555, %sub3A_572 : i32
      %add3A_574 = arith.constant 16 : i32
      %add3A_575 = arith.addi %squeeze3A_557, %add3A_574 : i32
      %get3A_576 = arith.index_cast %sub3A_573 : i32 to index
      %get3A_577 = arith.index_cast %add3A_575 : i32 to index
      %get3A_578 = tpu.vector_load %arg11[%get3A_576, %get3A_577] {strides = array<i32>} : memref<256x128xf32, #tpu.memory_space<vmem>>, vector<1x16xf32>,
      %get3A_579 = vector.shape_cast %get3A_578 : vector<1x16xf32> to vector<16xf32>
      %sub3A_580 = arith.constant 0 : i32
      %sub3A_581 = arith.subi %add3A_555, %sub3A_580 : i32
      %add3A_582 = arith.constant 16 : i32
      %add3A_583 = arith.addi %squeeze3A_559, %add3A_582 : i32
      %get3A_584 = arith.index_cast %sub3A_581 : i32 to index
      %get3A_585 = arith.index_cast %add3A_583 : i32 to index
      %get3A_586 = tpu.vector_load %arg12[%get3A_584, %get3A_585] {strides = array<i32>} : memref<256x128xf32, #tpu.memory_space<vmem>>, vector<1x16xf32>,
      %get3A_587 = vector.shape_cast %get3A_586 : vector<1x16xf32> to vector<16xf32>
      %mul3A_588 = arith.mulf %get3A_565, %get3A_571 : vector<16xf32>
      %mul3A_589 = arith.mulf %get3A_579, %get3A_587 : vector<16xf32>
      %add3A_590 = arith.addf %mul3A_588, %mul3A_589 : vector<16xf32>
      %gather3A_591 = vector.shape_cast %reshape3A : vector<16x1xi32> to vector<16xi32>
      %gather3A_592 = tpu.dynamic_gather %add3A_590[%gather3A_591] in [0] : vector<16xf32>, vector<16xi32> -> vector<16xf32>
      %add3A_593 = arith.addf %add3A_590, %gather3A_592 : vector<16xf32>
      %gather3A_594 = vector.shape_cast %reshape3A_13 : vector<16x1xi32> to vector<16xi32>
      %gather3A_595 = tpu.dynamic_gather %add3A_593[%gather3A_594] in [0] : vector<16xf32>, vector<16xi32> -> vector<16xf32>
      %add3A_596 = arith.addf %add3A_593, %gather3A_595 : vector<16xf32>
      %gather3A_597 = vector.shape_cast %reshape3A_17 : vector<16x1xi32> to vector<16xi32>
      %gather3A_598 = tpu.dynamic_gather %add3A_596[%gather3A_597] in [0] : vector<16xf32>, vector<16xi32> -> vector<16xf32>
      %add3A_599 = arith.addf %add3A_596, %gather3A_598 : vector<16xf32>
      %gather3A_600 = vector.shape_cast %reshape3A_21 : vector<16x1xi32> to vector<16xi32>
      %gather3A_601 = tpu.dynamic_gather %add3A_599[%gather3A_600] in [0] : vector<16xf32>, vector<16xi32> -> vector<16xf32>
      %add3A_602 = arith.addf %add3A_599, %gather3A_601 : vector<16xf32>
      %eq3A_603 = arith.constant 9 : i32
      %eq3A_604 = vector.broadcast %eq3A_603 : i32 to vector<16xi32>
      %eq3A_605 = arith.cmpi eq, %iota3A, %eq3A_604 : vector<16xi32>
      %select_n3A_606 = arith.select %eq3A_605, %add3A_602, %select_n3A_553 : vector<16xi1>, vector<16xf32>
      %add3A_607 = arith.constant 10 : i32
      %add3A_608 = arith.addi %add3A_76, %add3A_607 : i32
      %slice3A_609 = vector.extract_strided_slice %get3A_78 {offsets = [10], sizes = [1], strides = [1]} : vector<16xi32> to vector<1xi32>
      %squeeze3A_610 = vector.extract %slice3A_609[0] : i32 from vector<1xi32>
      %slice3A_611 = vector.extract_strided_slice %get3A_81 {offsets = [10], sizes = [1], strides = [1]} : vector<16xi32> to vector<1xi32>
      %squeeze3A_612 = vector.extract %slice3A_611[0] : i32 from vector<1xi32>
      %sub3A_613 = arith.constant 0 : i32
      %sub3A_614 = arith.subi %add3A_608, %sub3A_613 : i32
      %get3A_615 = arith.index_cast %sub3A_614 : i32 to index
      %get3A_616 = arith.index_cast %squeeze3A_610 : i32 to index
      %get3A_617 = tpu.vector_load %arg11[%get3A_615, %get3A_616] {strides = array<i32>} : memref<256x128xf32, #tpu.memory_space<vmem>>, vector<1x16xf32>,
      %get3A_618 = vector.shape_cast %get3A_617 : vector<1x16xf32> to vector<16xf32>
      %sub3A_619 = arith.constant 0 : i32
      %sub3A_620 = arith.subi %add3A_608, %sub3A_619 : i32
      %get3A_621 = arith.index_cast %sub3A_620 : i32 to index
      %get3A_622 = arith.index_cast %squeeze3A_612 : i32 to index
      %get3A_623 = tpu.vector_load %arg12[%get3A_621, %get3A_622] {strides = array<i32>} : memref<256x128xf32, #tpu.memory_space<vmem>>, vector<1x16xf32>,
      %get3A_624 = vector.shape_cast %get3A_623 : vector<1x16xf32> to vector<16xf32>
      %sub3A_625 = arith.constant 0 : i32
      %sub3A_626 = arith.subi %add3A_608, %sub3A_625 : i32
      %add3A_627 = arith.constant 16 : i32
      %add3A_628 = arith.addi %squeeze3A_610, %add3A_627 : i32
      %get3A_629 = arith.index_cast %sub3A_626 : i32 to index
      %get3A_630 = arith.index_cast %add3A_628 : i32 to index
      %get3A_631 = tpu.vector_load %arg11[%get3A_629, %get3A_630] {strides = array<i32>} : memref<256x128xf32, #tpu.memory_space<vmem>>, vector<1x16xf32>,
      %get3A_632 = vector.shape_cast %get3A_631 : vector<1x16xf32> to vector<16xf32>
      %sub3A_633 = arith.constant 0 : i32
      %sub3A_634 = arith.subi %add3A_608, %sub3A_633 : i32
      %add3A_635 = arith.constant 16 : i32
      %add3A_636 = arith.addi %squeeze3A_612, %add3A_635 : i32
      %get3A_637 = arith.index_cast %sub3A_634 : i32 to index
      %get3A_638 = arith.index_cast %add3A_636 : i32 to index
      %get3A_639 = tpu.vector_load %arg12[%get3A_637, %get3A_638] {strides = array<i32>} : memref<256x128xf32, #tpu.memory_space<vmem>>, vector<1x16xf32>,
      %get3A_640 = vector.shape_cast %get3A_639 : vector<1x16xf32> to vector<16xf32>
      %mul3A_641 = arith.mulf %get3A_618, %get3A_624 : vector<16xf32>
      %mul3A_642 = arith.mulf %get3A_632, %get3A_640 : vector<16xf32>
      %add3A_643 = arith.addf %mul3A_641, %mul3A_642 : vector<16xf32>
      %gather3A_644 = vector.shape_cast %reshape3A : vector<16x1xi32> to vector<16xi32>
      %gather3A_645 = tpu.dynamic_gather %add3A_643[%gather3A_644] in [0] : vector<16xf32>, vector<16xi32> -> vector<16xf32>
      %add3A_646 = arith.addf %add3A_643, %gather3A_645 : vector<16xf32>
      %gather3A_647 = vector.shape_cast %reshape3A_13 : vector<16x1xi32> to vector<16xi32>
      %gather3A_648 = tpu.dynamic_gather %add3A_646[%gather3A_647] in [0] : vector<16xf32>, vector<16xi32> -> vector<16xf32>
      %add3A_649 = arith.addf %add3A_646, %gather3A_648 : vector<16xf32>
      %gather3A_650 = vector.shape_cast %reshape3A_17 : vector<16x1xi32> to vector<16xi32>
      %gather3A_651 = tpu.dynamic_gather %add3A_649[%gather3A_650] in [0] : vector<16xf32>, vector<16xi32> -> vector<16xf32>
      %add3A_652 = arith.addf %add3A_649, %gather3A_651 : vector<16xf32>
      %gather3A_653 = vector.shape_cast %reshape3A_21 : vector<16x1xi32> to vector<16xi32>
      %gather3A_654 = tpu.dynamic_gather %add3A_652[%gather3A_653] in [0] : vector<16xf32>, vector<16xi32> -> vector<16xf32>
      %add3A_655 = arith.addf %add3A_652, %gather3A_654 : vector<16xf32>
      %eq3A_656 = arith.constant 10 : i32
      %eq3A_657 = vector.broadcast %eq3A_656 : i32 to vector<16xi32>
      %eq3A_658 = arith.cmpi eq, %iota3A, %eq3A_657 : vector<16xi32>
      %select_n3A_659 = arith.select %eq3A_658, %add3A_655, %select_n3A_606 : vector<16xi1>, vector<16xf32>
      %add3A_660 = arith.constant 11 : i32
      %add3A_661 = arith.addi %add3A_76, %add3A_660 : i32
      %slice3A_662 = vector.extract_strided_slice %get3A_78 {offsets = [11], sizes = [1], strides = [1]} : vector<16xi32> to vector<1xi32>
      %squeeze3A_663 = vector.extract %slice3A_662[0] : i32 from vector<1xi32>
      %slice3A_664 = vector.extract_strided_slice %get3A_81 {offsets = [11], sizes = [1], strides = [1]} : vector<16xi32> to vector<1xi32>
      %squeeze3A_665 = vector.extract %slice3A_664[0] : i32 from vector<1xi32>
      %sub3A_666 = arith.constant 0 : i32
      %sub3A_667 = arith.subi %add3A_661, %sub3A_666 : i32
      %get3A_668 = arith.index_cast %sub3A_667 : i32 to index
      %get3A_669 = arith.index_cast %squeeze3A_663 : i32 to index
      %get3A_670 = tpu.vector_load %arg11[%get3A_668, %get3A_669] {strides = array<i32>} : memref<256x128xf32, #tpu.memory_space<vmem>>, vector<1x16xf32>,
      %get3A_671 = vector.shape_cast %get3A_670 : vector<1x16xf32> to vector<16xf32>
      %sub3A_672 = arith.constant 0 : i32
      %sub3A_673 = arith.subi %add3A_661, %sub3A_672 : i32
      %get3A_674 = arith.index_cast %sub3A_673 : i32 to index
      %get3A_675 = arith.index_cast %squeeze3A_665 : i32 to index
      %get3A_676 = tpu.vector_load %arg12[%get3A_674, %get3A_675] {strides = array<i32>} : memref<256x128xf32, #tpu.memory_space<vmem>>, vector<1x16xf32>,
      %get3A_677 = vector.shape_cast %get3A_676 : vector<1x16xf32> to vector<16xf32>
      %sub3A_678 = arith.constant 0 : i32
      %sub3A_679 = arith.subi %add3A_661, %sub3A_678 : i32
      %add3A_680 = arith.constant 16 : i32
      %add3A_681 = arith.addi %squeeze3A_663, %add3A_680 : i32
      %get3A_682 = arith.index_cast %sub3A_679 : i32 to index
      %get3A_683 = arith.index_cast %add3A_681 : i32 to index
      %get3A_684 = tpu.vector_load %arg11[%get3A_682, %get3A_683] {strides = array<i32>} : memref<256x128xf32, #tpu.memory_space<vmem>>, vector<1x16xf32>,
      %get3A_685 = vector.shape_cast %get3A_684 : vector<1x16xf32> to vector<16xf32>
      %sub3A_686 = arith.constant 0 : i32
      %sub3A_687 = arith.subi %add3A_661, %sub3A_686 : i32
      %add3A_688 = arith.constant 16 : i32
      %add3A_689 = arith.addi %squeeze3A_665, %add3A_688 : i32
      %get3A_690 = arith.index_cast %sub3A_687 : i32 to index
      %get3A_691 = arith.index_cast %add3A_689 : i32 to index
      %get3A_692 = tpu.vector_load %arg12[%get3A_690, %get3A_691] {strides = array<i32>} : memref<256x128xf32, #tpu.memory_space<vmem>>, vector<1x16xf32>,
      %get3A_693 = vector.shape_cast %get3A_692 : vector<1x16xf32> to vector<16xf32>
      %mul3A_694 = arith.mulf %get3A_671, %get3A_677 : vector<16xf32>
      %mul3A_695 = arith.mulf %get3A_685, %get3A_693 : vector<16xf32>
      %add3A_696 = arith.addf %mul3A_694, %mul3A_695 : vector<16xf32>
      %gather3A_697 = vector.shape_cast %reshape3A : vector<16x1xi32> to vector<16xi32>
      %gather3A_698 = tpu.dynamic_gather %add3A_696[%gather3A_697] in [0] : vector<16xf32>, vector<16xi32> -> vector<16xf32>
      %add3A_699 = arith.addf %add3A_696, %gather3A_698 : vector<16xf32>
      %gather3A_700 = vector.shape_cast %reshape3A_13 : vector<16x1xi32> to vector<16xi32>
      %gather3A_701 = tpu.dynamic_gather %add3A_699[%gather3A_700] in [0] : vector<16xf32>, vector<16xi32> -> vector<16xf32>
      %add3A_702 = arith.addf %add3A_699, %gather3A_701 : vector<16xf32>
      %gather3A_703 = vector.shape_cast %reshape3A_17 : vector<16x1xi32> to vector<16xi32>
      %gather3A_704 = tpu.dynamic_gather %add3A_702[%gather3A_703] in [0] : vector<16xf32>, vector<16xi32> -> vector<16xf32>
      %add3A_705 = arith.addf %add3A_702, %gather3A_704 : vector<16xf32>
      %gather3A_706 = vector.shape_cast %reshape3A_21 : vector<16x1xi32> to vector<16xi32>
      %gather3A_707 = tpu.dynamic_gather %add3A_705[%gather3A_706] in [0] : vector<16xf32>, vector<16xi32> -> vector<16xf32>
      %add3A_708 = arith.addf %add3A_705, %gather3A_707 : vector<16xf32>
      %eq3A_709 = arith.constant 11 : i32
      %eq3A_710 = vector.broadcast %eq3A_709 : i32 to vector<16xi32>
      %eq3A_711 = arith.cmpi eq, %iota3A, %eq3A_710 : vector<16xi32>
      %select_n3A_712 = arith.select %eq3A_711, %add3A_708, %select_n3A_659 : vector<16xi1>, vector<16xf32>
      %add3A_713 = arith.constant 12 : i32
      %add3A_714 = arith.addi %add3A_76, %add3A_713 : i32
      %slice3A_715 = vector.extract_strided_slice %get3A_78 {offsets = [12], sizes = [1], strides = [1]} : vector<16xi32> to vector<1xi32>
      %squeeze3A_716 = vector.extract %slice3A_715[0] : i32 from vector<1xi32>
      %slice3A_717 = vector.extract_strided_slice %get3A_81 {offsets = [12], sizes = [1], strides = [1]} : vector<16xi32> to vector<1xi32>
      %squeeze3A_718 = vector.extract %slice3A_717[0] : i32 from vector<1xi32>
      %sub3A_719 = arith.constant 0 : i32
      %sub3A_720 = arith.subi %add3A_714, %sub3A_719 : i32
      %get3A_721 = arith.index_cast %sub3A_720 : i32 to index
      %get3A_722 = arith.index_cast %squeeze3A_716 : i32 to index
      %get3A_723 = tpu.vector_load %arg11[%get3A_721, %get3A_722] {strides = array<i32>} : memref<256x128xf32, #tpu.memory_space<vmem>>, vector<1x16xf32>,
      %get3A_724 = vector.shape_cast %get3A_723 : vector<1x16xf32> to vector<16xf32>
      %sub3A_725 = arith.constant 0 : i32
      %sub3A_726 = arith.subi %add3A_714, %sub3A_725 : i32
      %get3A_727 = arith.index_cast %sub3A_726 : i32 to index
      %get3A_728 = arith.index_cast %squeeze3A_718 : i32 to index
      %get3A_729 = tpu.vector_load %arg12[%get3A_727, %get3A_728] {strides = array<i32>} : memref<256x128xf32, #tpu.memory_space<vmem>>, vector<1x16xf32>,
      %get3A_730 = vector.shape_cast %get3A_729 : vector<1x16xf32> to vector<16xf32>
      %sub3A_731 = arith.constant 0 : i32
      %sub3A_732 = arith.subi %add3A_714, %sub3A_731 : i32
      %add3A_733 = arith.constant 16 : i32
      %add3A_734 = arith.addi %squeeze3A_716, %add3A_733 : i32
      %get3A_735 = arith.index_cast %sub3A_732 : i32 to index
      %get3A_736 = arith.index_cast %add3A_734 : i32 to index
      %get3A_737 = tpu.vector_load %arg11[%get3A_735, %get3A_736] {strides = array<i32>} : memref<256x128xf32, #tpu.memory_space<vmem>>, vector<1x16xf32>,
      %get3A_738 = vector.shape_cast %get3A_737 : vector<1x16xf32> to vector<16xf32>
      %sub3A_739 = arith.constant 0 : i32
      %sub3A_740 = arith.subi %add3A_714, %sub3A_739 : i32
      %add3A_741 = arith.constant 16 : i32
      %add3A_742 = arith.addi %squeeze3A_718, %add3A_741 : i32
      %get3A_743 = arith.index_cast %sub3A_740 : i32 to index
      %get3A_744 = arith.index_cast %add3A_742 : i32 to index
      %get3A_745 = tpu.vector_load %arg12[%get3A_743, %get3A_744] {strides = array<i32>} : memref<256x128xf32, #tpu.memory_space<vmem>>, vector<1x16xf32>,
      %get3A_746 = vector.shape_cast %get3A_745 : vector<1x16xf32> to vector<16xf32>
      %mul3A_747 = arith.mulf %get3A_724, %get3A_730 : vector<16xf32>
      %mul3A_748 = arith.mulf %get3A_738, %get3A_746 : vector<16xf32>
      %add3A_749 = arith.addf %mul3A_747, %mul3A_748 : vector<16xf32>
      %gather3A_750 = vector.shape_cast %reshape3A : vector<16x1xi32> to vector<16xi32>
      %gather3A_751 = tpu.dynamic_gather %add3A_749[%gather3A_750] in [0] : vector<16xf32>, vector<16xi32> -> vector<16xf32>
      %add3A_752 = arith.addf %add3A_749, %gather3A_751 : vector<16xf32>
      %gather3A_753 = vector.shape_cast %reshape3A_13 : vector<16x1xi32> to vector<16xi32>
      %gather3A_754 = tpu.dynamic_gather %add3A_752[%gather3A_753] in [0] : vector<16xf32>, vector<16xi32> -> vector<16xf32>
      %add3A_755 = arith.addf %add3A_752, %gather3A_754 : vector<16xf32>
      %gather3A_756 = vector.shape_cast %reshape3A_17 : vector<16x1xi32> to vector<16xi32>
      %gather3A_757 = tpu.dynamic_gather %add3A_755[%gather3A_756] in [0] : vector<16xf32>, vector<16xi32> -> vector<16xf32>
      %add3A_758 = arith.addf %add3A_755, %gather3A_757 : vector<16xf32>
      %gather3A_759 = vector.shape_cast %reshape3A_21 : vector<16x1xi32> to vector<16xi32>
      %gather3A_760 = tpu.dynamic_gather %add3A_758[%gather3A_759] in [0] : vector<16xf32>, vector<16xi32> -> vector<16xf32>
      %add3A_761 = arith.addf %add3A_758, %gather3A_760 : vector<16xf32>
      %eq3A_762 = arith.constant 12 : i32
      %eq3A_763 = vector.broadcast %eq3A_762 : i32 to vector<16xi32>
      %eq3A_764 = arith.cmpi eq, %iota3A, %eq3A_763 : vector<16xi32>
      %select_n3A_765 = arith.select %eq3A_764, %add3A_761, %select_n3A_712 : vector<16xi1>, vector<16xf32>
      %add3A_766 = arith.constant 13 : i32
      %add3A_767 = arith.addi %add3A_76, %add3A_766 : i32
      %slice3A_768 = vector.extract_strided_slice %get3A_78 {offsets = [13], sizes = [1], strides = [1]} : vector<16xi32> to vector<1xi32>
      %squeeze3A_769 = vector.extract %slice3A_768[0] : i32 from vector<1xi32>
      %slice3A_770 = vector.extract_strided_slice %get3A_81 {offsets = [13], sizes = [1], strides = [1]} : vector<16xi32> to vector<1xi32>
      %squeeze3A_771 = vector.extract %slice3A_770[0] : i32 from vector<1xi32>
      %sub3A_772 = arith.constant 0 : i32
      %sub3A_773 = arith.subi %add3A_767, %sub3A_772 : i32
      %get3A_774 = arith.index_cast %sub3A_773 : i32 to index
      %get3A_775 = arith.index_cast %squeeze3A_769 : i32 to index
      %get3A_776 = tpu.vector_load %arg11[%get3A_774, %get3A_775] {strides = array<i32>} : memref<256x128xf32, #tpu.memory_space<vmem>>, vector<1x16xf32>,
      %get3A_777 = vector.shape_cast %get3A_776 : vector<1x16xf32> to vector<16xf32>
      %sub3A_778 = arith.constant 0 : i32
      %sub3A_779 = arith.subi %add3A_767, %sub3A_778 : i32
      %get3A_780 = arith.index_cast %sub3A_779 : i32 to index
      %get3A_781 = arith.index_cast %squeeze3A_771 : i32 to index
      %get3A_782 = tpu.vector_load %arg12[%get3A_780, %get3A_781] {strides = array<i32>} : memref<256x128xf32, #tpu.memory_space<vmem>>, vector<1x16xf32>,
      %get3A_783 = vector.shape_cast %get3A_782 : vector<1x16xf32> to vector<16xf32>
      %sub3A_784 = arith.constant 0 : i32
      %sub3A_785 = arith.subi %add3A_767, %sub3A_784 : i32
      %add3A_786 = arith.constant 16 : i32
      %add3A_787 = arith.addi %squeeze3A_769, %add3A_786 : i32
      %get3A_788 = arith.index_cast %sub3A_785 : i32 to index
      %get3A_789 = arith.index_cast %add3A_787 : i32 to index
      %get3A_790 = tpu.vector_load %arg11[%get3A_788, %get3A_789] {strides = array<i32>} : memref<256x128xf32, #tpu.memory_space<vmem>>, vector<1x16xf32>,
      %get3A_791 = vector.shape_cast %get3A_790 : vector<1x16xf32> to vector<16xf32>
      %sub3A_792 = arith.constant 0 : i32
      %sub3A_793 = arith.subi %add3A_767, %sub3A_792 : i32
      %add3A_794 = arith.constant 16 : i32
      %add3A_795 = arith.addi %squeeze3A_771, %add3A_794 : i32
      %get3A_796 = arith.index_cast %sub3A_793 : i32 to index
      %get3A_797 = arith.index_cast %add3A_795 : i32 to index
      %get3A_798 = tpu.vector_load %arg12[%get3A_796, %get3A_797] {strides = array<i32>} : memref<256x128xf32, #tpu.memory_space<vmem>>, vector<1x16xf32>,
      %get3A_799 = vector.shape_cast %get3A_798 : vector<1x16xf32> to vector<16xf32>
      %mul3A_800 = arith.mulf %get3A_777, %get3A_783 : vector<16xf32>
      %mul3A_801 = arith.mulf %get3A_791, %get3A_799 : vector<16xf32>
      %add3A_802 = arith.addf %mul3A_800, %mul3A_801 : vector<16xf32>
      %gather3A_803 = vector.shape_cast %reshape3A : vector<16x1xi32> to vector<16xi32>
      %gather3A_804 = tpu.dynamic_gather %add3A_802[%gather3A_803] in [0] : vector<16xf32>, vector<16xi32> -> vector<16xf32>
      %add3A_805 = arith.addf %add3A_802, %gather3A_804 : vector<16xf32>
      %gather3A_806 = vector.shape_cast %reshape3A_13 : vector<16x1xi32> to vector<16xi32>
      %gather3A_807 = tpu.dynamic_gather %add3A_805[%gather3A_806] in [0] : vector<16xf32>, vector<16xi32> -> vector<16xf32>
      %add3A_808 = arith.addf %add3A_805, %gather3A_807 : vector<16xf32>
      %gather3A_809 = vector.shape_cast %reshape3A_17 : vector<16x1xi32> to vector<16xi32>
      %gather3A_810 = tpu.dynamic_gather %add3A_808[%gather3A_809] in [0] : vector<16xf32>, vector<16xi32> -> vector<16xf32>
      %add3A_811 = arith.addf %add3A_808, %gather3A_810 : vector<16xf32>
      %gather3A_812 = vector.shape_cast %reshape3A_21 : vector<16x1xi32> to vector<16xi32>
      %gather3A_813 = tpu.dynamic_gather %add3A_811[%gather3A_812] in [0] : vector<16xf32>, vector<16xi32> -> vector<16xf32>
      %add3A_814 = arith.addf %add3A_811, %gather3A_813 : vector<16xf32>
      %eq3A_815 = arith.constant 13 : i32
      %eq3A_816 = vector.broadcast %eq3A_815 : i32 to vector<16xi32>
      %eq3A_817 = arith.cmpi eq, %iota3A, %eq3A_816 : vector<16xi32>
      %select_n3A_818 = arith.select %eq3A_817, %add3A_814, %select_n3A_765 : vector<16xi1>, vector<16xf32>
      %add3A_819 = arith.constant 14 : i32
      %add3A_820 = arith.addi %add3A_76, %add3A_819 : i32
      %slice3A_821 = vector.extract_strided_slice %get3A_78 {offsets = [14], sizes = [1], strides = [1]} : vector<16xi32> to vector<1xi32>
      %squeeze3A_822 = vector.extract %slice3A_821[0] : i32 from vector<1xi32>
      %slice3A_823 = vector.extract_strided_slice %get3A_81 {offsets = [14], sizes = [1], strides = [1]} : vector<16xi32> to vector<1xi32>
      %squeeze3A_824 = vector.extract %slice3A_823[0] : i32 from vector<1xi32>
      %sub3A_825 = arith.constant 0 : i32
      %sub3A_826 = arith.subi %add3A_820, %sub3A_825 : i32
      %get3A_827 = arith.index_cast %sub3A_826 : i32 to index
      %get3A_828 = arith.index_cast %squeeze3A_822 : i32 to index
      %get3A_829 = tpu.vector_load %arg11[%get3A_827, %get3A_828] {strides = array<i32>} : memref<256x128xf32, #tpu.memory_space<vmem>>, vector<1x16xf32>,
      %get3A_830 = vector.shape_cast %get3A_829 : vector<1x16xf32> to vector<16xf32>
      %sub3A_831 = arith.constant 0 : i32
      %sub3A_832 = arith.subi %add3A_820, %sub3A_831 : i32
      %get3A_833 = arith.index_cast %sub3A_832 : i32 to index
      %get3A_834 = arith.index_cast %squeeze3A_824 : i32 to index
      %get3A_835 = tpu.vector_load %arg12[%get3A_833, %get3A_834] {strides = array<i32>} : memref<256x128xf32, #tpu.memory_space<vmem>>, vector<1x16xf32>,
      %get3A_836 = vector.shape_cast %get3A_835 : vector<1x16xf32> to vector<16xf32>
      %sub3A_837 = arith.constant 0 : i32
      %sub3A_838 = arith.subi %add3A_820, %sub3A_837 : i32
      %add3A_839 = arith.constant 16 : i32
      %add3A_840 = arith.addi %squeeze3A_822, %add3A_839 : i32
      %get3A_841 = arith.index_cast %sub3A_838 : i32 to index
      %get3A_842 = arith.index_cast %add3A_840 : i32 to index
      %get3A_843 = tpu.vector_load %arg11[%get3A_841, %get3A_842] {strides = array<i32>} : memref<256x128xf32, #tpu.memory_space<vmem>>, vector<1x16xf32>,
      %get3A_844 = vector.shape_cast %get3A_843 : vector<1x16xf32> to vector<16xf32>
      %sub3A_845 = arith.constant 0 : i32
      %sub3A_846 = arith.subi %add3A_820, %sub3A_845 : i32
      %add3A_847 = arith.constant 16 : i32
      %add3A_848 = arith.addi %squeeze3A_824, %add3A_847 : i32
      %get3A_849 = arith.index_cast %sub3A_846 : i32 to index
      %get3A_850 = arith.index_cast %add3A_848 : i32 to index
      %get3A_851 = tpu.vector_load %arg12[%get3A_849, %get3A_850] {strides = array<i32>} : memref<256x128xf32, #tpu.memory_space<vmem>>, vector<1x16xf32>,
      %get3A_852 = vector.shape_cast %get3A_851 : vector<1x16xf32> to vector<16xf32>
      %mul3A_853 = arith.mulf %get3A_830, %get3A_836 : vector<16xf32>
      %mul3A_854 = arith.mulf %get3A_844, %get3A_852 : vector<16xf32>
      %add3A_855 = arith.addf %mul3A_853, %mul3A_854 : vector<16xf32>
      %gather3A_856 = vector.shape_cast %reshape3A : vector<16x1xi32> to vector<16xi32>
      %gather3A_857 = tpu.dynamic_gather %add3A_855[%gather3A_856] in [0] : vector<16xf32>, vector<16xi32> -> vector<16xf32>
      %add3A_858 = arith.addf %add3A_855, %gather3A_857 : vector<16xf32>
      %gather3A_859 = vector.shape_cast %reshape3A_13 : vector<16x1xi32> to vector<16xi32>
      %gather3A_860 = tpu.dynamic_gather %add3A_858[%gather3A_859] in [0] : vector<16xf32>, vector<16xi32> -> vector<16xf32>
      %add3A_861 = arith.addf %add3A_858, %gather3A_860 : vector<16xf32>
      %gather3A_862 = vector.shape_cast %reshape3A_17 : vector<16x1xi32> to vector<16xi32>
      %gather3A_863 = tpu.dynamic_gather %add3A_861[%gather3A_862] in [0] : vector<16xf32>, vector<16xi32> -> vector<16xf32>
      %add3A_864 = arith.addf %add3A_861, %gather3A_863 : vector<16xf32>
      %gather3A_865 = vector.shape_cast %reshape3A_21 : vector<16x1xi32> to vector<16xi32>
      %gather3A_866 = tpu.dynamic_gather %add3A_864[%gather3A_865] in [0] : vector<16xf32>, vector<16xi32> -> vector<16xf32>
      %add3A_867 = arith.addf %add3A_864, %gather3A_866 : vector<16xf32>
      %eq3A_868 = arith.constant 14 : i32
      %eq3A_869 = vector.broadcast %eq3A_868 : i32 to vector<16xi32>
      %eq3A_870 = arith.cmpi eq, %iota3A, %eq3A_869 : vector<16xi32>
      %select_n3A_871 = arith.select %eq3A_870, %add3A_867, %select_n3A_818 : vector<16xi1>, vector<16xf32>
      %add3A_872 = arith.constant 15 : i32
      %add3A_873 = arith.addi %add3A_76, %add3A_872 : i32
      %slice3A_874 = vector.extract_strided_slice %get3A_78 {offsets = [15], sizes = [1], strides = [1]} : vector<16xi32> to vector<1xi32>
      %squeeze3A_875 = vector.extract %slice3A_874[0] : i32 from vector<1xi32>
      %slice3A_876 = vector.extract_strided_slice %get3A_81 {offsets = [15], sizes = [1], strides = [1]} : vector<16xi32> to vector<1xi32>
      %squeeze3A_877 = vector.extract %slice3A_876[0] : i32 from vector<1xi32>
      %sub3A_878 = arith.constant 0 : i32
      %sub3A_879 = arith.subi %add3A_873, %sub3A_878 : i32
      %get3A_880 = arith.index_cast %sub3A_879 : i32 to index
      %get3A_881 = arith.index_cast %squeeze3A_875 : i32 to index
      %get3A_882 = tpu.vector_load %arg11[%get3A_880, %get3A_881] {strides = array<i32>} : memref<256x128xf32, #tpu.memory_space<vmem>>, vector<1x16xf32>,
      %get3A_883 = vector.shape_cast %get3A_882 : vector<1x16xf32> to vector<16xf32>
      %sub3A_884 = arith.constant 0 : i32
      %sub3A_885 = arith.subi %add3A_873, %sub3A_884 : i32
      %get3A_886 = arith.index_cast %sub3A_885 : i32 to index
      %get3A_887 = arith.index_cast %squeeze3A_877 : i32 to index
      %get3A_888 = tpu.vector_load %arg12[%get3A_886, %get3A_887] {strides = array<i32>} : memref<256x128xf32, #tpu.memory_space<vmem>>, vector<1x16xf32>,
      %get3A_889 = vector.shape_cast %get3A_888 : vector<1x16xf32> to vector<16xf32>
      %sub3A_890 = arith.constant 0 : i32
      %sub3A_891 = arith.subi %add3A_873, %sub3A_890 : i32
      %add3A_892 = arith.constant 16 : i32
      %add3A_893 = arith.addi %squeeze3A_875, %add3A_892 : i32
      %get3A_894 = arith.index_cast %sub3A_891 : i32 to index
      %get3A_895 = arith.index_cast %add3A_893 : i32 to index
      %get3A_896 = tpu.vector_load %arg11[%get3A_894, %get3A_895] {strides = array<i32>} : memref<256x128xf32, #tpu.memory_space<vmem>>, vector<1x16xf32>,
      %get3A_897 = vector.shape_cast %get3A_896 : vector<1x16xf32> to vector<16xf32>
      %sub3A_898 = arith.constant 0 : i32
      %sub3A_899 = arith.subi %add3A_873, %sub3A_898 : i32
      %add3A_900 = arith.constant 16 : i32
      %add3A_901 = arith.addi %squeeze3A_877, %add3A_900 : i32
      %get3A_902 = arith.index_cast %sub3A_899 : i32 to index
      %get3A_903 = arith.index_cast %add3A_901 : i32 to index
      %get3A_904 = tpu.vector_load %arg12[%get3A_902, %get3A_903] {strides = array<i32>} : memref<256x128xf32, #tpu.memory_space<vmem>>, vector<1x16xf32>,
      %get3A_905 = vector.shape_cast %get3A_904 : vector<1x16xf32> to vector<16xf32>
      %mul3A_906 = arith.mulf %get3A_883, %get3A_889 : vector<16xf32>
      %mul3A_907 = arith.mulf %get3A_897, %get3A_905 : vector<16xf32>
      %add3A_908 = arith.addf %mul3A_906, %mul3A_907 : vector<16xf32>
      %gather3A_909 = vector.shape_cast %reshape3A : vector<16x1xi32> to vector<16xi32>
      %gather3A_910 = tpu.dynamic_gather %add3A_908[%gather3A_909] in [0] : vector<16xf32>, vector<16xi32> -> vector<16xf32>
      %add3A_911 = arith.addf %add3A_908, %gather3A_910 : vector<16xf32>
      %gather3A_912 = vector.shape_cast %reshape3A_13 : vector<16x1xi32> to vector<16xi32>
      %gather3A_913 = tpu.dynamic_gather %add3A_911[%gather3A_912] in [0] : vector<16xf32>, vector<16xi32> -> vector<16xf32>
      %add3A_914 = arith.addf %add3A_911, %gather3A_913 : vector<16xf32>
      %gather3A_915 = vector.shape_cast %reshape3A_17 : vector<16x1xi32> to vector<16xi32>
      %gather3A_916 = tpu.dynamic_gather %add3A_914[%gather3A_915] in [0] : vector<16xf32>, vector<16xi32> -> vector<16xf32>
      %add3A_917 = arith.addf %add3A_914, %gather3A_916 : vector<16xf32>
      %gather3A_918 = vector.shape_cast %reshape3A_21 : vector<16x1xi32> to vector<16xi32>
      %gather3A_919 = tpu.dynamic_gather %add3A_917[%gather3A_918] in [0] : vector<16xf32>, vector<16xi32> -> vector<16xf32>
      %add3A_920 = arith.addf %add3A_917, %gather3A_919 : vector<16xf32>
      %eq3A_921 = arith.constant 15 : i32
      %eq3A_922 = vector.broadcast %eq3A_921 : i32 to vector<16xi32>
      %eq3A_923 = arith.cmpi eq, %iota3A, %eq3A_922 : vector<16xi32>
      %select_n3A_924 = arith.select %eq3A_923, %add3A_920, %select_n3A_871 : vector<16xi1>, vector<16xf32>
      %swap3A = arith.index_cast %add3A_76 : i32 to index
      %swap3A_925 = tpu.vector_load %arg13[%swap3A] {strides = array<i32>} : memref<512xf32, #tpu.memory_space<vmem>>, vector<16xf32>,
      %swap3A_926 = vector.shape_cast %swap3A_925 : vector<16xf32> to vector<16xf32>
      %swap3A_927 = vector.shape_cast %select_n3A_924 : vector<16xf32> to vector<16xf32>
      tpu.vector_store %arg13[%swap3A], %swap3A_927 {strides = array<i32>} : memref<512xf32, #tpu.memory_space<vmem>>, vector<16xf32>,
    }
    %scan3A_45 = arith.constant 16 : i32
    %dma_start3A_46 = arith.constant 256 : i32
    %dma_start3A_47 = tpu.memref_slice %arg9[%dma_start3A_46] : memref<512xi32, #tpu.memory_space<vmem>> -> memref<256xi32, #tpu.memory_space<vmem>>
    %dma_start3A_48 = arith.constant 0 : i32
    %dma_start3A_49 = arith.constant 0 : i32
    %dma_start3A_50 = tpu.memref_slice %arg4[%dma_start3A_48, %dma_start3A_49] : memref<250000x128xf32, #tpu.memory_space<hbm>> -> memref<250000x128xf32, #tpu.memory_space<hbm>>
    tpu.enqueue_indirect_dma source(%dma_start3A_50 : memref<250000x128xf32, #tpu.memory_space<hbm>>) target(%arg11 : memref<256x128xf32, #tpu.memory_space<vmem>>) offsets(%dma_start3A_47 : memref<256xi32, #tpu.memory_space<vmem>>) semaphore(%arg14 : memref<!tpu.dma_semaphore, #tpu.memory_space<semaphore_mem>>)
    %dma_start3A_51 = arith.constant 256 : i32
    %dma_start3A_52 = tpu.memref_slice %arg10[%dma_start3A_51] : memref<512xi32, #tpu.memory_space<vmem>> -> memref<256xi32, #tpu.memory_space<vmem>>
    %dma_start3A_53 = arith.constant 0 : i32
    %dma_start3A_54 = arith.constant 0 : i32
    %dma_start3A_55 = tpu.memref_slice %arg5[%dma_start3A_53, %dma_start3A_54] : memref<250000x128xf32, #tpu.memory_space<hbm>> -> memref<250000x128xf32, #tpu.memory_space<hbm>>
    tpu.enqueue_indirect_dma source(%dma_start3A_55 : memref<250000x128xf32, #tpu.memory_space<hbm>>) target(%arg12 : memref<256x128xf32, #tpu.memory_space<vmem>>) offsets(%dma_start3A_52 : memref<256xi32, #tpu.memory_space<vmem>>) semaphore(%arg14 : memref<!tpu.dma_semaphore, #tpu.memory_space<semaphore_mem>>)
    %dma_wait3A_56 = arith.constant 256 : i32
    %dma_wait3A_57 = tpu.memref_slice %arg9[%dma_wait3A_56] : memref<512xi32, #tpu.memory_space<vmem>> -> memref<256xi32, #tpu.memory_space<vmem>>
    %dma_wait3A_58 = arith.constant 0 : i32
    %dma_wait3A_59 = arith.constant 0 : i32
    %dma_wait3A_60 = tpu.memref_slice %arg4[%dma_wait3A_58, %dma_wait3A_59] : memref<250000x128xf32, #tpu.memory_space<hbm>> -> memref<250000x128xf32, #tpu.memory_space<hbm>>
    tpu.wait_indirect_dma semaphore(%arg14 : memref<!tpu.dma_semaphore, #tpu.memory_space<semaphore_mem>>) src(%dma_wait3A_60 : memref<250000x128xf32, #tpu.memory_space<hbm>>) dst(%arg11 : memref<256x128xf32, #tpu.memory_space<vmem>>)
    %dma_wait3A_61 = arith.constant 256 : i32
    %dma_wait3A_62 = tpu.memref_slice %arg10[%dma_wait3A_61] : memref<512xi32, #tpu.memory_space<vmem>> -> memref<256xi32, #tpu.memory_space<vmem>>
    %dma_wait3A_63 = arith.constant 0 : i32
    %dma_wait3A_64 = arith.constant 0 : i32
    %dma_wait3A_65 = tpu.memref_slice %arg5[%dma_wait3A_63, %dma_wait3A_64] : memref<250000x128xf32, #tpu.memory_space<hbm>> -> memref<250000x128xf32, #tpu.memory_space<hbm>>
    tpu.wait_indirect_dma semaphore(%arg14 : memref<!tpu.dma_semaphore, #tpu.memory_space<semaphore_mem>>) src(%dma_wait3A_65 : memref<250000x128xf32, #tpu.memory_space<hbm>>) dst(%arg12 : memref<256x128xf32, #tpu.memory_space<vmem>>)
    %scan3A_66 = arith.constant 0 : i32
    %scan3A_67 = arith.constant 0 : i32
    %scan3A_68 = arith.constant 16 : i32
    %scan3A_69 = arith.addi %scan3A_67, %scan3A_68 : i32
    %scan3A_70 = arith.constant 1 : i32
    scf.for %scan3A_72 = %scan3A_67 to %scan3A_69 step %scan3A_70  : i32 {
      %mul3A_73 = arith.constant 16 : i32
      %mul3A_74 = arith.muli %scan3A_72, %mul3A_73 : i32
      %add3A_75 = arith.constant 256 : i32
      %add3A_76 = arith.addi %add3A_75, %mul3A_74 : i32
      %get3A = arith.index_cast %add3A_76 : i32 to index
      %get3A_77 = tpu.vector_load %arg7[%get3A] {strides = array<i32>} : memref<512xi32, #tpu.memory_space<vmem>>, vector<16xi32>,
      %get3A_78 = vector.shape_cast %get3A_77 : vector<16xi32> to vector<16xi32>
      %get3A_79 = arith.index_cast %add3A_76 : i32 to index
      %get3A_80 = tpu.vector_load %arg8[%get3A_79] {strides = array<i32>} : memref<512xi32, #tpu.memory_space<vmem>>, vector<16xi32>,
      %get3A_81 = vector.shape_cast %get3A_80 : vector<16xi32> to vector<16xi32>
      %broadcast_in_dim3A = arith.constant 0.000000e+00 : f32
      %broadcast_in_dim3A_82 = vector.broadcast %broadcast_in_dim3A : f32 to vector<16xf32>
      %add3A_83 = arith.constant 0 : i32
      %add3A_84 = arith.addi %add3A_76, %add3A_83 : i32
      %slice3A = vector.extract_strided_slice %get3A_78 {offsets = [0], sizes = [1], strides = [1]} : vector<16xi32> to vector<1xi32>
      %squeeze3A = vector.extract %slice3A[0] : i32 from vector<1xi32>
      %slice3A_85 = vector.extract_strided_slice %get3A_81 {offsets = [0], sizes = [1], strides = [1]} : vector<16xi32> to vector<1xi32>
      %squeeze3A_86 = vector.extract %slice3A_85[0] : i32 from vector<1xi32>
      %sub3A = arith.constant 256 : i32
      %sub3A_87 = arith.subi %add3A_84, %sub3A : i32
      %get3A_88 = arith.index_cast %sub3A_87 : i32 to index
      %get3A_89 = arith.index_cast %squeeze3A : i32 to index
      %get3A_90 = tpu.vector_load %arg11[%get3A_88, %get3A_89] {strides = array<i32>} : memref<256x128xf32, #tpu.memory_space<vmem>>, vector<1x16xf32>,
      %get3A_91 = vector.shape_cast %get3A_90 : vector<1x16xf32> to vector<16xf32>
      %sub3A_92 = arith.constant 256 : i32
      %sub3A_93 = arith.subi %add3A_84, %sub3A_92 : i32
      %get3A_94 = arith.index_cast %sub3A_93 : i32 to index
      %get3A_95 = arith.index_cast %squeeze3A_86 : i32 to index
      %get3A_96 = tpu.vector_load %arg12[%get3A_94, %get3A_95] {strides = array<i32>} : memref<256x128xf32, #tpu.memory_space<vmem>>, vector<1x16xf32>,
      %get3A_97 = vector.shape_cast %get3A_96 : vector<1x16xf32> to vector<16xf32>
      %sub3A_98 = arith.constant 256 : i32
      %sub3A_99 = arith.subi %add3A_84, %sub3A_98 : i32
      %add3A_100 = arith.constant 16 : i32
      %add3A_101 = arith.addi %squeeze3A, %add3A_100 : i32
      %get3A_102 = arith.index_cast %sub3A_99 : i32 to index
      %get3A_103 = arith.index_cast %add3A_101 : i32 to index
      %get3A_104 = tpu.vector_load %arg11[%get3A_102, %get3A_103] {strides = array<i32>} : memref<256x128xf32, #tpu.memory_space<vmem>>, vector<1x16xf32>,
      %get3A_105 = vector.shape_cast %get3A_104 : vector<1x16xf32> to vector<16xf32>
      %sub3A_106 = arith.constant 256 : i32
      %sub3A_107 = arith.subi %add3A_84, %sub3A_106 : i32
      %add3A_108 = arith.constant 16 : i32
      %add3A_109 = arith.addi %squeeze3A_86, %add3A_108 : i32
      %get3A_110 = arith.index_cast %sub3A_107 : i32 to index
      %get3A_111 = arith.index_cast %add3A_109 : i32 to index
      %get3A_112 = tpu.vector_load %arg12[%get3A_110, %get3A_111] {strides = array<i32>} : memref<256x128xf32, #tpu.memory_space<vmem>>, vector<1x16xf32>,
      %get3A_113 = vector.shape_cast %get3A_112 : vector<1x16xf32> to vector<16xf32>
      %mul3A_114 = arith.mulf %get3A_91, %get3A_97 : vector<16xf32>
      %mul3A_115 = arith.mulf %get3A_105, %get3A_113 : vector<16xf32>
      %add3A_116 = arith.addf %mul3A_114, %mul3A_115 : vector<16xf32>
      %gather3A = vector.shape_cast %reshape3A : vector<16x1xi32> to vector<16xi32>
      %gather3A_117 = tpu.dynamic_gather %add3A_116[%gather3A] in [0] : vector<16xf32>, vector<16xi32> -> vector<16xf32>
      %add3A_118 = arith.addf %add3A_116, %gather3A_117 : vector<16xf32>
      %gather3A_119 = vector.shape_cast %reshape3A_13 : vector<16x1xi32> to vector<16xi32>
      %gather3A_120 = tpu.dynamic_gather %add3A_118[%gather3A_119] in [0] : vector<16xf32>, vector<16xi32> -> vector<16xf32>
      %add3A_121 = arith.addf %add3A_118, %gather3A_120 : vector<16xf32>
      %gather3A_122 = vector.shape_cast %reshape3A_17 : vector<16x1xi32> to vector<16xi32>
      %gather3A_123 = tpu.dynamic_gather %add3A_121[%gather3A_122] in [0] : vector<16xf32>, vector<16xi32> -> vector<16xf32>
      %add3A_124 = arith.addf %add3A_121, %gather3A_123 : vector<16xf32>
      %gather3A_125 = vector.shape_cast %reshape3A_21 : vector<16x1xi32> to vector<16xi32>
      %gather3A_126 = tpu.dynamic_gather %add3A_124[%gather3A_125] in [0] : vector<16xf32>, vector<16xi32> -> vector<16xf32>
      %add3A_127 = arith.addf %add3A_124, %gather3A_126 : vector<16xf32>
      %eq3A = arith.constant 0 : i32
      %eq3A_128 = vector.broadcast %eq3A : i32 to vector<16xi32>
      %eq3A_129 = arith.cmpi eq, %iota3A, %eq3A_128 : vector<16xi32>
      %select_n3A = arith.select %eq3A_129, %add3A_127, %broadcast_in_dim3A_82 : vector<16xi1>, vector<16xf32>
      %add3A_130 = arith.constant 1 : i32
      %add3A_131 = arith.addi %add3A_76, %add3A_130 : i32
      %slice3A_132 = vector.extract_strided_slice %get3A_78 {offsets = [1], sizes = [1], strides = [1]} : vector<16xi32> to vector<1xi32>
      %squeeze3A_133 = vector.extract %slice3A_132[0] : i32 from vector<1xi32>
      %slice3A_134 = vector.extract_strided_slice %get3A_81 {offsets = [1], sizes = [1], strides = [1]} : vector<16xi32> to vector<1xi32>
      %squeeze3A_135 = vector.extract %slice3A_134[0] : i32 from vector<1xi32>
      %sub3A_136 = arith.constant 256 : i32
      %sub3A_137 = arith.subi %add3A_131, %sub3A_136 : i32
      %get3A_138 = arith.index_cast %sub3A_137 : i32 to index
      %get3A_139 = arith.index_cast %squeeze3A_133 : i32 to index
      %get3A_140 = tpu.vector_load %arg11[%get3A_138, %get3A_139] {strides = array<i32>} : memref<256x128xf32, #tpu.memory_space<vmem>>, vector<1x16xf32>,
      %get3A_141 = vector.shape_cast %get3A_140 : vector<1x16xf32> to vector<16xf32>
      %sub3A_142 = arith.constant 256 : i32
      %sub3A_143 = arith.subi %add3A_131, %sub3A_142 : i32
      %get3A_144 = arith.index_cast %sub3A_143 : i32 to index
      %get3A_145 = arith.index_cast %squeeze3A_135 : i32 to index
      %get3A_146 = tpu.vector_load %arg12[%get3A_144, %get3A_145] {strides = array<i32>} : memref<256x128xf32, #tpu.memory_space<vmem>>, vector<1x16xf32>,
      %get3A_147 = vector.shape_cast %get3A_146 : vector<1x16xf32> to vector<16xf32>
      %sub3A_148 = arith.constant 256 : i32
      %sub3A_149 = arith.subi %add3A_131, %sub3A_148 : i32
      %add3A_150 = arith.constant 16 : i32
      %add3A_151 = arith.addi %squeeze3A_133, %add3A_150 : i32
      %get3A_152 = arith.index_cast %sub3A_149 : i32 to index
      %get3A_153 = arith.index_cast %add3A_151 : i32 to index
      %get3A_154 = tpu.vector_load %arg11[%get3A_152, %get3A_153] {strides = array<i32>} : memref<256x128xf32, #tpu.memory_space<vmem>>, vector<1x16xf32>,
      %get3A_155 = vector.shape_cast %get3A_154 : vector<1x16xf32> to vector<16xf32>
      %sub3A_156 = arith.constant 256 : i32
      %sub3A_157 = arith.subi %add3A_131, %sub3A_156 : i32
      %add3A_158 = arith.constant 16 : i32
      %add3A_159 = arith.addi %squeeze3A_135, %add3A_158 : i32
      %get3A_160 = arith.index_cast %sub3A_157 : i32 to index
      %get3A_161 = arith.index_cast %add3A_159 : i32 to index
      %get3A_162 = tpu.vector_load %arg12[%get3A_160, %get3A_161] {strides = array<i32>} : memref<256x128xf32, #tpu.memory_space<vmem>>, vector<1x16xf32>,
      %get3A_163 = vector.shape_cast %get3A_162 : vector<1x16xf32> to vector<16xf32>
      %mul3A_164 = arith.mulf %get3A_141, %get3A_147 : vector<16xf32>
      %mul3A_165 = arith.mulf %get3A_155, %get3A_163 : vector<16xf32>
      %add3A_166 = arith.addf %mul3A_164, %mul3A_165 : vector<16xf32>
      %gather3A_167 = vector.shape_cast %reshape3A : vector<16x1xi32> to vector<16xi32>
      %gather3A_168 = tpu.dynamic_gather %add3A_166[%gather3A_167] in [0] : vector<16xf32>, vector<16xi32> -> vector<16xf32>
      %add3A_169 = arith.addf %add3A_166, %gather3A_168 : vector<16xf32>
      %gather3A_170 = vector.shape_cast %reshape3A_13 : vector<16x1xi32> to vector<16xi32>
      %gather3A_171 = tpu.dynamic_gather %add3A_169[%gather3A_170] in [0] : vector<16xf32>, vector<16xi32> -> vector<16xf32>
      %add3A_172 = arith.addf %add3A_169, %gather3A_171 : vector<16xf32>
      %gather3A_173 = vector.shape_cast %reshape3A_17 : vector<16x1xi32> to vector<16xi32>
      %gather3A_174 = tpu.dynamic_gather %add3A_172[%gather3A_173] in [0] : vector<16xf32>, vector<16xi32> -> vector<16xf32>
      %add3A_175 = arith.addf %add3A_172, %gather3A_174 : vector<16xf32>
      %gather3A_176 = vector.shape_cast %reshape3A_21 : vector<16x1xi32> to vector<16xi32>
      %gather3A_177 = tpu.dynamic_gather %add3A_175[%gather3A_176] in [0] : vector<16xf32>, vector<16xi32> -> vector<16xf32>
      %add3A_178 = arith.addf %add3A_175, %gather3A_177 : vector<16xf32>
      %eq3A_179 = arith.constant 1 : i32
      %eq3A_180 = vector.broadcast %eq3A_179 : i32 to vector<16xi32>
      %eq3A_181 = arith.cmpi eq, %iota3A, %eq3A_180 : vector<16xi32>
      %select_n3A_182 = arith.select %eq3A_181, %add3A_178, %select_n3A : vector<16xi1>, vector<16xf32>
      %add3A_183 = arith.constant 2 : i32
      %add3A_184 = arith.addi %add3A_76, %add3A_183 : i32
      %slice3A_185 = vector.extract_strided_slice %get3A_78 {offsets = [2], sizes = [1], strides = [1]} : vector<16xi32> to vector<1xi32>
      %squeeze3A_186 = vector.extract %slice3A_185[0] : i32 from vector<1xi32>
      %slice3A_187 = vector.extract_strided_slice %get3A_81 {offsets = [2], sizes = [1], strides = [1]} : vector<16xi32> to vector<1xi32>
      %squeeze3A_188 = vector.extract %slice3A_187[0] : i32 from vector<1xi32>
      %sub3A_189 = arith.constant 256 : i32
      %sub3A_190 = arith.subi %add3A_184, %sub3A_189 : i32
      %get3A_191 = arith.index_cast %sub3A_190 : i32 to index
      %get3A_192 = arith.index_cast %squeeze3A_186 : i32 to index
      %get3A_193 = tpu.vector_load %arg11[%get3A_191, %get3A_192] {strides = array<i32>} : memref<256x128xf32, #tpu.memory_space<vmem>>, vector<1x16xf32>,
      %get3A_194 = vector.shape_cast %get3A_193 : vector<1x16xf32> to vector<16xf32>
      %sub3A_195 = arith.constant 256 : i32
      %sub3A_196 = arith.subi %add3A_184, %sub3A_195 : i32
      %get3A_197 = arith.index_cast %sub3A_196 : i32 to index
      %get3A_198 = arith.index_cast %squeeze3A_188 : i32 to index
      %get3A_199 = tpu.vector_load %arg12[%get3A_197, %get3A_198] {strides = array<i32>} : memref<256x128xf32, #tpu.memory_space<vmem>>, vector<1x16xf32>,
      %get3A_200 = vector.shape_cast %get3A_199 : vector<1x16xf32> to vector<16xf32>
      %sub3A_201 = arith.constant 256 : i32
      %sub3A_202 = arith.subi %add3A_184, %sub3A_201 : i32
      %add3A_203 = arith.constant 16 : i32
      %add3A_204 = arith.addi %squeeze3A_186, %add3A_203 : i32
      %get3A_205 = arith.index_cast %sub3A_202 : i32 to index
      %get3A_206 = arith.index_cast %add3A_204 : i32 to index
      %get3A_207 = tpu.vector_load %arg11[%get3A_205, %get3A_206] {strides = array<i32>} : memref<256x128xf32, #tpu.memory_space<vmem>>, vector<1x16xf32>,
      %get3A_208 = vector.shape_cast %get3A_207 : vector<1x16xf32> to vector<16xf32>
      %sub3A_209 = arith.constant 256 : i32
      %sub3A_210 = arith.subi %add3A_184, %sub3A_209 : i32
      %add3A_211 = arith.constant 16 : i32
      %add3A_212 = arith.addi %squeeze3A_188, %add3A_211 : i32
      %get3A_213 = arith.index_cast %sub3A_210 : i32 to index
      %get3A_214 = arith.index_cast %add3A_212 : i32 to index
      %get3A_215 = tpu.vector_load %arg12[%get3A_213, %get3A_214] {strides = array<i32>} : memref<256x128xf32, #tpu.memory_space<vmem>>, vector<1x16xf32>,
      %get3A_216 = vector.shape_cast %get3A_215 : vector<1x16xf32> to vector<16xf32>
      %mul3A_217 = arith.mulf %get3A_194, %get3A_200 : vector<16xf32>
      %mul3A_218 = arith.mulf %get3A_208, %get3A_216 : vector<16xf32>
      %add3A_219 = arith.addf %mul3A_217, %mul3A_218 : vector<16xf32>
      %gather3A_220 = vector.shape_cast %reshape3A : vector<16x1xi32> to vector<16xi32>
      %gather3A_221 = tpu.dynamic_gather %add3A_219[%gather3A_220] in [0] : vector<16xf32>, vector<16xi32> -> vector<16xf32>
      %add3A_222 = arith.addf %add3A_219, %gather3A_221 : vector<16xf32>
      %gather3A_223 = vector.shape_cast %reshape3A_13 : vector<16x1xi32> to vector<16xi32>
      %gather3A_224 = tpu.dynamic_gather %add3A_222[%gather3A_223] in [0] : vector<16xf32>, vector<16xi32> -> vector<16xf32>
      %add3A_225 = arith.addf %add3A_222, %gather3A_224 : vector<16xf32>
      %gather3A_226 = vector.shape_cast %reshape3A_17 : vector<16x1xi32> to vector<16xi32>
      %gather3A_227 = tpu.dynamic_gather %add3A_225[%gather3A_226] in [0] : vector<16xf32>, vector<16xi32> -> vector<16xf32>
      %add3A_228 = arith.addf %add3A_225, %gather3A_227 : vector<16xf32>
      %gather3A_229 = vector.shape_cast %reshape3A_21 : vector<16x1xi32> to vector<16xi32>
      %gather3A_230 = tpu.dynamic_gather %add3A_228[%gather3A_229] in [0] : vector<16xf32>, vector<16xi32> -> vector<16xf32>
      %add3A_231 = arith.addf %add3A_228, %gather3A_230 : vector<16xf32>
      %eq3A_232 = arith.constant 2 : i32
      %eq3A_233 = vector.broadcast %eq3A_232 : i32 to vector<16xi32>
      %eq3A_234 = arith.cmpi eq, %iota3A, %eq3A_233 : vector<16xi32>
      %select_n3A_235 = arith.select %eq3A_234, %add3A_231, %select_n3A_182 : vector<16xi1>, vector<16xf32>
      %add3A_236 = arith.constant 3 : i32
      %add3A_237 = arith.addi %add3A_76, %add3A_236 : i32
      %slice3A_238 = vector.extract_strided_slice %get3A_78 {offsets = [3], sizes = [1], strides = [1]} : vector<16xi32> to vector<1xi32>
      %squeeze3A_239 = vector.extract %slice3A_238[0] : i32 from vector<1xi32>
      %slice3A_240 = vector.extract_strided_slice %get3A_81 {offsets = [3], sizes = [1], strides = [1]} : vector<16xi32> to vector<1xi32>
      %squeeze3A_241 = vector.extract %slice3A_240[0] : i32 from vector<1xi32>
      %sub3A_242 = arith.constant 256 : i32
      %sub3A_243 = arith.subi %add3A_237, %sub3A_242 : i32
      %get3A_244 = arith.index_cast %sub3A_243 : i32 to index
      %get3A_245 = arith.index_cast %squeeze3A_239 : i32 to index
      %get3A_246 = tpu.vector_load %arg11[%get3A_244, %get3A_245] {strides = array<i32>} : memref<256x128xf32, #tpu.memory_space<vmem>>, vector<1x16xf32>,
      %get3A_247 = vector.shape_cast %get3A_246 : vector<1x16xf32> to vector<16xf32>
      %sub3A_248 = arith.constant 256 : i32
      %sub3A_249 = arith.subi %add3A_237, %sub3A_248 : i32
      %get3A_250 = arith.index_cast %sub3A_249 : i32 to index
      %get3A_251 = arith.index_cast %squeeze3A_241 : i32 to index
      %get3A_252 = tpu.vector_load %arg12[%get3A_250, %get3A_251] {strides = array<i32>} : memref<256x128xf32, #tpu.memory_space<vmem>>, vector<1x16xf32>,
      %get3A_253 = vector.shape_cast %get3A_252 : vector<1x16xf32> to vector<16xf32>
      %sub3A_254 = arith.constant 256 : i32
      %sub3A_255 = arith.subi %add3A_237, %sub3A_254 : i32
      %add3A_256 = arith.constant 16 : i32
      %add3A_257 = arith.addi %squeeze3A_239, %add3A_256 : i32
      %get3A_258 = arith.index_cast %sub3A_255 : i32 to index
      %get3A_259 = arith.index_cast %add3A_257 : i32 to index
      %get3A_260 = tpu.vector_load %arg11[%get3A_258, %get3A_259] {strides = array<i32>} : memref<256x128xf32, #tpu.memory_space<vmem>>, vector<1x16xf32>,
      %get3A_261 = vector.shape_cast %get3A_260 : vector<1x16xf32> to vector<16xf32>
      %sub3A_262 = arith.constant 256 : i32
      %sub3A_263 = arith.subi %add3A_237, %sub3A_262 : i32
      %add3A_264 = arith.constant 16 : i32
      %add3A_265 = arith.addi %squeeze3A_241, %add3A_264 : i32
      %get3A_266 = arith.index_cast %sub3A_263 : i32 to index
      %get3A_267 = arith.index_cast %add3A_265 : i32 to index
      %get3A_268 = tpu.vector_load %arg12[%get3A_266, %get3A_267] {strides = array<i32>} : memref<256x128xf32, #tpu.memory_space<vmem>>, vector<1x16xf32>,
      %get3A_269 = vector.shape_cast %get3A_268 : vector<1x16xf32> to vector<16xf32>
      %mul3A_270 = arith.mulf %get3A_247, %get3A_253 : vector<16xf32>
      %mul3A_271 = arith.mulf %get3A_261, %get3A_269 : vector<16xf32>
      %add3A_272 = arith.addf %mul3A_270, %mul3A_271 : vector<16xf32>
      %gather3A_273 = vector.shape_cast %reshape3A : vector<16x1xi32> to vector<16xi32>
      %gather3A_274 = tpu.dynamic_gather %add3A_272[%gather3A_273] in [0] : vector<16xf32>, vector<16xi32> -> vector<16xf32>
      %add3A_275 = arith.addf %add3A_272, %gather3A_274 : vector<16xf32>
      %gather3A_276 = vector.shape_cast %reshape3A_13 : vector<16x1xi32> to vector<16xi32>
      %gather3A_277 = tpu.dynamic_gather %add3A_275[%gather3A_276] in [0] : vector<16xf32>, vector<16xi32> -> vector<16xf32>
      %add3A_278 = arith.addf %add3A_275, %gather3A_277 : vector<16xf32>
      %gather3A_279 = vector.shape_cast %reshape3A_17 : vector<16x1xi32> to vector<16xi32>
      %gather3A_280 = tpu.dynamic_gather %add3A_278[%gather3A_279] in [0] : vector<16xf32>, vector<16xi32> -> vector<16xf32>
      %add3A_281 = arith.addf %add3A_278, %gather3A_280 : vector<16xf32>
      %gather3A_282 = vector.shape_cast %reshape3A_21 : vector<16x1xi32> to vector<16xi32>
      %gather3A_283 = tpu.dynamic_gather %add3A_281[%gather3A_282] in [0] : vector<16xf32>, vector<16xi32> -> vector<16xf32>
      %add3A_284 = arith.addf %add3A_281, %gather3A_283 : vector<16xf32>
      %eq3A_285 = arith.constant 3 : i32
      %eq3A_286 = vector.broadcast %eq3A_285 : i32 to vector<16xi32>
      %eq3A_287 = arith.cmpi eq, %iota3A, %eq3A_286 : vector<16xi32>
      %select_n3A_288 = arith.select %eq3A_287, %add3A_284, %select_n3A_235 : vector<16xi1>, vector<16xf32>
      %add3A_289 = arith.constant 4 : i32
      %add3A_290 = arith.addi %add3A_76, %add3A_289 : i32
      %slice3A_291 = vector.extract_strided_slice %get3A_78 {offsets = [4], sizes = [1], strides = [1]} : vector<16xi32> to vector<1xi32>
      %squeeze3A_292 = vector.extract %slice3A_291[0] : i32 from vector<1xi32>
      %slice3A_293 = vector.extract_strided_slice %get3A_81 {offsets = [4], sizes = [1], strides = [1]} : vector<16xi32> to vector<1xi32>
      %squeeze3A_294 = vector.extract %slice3A_293[0] : i32 from vector<1xi32>
      %sub3A_295 = arith.constant 256 : i32
      %sub3A_296 = arith.subi %add3A_290, %sub3A_295 : i32
      %get3A_297 = arith.index_cast %sub3A_296 : i32 to index
      %get3A_298 = arith.index_cast %squeeze3A_292 : i32 to index
      %get3A_299 = tpu.vector_load %arg11[%get3A_297, %get3A_298] {strides = array<i32>} : memref<256x128xf32, #tpu.memory_space<vmem>>, vector<1x16xf32>,
      %get3A_300 = vector.shape_cast %get3A_299 : vector<1x16xf32> to vector<16xf32>
      %sub3A_301 = arith.constant 256 : i32
      %sub3A_302 = arith.subi %add3A_290, %sub3A_301 : i32
      %get3A_303 = arith.index_cast %sub3A_302 : i32 to index
      %get3A_304 = arith.index_cast %squeeze3A_294 : i32 to index
      %get3A_305 = tpu.vector_load %arg12[%get3A_303, %get3A_304] {strides = array<i32>} : memref<256x128xf32, #tpu.memory_space<vmem>>, vector<1x16xf32>,
      %get3A_306 = vector.shape_cast %get3A_305 : vector<1x16xf32> to vector<16xf32>
      %sub3A_307 = arith.constant 256 : i32
      %sub3A_308 = arith.subi %add3A_290, %sub3A_307 : i32
      %add3A_309 = arith.constant 16 : i32
      %add3A_310 = arith.addi %squeeze3A_292, %add3A_309 : i32
      %get3A_311 = arith.index_cast %sub3A_308 : i32 to index
      %get3A_312 = arith.index_cast %add3A_310 : i32 to index
      %get3A_313 = tpu.vector_load %arg11[%get3A_311, %get3A_312] {strides = array<i32>} : memref<256x128xf32, #tpu.memory_space<vmem>>, vector<1x16xf32>,
      %get3A_314 = vector.shape_cast %get3A_313 : vector<1x16xf32> to vector<16xf32>
      %sub3A_315 = arith.constant 256 : i32
      %sub3A_316 = arith.subi %add3A_290, %sub3A_315 : i32
      %add3A_317 = arith.constant 16 : i32
      %add3A_318 = arith.addi %squeeze3A_294, %add3A_317 : i32
      %get3A_319 = arith.index_cast %sub3A_316 : i32 to index
      %get3A_320 = arith.index_cast %add3A_318 : i32 to index
      %get3A_321 = tpu.vector_load %arg12[%get3A_319, %get3A_320] {strides = array<i32>} : memref<256x128xf32, #tpu.memory_space<vmem>>, vector<1x16xf32>,
      %get3A_322 = vector.shape_cast %get3A_321 : vector<1x16xf32> to vector<16xf32>
      %mul3A_323 = arith.mulf %get3A_300, %get3A_306 : vector<16xf32>
      %mul3A_324 = arith.mulf %get3A_314, %get3A_322 : vector<16xf32>
      %add3A_325 = arith.addf %mul3A_323, %mul3A_324 : vector<16xf32>
      %gather3A_326 = vector.shape_cast %reshape3A : vector<16x1xi32> to vector<16xi32>
      %gather3A_327 = tpu.dynamic_gather %add3A_325[%gather3A_326] in [0] : vector<16xf32>, vector<16xi32> -> vector<16xf32>
      %add3A_328 = arith.addf %add3A_325, %gather3A_327 : vector<16xf32>
      %gather3A_329 = vector.shape_cast %reshape3A_13 : vector<16x1xi32> to vector<16xi32>
      %gather3A_330 = tpu.dynamic_gather %add3A_328[%gather3A_329] in [0] : vector<16xf32>, vector<16xi32> -> vector<16xf32>
      %add3A_331 = arith.addf %add3A_328, %gather3A_330 : vector<16xf32>
      %gather3A_332 = vector.shape_cast %reshape3A_17 : vector<16x1xi32> to vector<16xi32>
      %gather3A_333 = tpu.dynamic_gather %add3A_331[%gather3A_332] in [0] : vector<16xf32>, vector<16xi32> -> vector<16xf32>
      %add3A_334 = arith.addf %add3A_331, %gather3A_333 : vector<16xf32>
      %gather3A_335 = vector.shape_cast %reshape3A_21 : vector<16x1xi32> to vector<16xi32>
      %gather3A_336 = tpu.dynamic_gather %add3A_334[%gather3A_335] in [0] : vector<16xf32>, vector<16xi32> -> vector<16xf32>
      %add3A_337 = arith.addf %add3A_334, %gather3A_336 : vector<16xf32>
      %eq3A_338 = arith.constant 4 : i32
      %eq3A_339 = vector.broadcast %eq3A_338 : i32 to vector<16xi32>
      %eq3A_340 = arith.cmpi eq, %iota3A, %eq3A_339 : vector<16xi32>
      %select_n3A_341 = arith.select %eq3A_340, %add3A_337, %select_n3A_288 : vector<16xi1>, vector<16xf32>
      %add3A_342 = arith.constant 5 : i32
      %add3A_343 = arith.addi %add3A_76, %add3A_342 : i32
      %slice3A_344 = vector.extract_strided_slice %get3A_78 {offsets = [5], sizes = [1], strides = [1]} : vector<16xi32> to vector<1xi32>
      %squeeze3A_345 = vector.extract %slice3A_344[0] : i32 from vector<1xi32>
      %slice3A_346 = vector.extract_strided_slice %get3A_81 {offsets = [5], sizes = [1], strides = [1]} : vector<16xi32> to vector<1xi32>
      %squeeze3A_347 = vector.extract %slice3A_346[0] : i32 from vector<1xi32>
      %sub3A_348 = arith.constant 256 : i32
      %sub3A_349 = arith.subi %add3A_343, %sub3A_348 : i32
      %get3A_350 = arith.index_cast %sub3A_349 : i32 to index
      %get3A_351 = arith.index_cast %squeeze3A_345 : i32 to index
      %get3A_352 = tpu.vector_load %arg11[%get3A_350, %get3A_351] {strides = array<i32>} : memref<256x128xf32, #tpu.memory_space<vmem>>, vector<1x16xf32>,
      %get3A_353 = vector.shape_cast %get3A_352 : vector<1x16xf32> to vector<16xf32>
      %sub3A_354 = arith.constant 256 : i32
      %sub3A_355 = arith.subi %add3A_343, %sub3A_354 : i32
      %get3A_356 = arith.index_cast %sub3A_355 : i32 to index
      %get3A_357 = arith.index_cast %squeeze3A_347 : i32 to index
      %get3A_358 = tpu.vector_load %arg12[%get3A_356, %get3A_357] {strides = array<i32>} : memref<256x128xf32, #tpu.memory_space<vmem>>, vector<1x16xf32>,
      %get3A_359 = vector.shape_cast %get3A_358 : vector<1x16xf32> to vector<16xf32>
      %sub3A_360 = arith.constant 256 : i32
      %sub3A_361 = arith.subi %add3A_343, %sub3A_360 : i32
      %add3A_362 = arith.constant 16 : i32
      %add3A_363 = arith.addi %squeeze3A_345, %add3A_362 : i32
      %get3A_364 = arith.index_cast %sub3A_361 : i32 to index
      %get3A_365 = arith.index_cast %add3A_363 : i32 to index
      %get3A_366 = tpu.vector_load %arg11[%get3A_364, %get3A_365] {strides = array<i32>} : memref<256x128xf32, #tpu.memory_space<vmem>>, vector<1x16xf32>,
      %get3A_367 = vector.shape_cast %get3A_366 : vector<1x16xf32> to vector<16xf32>
      %sub3A_368 = arith.constant 256 : i32
      %sub3A_369 = arith.subi %add3A_343, %sub3A_368 : i32
      %add3A_370 = arith.constant 16 : i32
      %add3A_371 = arith.addi %squeeze3A_347, %add3A_370 : i32
      %get3A_372 = arith.index_cast %sub3A_369 : i32 to index
      %get3A_373 = arith.index_cast %add3A_371 : i32 to index
      %get3A_374 = tpu.vector_load %arg12[%get3A_372, %get3A_373] {strides = array<i32>} : memref<256x128xf32, #tpu.memory_space<vmem>>, vector<1x16xf32>,
      %get3A_375 = vector.shape_cast %get3A_374 : vector<1x16xf32> to vector<16xf32>
      %mul3A_376 = arith.mulf %get3A_353, %get3A_359 : vector<16xf32>
      %mul3A_377 = arith.mulf %get3A_367, %get3A_375 : vector<16xf32>
      %add3A_378 = arith.addf %mul3A_376, %mul3A_377 : vector<16xf32>
      %gather3A_379 = vector.shape_cast %reshape3A : vector<16x1xi32> to vector<16xi32>
      %gather3A_380 = tpu.dynamic_gather %add3A_378[%gather3A_379] in [0] : vector<16xf32>, vector<16xi32> -> vector<16xf32>
      %add3A_381 = arith.addf %add3A_378, %gather3A_380 : vector<16xf32>
      %gather3A_382 = vector.shape_cast %reshape3A_13 : vector<16x1xi32> to vector<16xi32>
      %gather3A_383 = tpu.dynamic_gather %add3A_381[%gather3A_382] in [0] : vector<16xf32>, vector<16xi32> -> vector<16xf32>
      %add3A_384 = arith.addf %add3A_381, %gather3A_383 : vector<16xf32>
      %gather3A_385 = vector.shape_cast %reshape3A_17 : vector<16x1xi32> to vector<16xi32>
      %gather3A_386 = tpu.dynamic_gather %add3A_384[%gather3A_385] in [0] : vector<16xf32>, vector<16xi32> -> vector<16xf32>
      %add3A_387 = arith.addf %add3A_384, %gather3A_386 : vector<16xf32>
      %gather3A_388 = vector.shape_cast %reshape3A_21 : vector<16x1xi32> to vector<16xi32>
      %gather3A_389 = tpu.dynamic_gather %add3A_387[%gather3A_388] in [0] : vector<16xf32>, vector<16xi32> -> vector<16xf32>
      %add3A_390 = arith.addf %add3A_387, %gather3A_389 : vector<16xf32>
      %eq3A_391 = arith.constant 5 : i32
      %eq3A_392 = vector.broadcast %eq3A_391 : i32 to vector<16xi32>
      %eq3A_393 = arith.cmpi eq, %iota3A, %eq3A_392 : vector<16xi32>
      %select_n3A_394 = arith.select %eq3A_393, %add3A_390, %select_n3A_341 : vector<16xi1>, vector<16xf32>
      %add3A_395 = arith.constant 6 : i32
      %add3A_396 = arith.addi %add3A_76, %add3A_395 : i32
      %slice3A_397 = vector.extract_strided_slice %get3A_78 {offsets = [6], sizes = [1], strides = [1]} : vector<16xi32> to vector<1xi32>
      %squeeze3A_398 = vector.extract %slice3A_397[0] : i32 from vector<1xi32>
      %slice3A_399 = vector.extract_strided_slice %get3A_81 {offsets = [6], sizes = [1], strides = [1]} : vector<16xi32> to vector<1xi32>
      %squeeze3A_400 = vector.extract %slice3A_399[0] : i32 from vector<1xi32>
      %sub3A_401 = arith.constant 256 : i32
      %sub3A_402 = arith.subi %add3A_396, %sub3A_401 : i32
      %get3A_403 = arith.index_cast %sub3A_402 : i32 to index
      %get3A_404 = arith.index_cast %squeeze3A_398 : i32 to index
      %get3A_405 = tpu.vector_load %arg11[%get3A_403, %get3A_404] {strides = array<i32>} : memref<256x128xf32, #tpu.memory_space<vmem>>, vector<1x16xf32>,
      %get3A_406 = vector.shape_cast %get3A_405 : vector<1x16xf32> to vector<16xf32>
      %sub3A_407 = arith.constant 256 : i32
      %sub3A_408 = arith.subi %add3A_396, %sub3A_407 : i32
      %get3A_409 = arith.index_cast %sub3A_408 : i32 to index
      %get3A_410 = arith.index_cast %squeeze3A_400 : i32 to index
      %get3A_411 = tpu.vector_load %arg12[%get3A_409, %get3A_410] {strides = array<i32>} : memref<256x128xf32, #tpu.memory_space<vmem>>, vector<1x16xf32>,
      %get3A_412 = vector.shape_cast %get3A_411 : vector<1x16xf32> to vector<16xf32>
      %sub3A_413 = arith.constant 256 : i32
      %sub3A_414 = arith.subi %add3A_396, %sub3A_413 : i32
      %add3A_415 = arith.constant 16 : i32
      %add3A_416 = arith.addi %squeeze3A_398, %add3A_415 : i32
      %get3A_417 = arith.index_cast %sub3A_414 : i32 to index
      %get3A_418 = arith.index_cast %add3A_416 : i32 to index
      %get3A_419 = tpu.vector_load %arg11[%get3A_417, %get3A_418] {strides = array<i32>} : memref<256x128xf32, #tpu.memory_space<vmem>>, vector<1x16xf32>,
      %get3A_420 = vector.shape_cast %get3A_419 : vector<1x16xf32> to vector<16xf32>
      %sub3A_421 = arith.constant 256 : i32
      %sub3A_422 = arith.subi %add3A_396, %sub3A_421 : i32
      %add3A_423 = arith.constant 16 : i32
      %add3A_424 = arith.addi %squeeze3A_400, %add3A_423 : i32
      %get3A_425 = arith.index_cast %sub3A_422 : i32 to index
      %get3A_426 = arith.index_cast %add3A_424 : i32 to index
      %get3A_427 = tpu.vector_load %arg12[%get3A_425, %get3A_426] {strides = array<i32>} : memref<256x128xf32, #tpu.memory_space<vmem>>, vector<1x16xf32>,
      %get3A_428 = vector.shape_cast %get3A_427 : vector<1x16xf32> to vector<16xf32>
      %mul3A_429 = arith.mulf %get3A_406, %get3A_412 : vector<16xf32>
      %mul3A_430 = arith.mulf %get3A_420, %get3A_428 : vector<16xf32>
      %add3A_431 = arith.addf %mul3A_429, %mul3A_430 : vector<16xf32>
      %gather3A_432 = vector.shape_cast %reshape3A : vector<16x1xi32> to vector<16xi32>
      %gather3A_433 = tpu.dynamic_gather %add3A_431[%gather3A_432] in [0] : vector<16xf32>, vector<16xi32> -> vector<16xf32>
      %add3A_434 = arith.addf %add3A_431, %gather3A_433 : vector<16xf32>
      %gather3A_435 = vector.shape_cast %reshape3A_13 : vector<16x1xi32> to vector<16xi32>
      %gather3A_436 = tpu.dynamic_gather %add3A_434[%gather3A_435] in [0] : vector<16xf32>, vector<16xi32> -> vector<16xf32>
      %add3A_437 = arith.addf %add3A_434, %gather3A_436 : vector<16xf32>
      %gather3A_438 = vector.shape_cast %reshape3A_17 : vector<16x1xi32> to vector<16xi32>
      %gather3A_439 = tpu.dynamic_gather %add3A_437[%gather3A_438] in [0] : vector<16xf32>, vector<16xi32> -> vector<16xf32>
      %add3A_440 = arith.addf %add3A_437, %gather3A_439 : vector<16xf32>
      %gather3A_441 = vector.shape_cast %reshape3A_21 : vector<16x1xi32> to vector<16xi32>
      %gather3A_442 = tpu.dynamic_gather %add3A_440[%gather3A_441] in [0] : vector<16xf32>, vector<16xi32> -> vector<16xf32>
      %add3A_443 = arith.addf %add3A_440, %gather3A_442 : vector<16xf32>
      %eq3A_444 = arith.constant 6 : i32
      %eq3A_445 = vector.broadcast %eq3A_444 : i32 to vector<16xi32>
      %eq3A_446 = arith.cmpi eq, %iota3A, %eq3A_445 : vector<16xi32>
      %select_n3A_447 = arith.select %eq3A_446, %add3A_443, %select_n3A_394 : vector<16xi1>, vector<16xf32>
      %add3A_448 = arith.constant 7 : i32
      %add3A_449 = arith.addi %add3A_76, %add3A_448 : i32
      %slice3A_450 = vector.extract_strided_slice %get3A_78 {offsets = [7], sizes = [1], strides = [1]} : vector<16xi32> to vector<1xi32>
      %squeeze3A_451 = vector.extract %slice3A_450[0] : i32 from vector<1xi32>
      %slice3A_452 = vector.extract_strided_slice %get3A_81 {offsets = [7], sizes = [1], strides = [1]} : vector<16xi32> to vector<1xi32>
      %squeeze3A_453 = vector.extract %slice3A_452[0] : i32 from vector<1xi32>
      %sub3A_454 = arith.constant 256 : i32
      %sub3A_455 = arith.subi %add3A_449, %sub3A_454 : i32
      %get3A_456 = arith.index_cast %sub3A_455 : i32 to index
      %get3A_457 = arith.index_cast %squeeze3A_451 : i32 to index
      %get3A_458 = tpu.vector_load %arg11[%get3A_456, %get3A_457] {strides = array<i32>} : memref<256x128xf32, #tpu.memory_space<vmem>>, vector<1x16xf32>,
      %get3A_459 = vector.shape_cast %get3A_458 : vector<1x16xf32> to vector<16xf32>
      %sub3A_460 = arith.constant 256 : i32
      %sub3A_461 = arith.subi %add3A_449, %sub3A_460 : i32
      %get3A_462 = arith.index_cast %sub3A_461 : i32 to index
      %get3A_463 = arith.index_cast %squeeze3A_453 : i32 to index
      %get3A_464 = tpu.vector_load %arg12[%get3A_462, %get3A_463] {strides = array<i32>} : memref<256x128xf32, #tpu.memory_space<vmem>>, vector<1x16xf32>,
      %get3A_465 = vector.shape_cast %get3A_464 : vector<1x16xf32> to vector<16xf32>
      %sub3A_466 = arith.constant 256 : i32
      %sub3A_467 = arith.subi %add3A_449, %sub3A_466 : i32
      %add3A_468 = arith.constant 16 : i32
      %add3A_469 = arith.addi %squeeze3A_451, %add3A_468 : i32
      %get3A_470 = arith.index_cast %sub3A_467 : i32 to index
      %get3A_471 = arith.index_cast %add3A_469 : i32 to index
      %get3A_472 = tpu.vector_load %arg11[%get3A_470, %get3A_471] {strides = array<i32>} : memref<256x128xf32, #tpu.memory_space<vmem>>, vector<1x16xf32>,
      %get3A_473 = vector.shape_cast %get3A_472 : vector<1x16xf32> to vector<16xf32>
      %sub3A_474 = arith.constant 256 : i32
      %sub3A_475 = arith.subi %add3A_449, %sub3A_474 : i32
      %add3A_476 = arith.constant 16 : i32
      %add3A_477 = arith.addi %squeeze3A_453, %add3A_476 : i32
      %get3A_478 = arith.index_cast %sub3A_475 : i32 to index
      %get3A_479 = arith.index_cast %add3A_477 : i32 to index
      %get3A_480 = tpu.vector_load %arg12[%get3A_478, %get3A_479] {strides = array<i32>} : memref<256x128xf32, #tpu.memory_space<vmem>>, vector<1x16xf32>,
      %get3A_481 = vector.shape_cast %get3A_480 : vector<1x16xf32> to vector<16xf32>
      %mul3A_482 = arith.mulf %get3A_459, %get3A_465 : vector<16xf32>
      %mul3A_483 = arith.mulf %get3A_473, %get3A_481 : vector<16xf32>
      %add3A_484 = arith.addf %mul3A_482, %mul3A_483 : vector<16xf32>
      %gather3A_485 = vector.shape_cast %reshape3A : vector<16x1xi32> to vector<16xi32>
      %gather3A_486 = tpu.dynamic_gather %add3A_484[%gather3A_485] in [0] : vector<16xf32>, vector<16xi32> -> vector<16xf32>
      %add3A_487 = arith.addf %add3A_484, %gather3A_486 : vector<16xf32>
      %gather3A_488 = vector.shape_cast %reshape3A_13 : vector<16x1xi32> to vector<16xi32>
      %gather3A_489 = tpu.dynamic_gather %add3A_487[%gather3A_488] in [0] : vector<16xf32>, vector<16xi32> -> vector<16xf32>
      %add3A_490 = arith.addf %add3A_487, %gather3A_489 : vector<16xf32>
      %gather3A_491 = vector.shape_cast %reshape3A_17 : vector<16x1xi32> to vector<16xi32>
      %gather3A_492 = tpu.dynamic_gather %add3A_490[%gather3A_491] in [0] : vector<16xf32>, vector<16xi32> -> vector<16xf32>
      %add3A_493 = arith.addf %add3A_490, %gather3A_492 : vector<16xf32>
      %gather3A_494 = vector.shape_cast %reshape3A_21 : vector<16x1xi32> to vector<16xi32>
      %gather3A_495 = tpu.dynamic_gather %add3A_493[%gather3A_494] in [0] : vector<16xf32>, vector<16xi32> -> vector<16xf32>
      %add3A_496 = arith.addf %add3A_493, %gather3A_495 : vector<16xf32>
      %eq3A_497 = arith.constant 7 : i32
      %eq3A_498 = vector.broadcast %eq3A_497 : i32 to vector<16xi32>
      %eq3A_499 = arith.cmpi eq, %iota3A, %eq3A_498 : vector<16xi32>
      %select_n3A_500 = arith.select %eq3A_499, %add3A_496, %select_n3A_447 : vector<16xi1>, vector<16xf32>
      %add3A_501 = arith.constant 8 : i32
      %add3A_502 = arith.addi %add3A_76, %add3A_501 : i32
      %slice3A_503 = vector.extract_strided_slice %get3A_78 {offsets = [8], sizes = [1], strides = [1]} : vector<16xi32> to vector<1xi32>
      %squeeze3A_504 = vector.extract %slice3A_503[0] : i32 from vector<1xi32>
      %slice3A_505 = vector.extract_strided_slice %get3A_81 {offsets = [8], sizes = [1], strides = [1]} : vector<16xi32> to vector<1xi32>
      %squeeze3A_506 = vector.extract %slice3A_505[0] : i32 from vector<1xi32>
      %sub3A_507 = arith.constant 256 : i32
      %sub3A_508 = arith.subi %add3A_502, %sub3A_507 : i32
      %get3A_509 = arith.index_cast %sub3A_508 : i32 to index
      %get3A_510 = arith.index_cast %squeeze3A_504 : i32 to index
      %get3A_511 = tpu.vector_load %arg11[%get3A_509, %get3A_510] {strides = array<i32>} : memref<256x128xf32, #tpu.memory_space<vmem>>, vector<1x16xf32>,
      %get3A_512 = vector.shape_cast %get3A_511 : vector<1x16xf32> to vector<16xf32>
      %sub3A_513 = arith.constant 256 : i32
      %sub3A_514 = arith.subi %add3A_502, %sub3A_513 : i32
      %get3A_515 = arith.index_cast %sub3A_514 : i32 to index
      %get3A_516 = arith.index_cast %squeeze3A_506 : i32 to index
      %get3A_517 = tpu.vector_load %arg12[%get3A_515, %get3A_516] {strides = array<i32>} : memref<256x128xf32, #tpu.memory_space<vmem>>, vector<1x16xf32>,
      %get3A_518 = vector.shape_cast %get3A_517 : vector<1x16xf32> to vector<16xf32>
      %sub3A_519 = arith.constant 256 : i32
      %sub3A_520 = arith.subi %add3A_502, %sub3A_519 : i32
      %add3A_521 = arith.constant 16 : i32
      %add3A_522 = arith.addi %squeeze3A_504, %add3A_521 : i32
      %get3A_523 = arith.index_cast %sub3A_520 : i32 to index
      %get3A_524 = arith.index_cast %add3A_522 : i32 to index
      %get3A_525 = tpu.vector_load %arg11[%get3A_523, %get3A_524] {strides = array<i32>} : memref<256x128xf32, #tpu.memory_space<vmem>>, vector<1x16xf32>,
      %get3A_526 = vector.shape_cast %get3A_525 : vector<1x16xf32> to vector<16xf32>
      %sub3A_527 = arith.constant 256 : i32
      %sub3A_528 = arith.subi %add3A_502, %sub3A_527 : i32
      %add3A_529 = arith.constant 16 : i32
      %add3A_530 = arith.addi %squeeze3A_506, %add3A_529 : i32
      %get3A_531 = arith.index_cast %sub3A_528 : i32 to index
      %get3A_532 = arith.index_cast %add3A_530 : i32 to index
      %get3A_533 = tpu.vector_load %arg12[%get3A_531, %get3A_532] {strides = array<i32>} : memref<256x128xf32, #tpu.memory_space<vmem>>, vector<1x16xf32>,
      %get3A_534 = vector.shape_cast %get3A_533 : vector<1x16xf32> to vector<16xf32>
      %mul3A_535 = arith.mulf %get3A_512, %get3A_518 : vector<16xf32>
      %mul3A_536 = arith.mulf %get3A_526, %get3A_534 : vector<16xf32>
      %add3A_537 = arith.addf %mul3A_535, %mul3A_536 : vector<16xf32>
      %gather3A_538 = vector.shape_cast %reshape3A : vector<16x1xi32> to vector<16xi32>
      %gather3A_539 = tpu.dynamic_gather %add3A_537[%gather3A_538] in [0] : vector<16xf32>, vector<16xi32> -> vector<16xf32>
      %add3A_540 = arith.addf %add3A_537, %gather3A_539 : vector<16xf32>
      %gather3A_541 = vector.shape_cast %reshape3A_13 : vector<16x1xi32> to vector<16xi32>
      %gather3A_542 = tpu.dynamic_gather %add3A_540[%gather3A_541] in [0] : vector<16xf32>, vector<16xi32> -> vector<16xf32>
      %add3A_543 = arith.addf %add3A_540, %gather3A_542 : vector<16xf32>
      %gather3A_544 = vector.shape_cast %reshape3A_17 : vector<16x1xi32> to vector<16xi32>
      %gather3A_545 = tpu.dynamic_gather %add3A_543[%gather3A_544] in [0] : vector<16xf32>, vector<16xi32> -> vector<16xf32>
      %add3A_546 = arith.addf %add3A_543, %gather3A_545 : vector<16xf32>
      %gather3A_547 = vector.shape_cast %reshape3A_21 : vector<16x1xi32> to vector<16xi32>
      %gather3A_548 = tpu.dynamic_gather %add3A_546[%gather3A_547] in [0] : vector<16xf32>, vector<16xi32> -> vector<16xf32>
      %add3A_549 = arith.addf %add3A_546, %gather3A_548 : vector<16xf32>
      %eq3A_550 = arith.constant 8 : i32
      %eq3A_551 = vector.broadcast %eq3A_550 : i32 to vector<16xi32>
      %eq3A_552 = arith.cmpi eq, %iota3A, %eq3A_551 : vector<16xi32>
      %select_n3A_553 = arith.select %eq3A_552, %add3A_549, %select_n3A_500 : vector<16xi1>, vector<16xf32>
      %add3A_554 = arith.constant 9 : i32
      %add3A_555 = arith.addi %add3A_76, %add3A_554 : i32
      %slice3A_556 = vector.extract_strided_slice %get3A_78 {offsets = [9], sizes = [1], strides = [1]} : vector<16xi32> to vector<1xi32>
      %squeeze3A_557 = vector.extract %slice3A_556[0] : i32 from vector<1xi32>
      %slice3A_558 = vector.extract_strided_slice %get3A_81 {offsets = [9], sizes = [1], strides = [1]} : vector<16xi32> to vector<1xi32>
      %squeeze3A_559 = vector.extract %slice3A_558[0] : i32 from vector<1xi32>
      %sub3A_560 = arith.constant 256 : i32
      %sub3A_561 = arith.subi %add3A_555, %sub3A_560 : i32
      %get3A_562 = arith.index_cast %sub3A_561 : i32 to index
      %get3A_563 = arith.index_cast %squeeze3A_557 : i32 to index
      %get3A_564 = tpu.vector_load %arg11[%get3A_562, %get3A_563] {strides = array<i32>} : memref<256x128xf32, #tpu.memory_space<vmem>>, vector<1x16xf32>,
      %get3A_565 = vector.shape_cast %get3A_564 : vector<1x16xf32> to vector<16xf32>
      %sub3A_566 = arith.constant 256 : i32
      %sub3A_567 = arith.subi %add3A_555, %sub3A_566 : i32
      %get3A_568 = arith.index_cast %sub3A_567 : i32 to index
      %get3A_569 = arith.index_cast %squeeze3A_559 : i32 to index
      %get3A_570 = tpu.vector_load %arg12[%get3A_568, %get3A_569] {strides = array<i32>} : memref<256x128xf32, #tpu.memory_space<vmem>>, vector<1x16xf32>,
      %get3A_571 = vector.shape_cast %get3A_570 : vector<1x16xf32> to vector<16xf32>
      %sub3A_572 = arith.constant 256 : i32
      %sub3A_573 = arith.subi %add3A_555, %sub3A_572 : i32
      %add3A_574 = arith.constant 16 : i32
      %add3A_575 = arith.addi %squeeze3A_557, %add3A_574 : i32
      %get3A_576 = arith.index_cast %sub3A_573 : i32 to index
      %get3A_577 = arith.index_cast %add3A_575 : i32 to index
      %get3A_578 = tpu.vector_load %arg11[%get3A_576, %get3A_577] {strides = array<i32>} : memref<256x128xf32, #tpu.memory_space<vmem>>, vector<1x16xf32>,
      %get3A_579 = vector.shape_cast %get3A_578 : vector<1x16xf32> to vector<16xf32>
      %sub3A_580 = arith.constant 256 : i32
      %sub3A_581 = arith.subi %add3A_555, %sub3A_580 : i32
      %add3A_582 = arith.constant 16 : i32
      %add3A_583 = arith.addi %squeeze3A_559, %add3A_582 : i32
      %get3A_584 = arith.index_cast %sub3A_581 : i32 to index
      %get3A_585 = arith.index_cast %add3A_583 : i32 to index
      %get3A_586 = tpu.vector_load %arg12[%get3A_584, %get3A_585] {strides = array<i32>} : memref<256x128xf32, #tpu.memory_space<vmem>>, vector<1x16xf32>,
      %get3A_587 = vector.shape_cast %get3A_586 : vector<1x16xf32> to vector<16xf32>
      %mul3A_588 = arith.mulf %get3A_565, %get3A_571 : vector<16xf32>
      %mul3A_589 = arith.mulf %get3A_579, %get3A_587 : vector<16xf32>
      %add3A_590 = arith.addf %mul3A_588, %mul3A_589 : vector<16xf32>
      %gather3A_591 = vector.shape_cast %reshape3A : vector<16x1xi32> to vector<16xi32>
      %gather3A_592 = tpu.dynamic_gather %add3A_590[%gather3A_591] in [0] : vector<16xf32>, vector<16xi32> -> vector<16xf32>
      %add3A_593 = arith.addf %add3A_590, %gather3A_592 : vector<16xf32>
      %gather3A_594 = vector.shape_cast %reshape3A_13 : vector<16x1xi32> to vector<16xi32>
      %gather3A_595 = tpu.dynamic_gather %add3A_593[%gather3A_594] in [0] : vector<16xf32>, vector<16xi32> -> vector<16xf32>
      %add3A_596 = arith.addf %add3A_593, %gather3A_595 : vector<16xf32>
      %gather3A_597 = vector.shape_cast %reshape3A_17 : vector<16x1xi32> to vector<16xi32>
      %gather3A_598 = tpu.dynamic_gather %add3A_596[%gather3A_597] in [0] : vector<16xf32>, vector<16xi32> -> vector<16xf32>
      %add3A_599 = arith.addf %add3A_596, %gather3A_598 : vector<16xf32>
      %gather3A_600 = vector.shape_cast %reshape3A_21 : vector<16x1xi32> to vector<16xi32>
      %gather3A_601 = tpu.dynamic_gather %add3A_599[%gather3A_600] in [0] : vector<16xf32>, vector<16xi32> -> vector<16xf32>
      %add3A_602 = arith.addf %add3A_599, %gather3A_601 : vector<16xf32>
      %eq3A_603 = arith.constant 9 : i32
      %eq3A_604 = vector.broadcast %eq3A_603 : i32 to vector<16xi32>
      %eq3A_605 = arith.cmpi eq, %iota3A, %eq3A_604 : vector<16xi32>
      %select_n3A_606 = arith.select %eq3A_605, %add3A_602, %select_n3A_553 : vector<16xi1>, vector<16xf32>
      %add3A_607 = arith.constant 10 : i32
      %add3A_608 = arith.addi %add3A_76, %add3A_607 : i32
      %slice3A_609 = vector.extract_strided_slice %get3A_78 {offsets = [10], sizes = [1], strides = [1]} : vector<16xi32> to vector<1xi32>
      %squeeze3A_610 = vector.extract %slice3A_609[0] : i32 from vector<1xi32>
      %slice3A_611 = vector.extract_strided_slice %get3A_81 {offsets = [10], sizes = [1], strides = [1]} : vector<16xi32> to vector<1xi32>
      %squeeze3A_612 = vector.extract %slice3A_611[0] : i32 from vector<1xi32>
      %sub3A_613 = arith.constant 256 : i32
      %sub3A_614 = arith.subi %add3A_608, %sub3A_613 : i32
      %get3A_615 = arith.index_cast %sub3A_614 : i32 to index
      %get3A_616 = arith.index_cast %squeeze3A_610 : i32 to index
      %get3A_617 = tpu.vector_load %arg11[%get3A_615, %get3A_616] {strides = array<i32>} : memref<256x128xf32, #tpu.memory_space<vmem>>, vector<1x16xf32>,
      %get3A_618 = vector.shape_cast %get3A_617 : vector<1x16xf32> to vector<16xf32>
      %sub3A_619 = arith.constant 256 : i32
      %sub3A_620 = arith.subi %add3A_608, %sub3A_619 : i32
      %get3A_621 = arith.index_cast %sub3A_620 : i32 to index
      %get3A_622 = arith.index_cast %squeeze3A_612 : i32 to index
      %get3A_623 = tpu.vector_load %arg12[%get3A_621, %get3A_622] {strides = array<i32>} : memref<256x128xf32, #tpu.memory_space<vmem>>, vector<1x16xf32>,
      %get3A_624 = vector.shape_cast %get3A_623 : vector<1x16xf32> to vector<16xf32>
      %sub3A_625 = arith.constant 256 : i32
      %sub3A_626 = arith.subi %add3A_608, %sub3A_625 : i32
      %add3A_627 = arith.constant 16 : i32
      %add3A_628 = arith.addi %squeeze3A_610, %add3A_627 : i32
      %get3A_629 = arith.index_cast %sub3A_626 : i32 to index
      %get3A_630 = arith.index_cast %add3A_628 : i32 to index
      %get3A_631 = tpu.vector_load %arg11[%get3A_629, %get3A_630] {strides = array<i32>} : memref<256x128xf32, #tpu.memory_space<vmem>>, vector<1x16xf32>,
      %get3A_632 = vector.shape_cast %get3A_631 : vector<1x16xf32> to vector<16xf32>
      %sub3A_633 = arith.constant 256 : i32
      %sub3A_634 = arith.subi %add3A_608, %sub3A_633 : i32
      %add3A_635 = arith.constant 16 : i32
      %add3A_636 = arith.addi %squeeze3A_612, %add3A_635 : i32
      %get3A_637 = arith.index_cast %sub3A_634 : i32 to index
      %get3A_638 = arith.index_cast %add3A_636 : i32 to index
      %get3A_639 = tpu.vector_load %arg12[%get3A_637, %get3A_638] {strides = array<i32>} : memref<256x128xf32, #tpu.memory_space<vmem>>, vector<1x16xf32>,
      %get3A_640 = vector.shape_cast %get3A_639 : vector<1x16xf32> to vector<16xf32>
      %mul3A_641 = arith.mulf %get3A_618, %get3A_624 : vector<16xf32>
      %mul3A_642 = arith.mulf %get3A_632, %get3A_640 : vector<16xf32>
      %add3A_643 = arith.addf %mul3A_641, %mul3A_642 : vector<16xf32>
      %gather3A_644 = vector.shape_cast %reshape3A : vector<16x1xi32> to vector<16xi32>
      %gather3A_645 = tpu.dynamic_gather %add3A_643[%gather3A_644] in [0] : vector<16xf32>, vector<16xi32> -> vector<16xf32>
      %add3A_646 = arith.addf %add3A_643, %gather3A_645 : vector<16xf32>
      %gather3A_647 = vector.shape_cast %reshape3A_13 : vector<16x1xi32> to vector<16xi32>
      %gather3A_648 = tpu.dynamic_gather %add3A_646[%gather3A_647] in [0] : vector<16xf32>, vector<16xi32> -> vector<16xf32>
      %add3A_649 = arith.addf %add3A_646, %gather3A_648 : vector<16xf32>
      %gather3A_650 = vector.shape_cast %reshape3A_17 : vector<16x1xi32> to vector<16xi32>
      %gather3A_651 = tpu.dynamic_gather %add3A_649[%gather3A_650] in [0] : vector<16xf32>, vector<16xi32> -> vector<16xf32>
      %add3A_652 = arith.addf %add3A_649, %gather3A_651 : vector<16xf32>
      %gather3A_653 = vector.shape_cast %reshape3A_21 : vector<16x1xi32> to vector<16xi32>
      %gather3A_654 = tpu.dynamic_gather %add3A_652[%gather3A_653] in [0] : vector<16xf32>, vector<16xi32> -> vector<16xf32>
      %add3A_655 = arith.addf %add3A_652, %gather3A_654 : vector<16xf32>
      %eq3A_656 = arith.constant 10 : i32
      %eq3A_657 = vector.broadcast %eq3A_656 : i32 to vector<16xi32>
      %eq3A_658 = arith.cmpi eq, %iota3A, %eq3A_657 : vector<16xi32>
      %select_n3A_659 = arith.select %eq3A_658, %add3A_655, %select_n3A_606 : vector<16xi1>, vector<16xf32>
      %add3A_660 = arith.constant 11 : i32
      %add3A_661 = arith.addi %add3A_76, %add3A_660 : i32
      %slice3A_662 = vector.extract_strided_slice %get3A_78 {offsets = [11], sizes = [1], strides = [1]} : vector<16xi32> to vector<1xi32>
      %squeeze3A_663 = vector.extract %slice3A_662[0] : i32 from vector<1xi32>
      %slice3A_664 = vector.extract_strided_slice %get3A_81 {offsets = [11], sizes = [1], strides = [1]} : vector<16xi32> to vector<1xi32>
      %squeeze3A_665 = vector.extract %slice3A_664[0] : i32 from vector<1xi32>
      %sub3A_666 = arith.constant 256 : i32
      %sub3A_667 = arith.subi %add3A_661, %sub3A_666 : i32
      %get3A_668 = arith.index_cast %sub3A_667 : i32 to index
      %get3A_669 = arith.index_cast %squeeze3A_663 : i32 to index
      %get3A_670 = tpu.vector_load %arg11[%get3A_668, %get3A_669] {strides = array<i32>} : memref<256x128xf32, #tpu.memory_space<vmem>>, vector<1x16xf32>,
      %get3A_671 = vector.shape_cast %get3A_670 : vector<1x16xf32> to vector<16xf32>
      %sub3A_672 = arith.constant 256 : i32
      %sub3A_673 = arith.subi %add3A_661, %sub3A_672 : i32
      %get3A_674 = arith.index_cast %sub3A_673 : i32 to index
      %get3A_675 = arith.index_cast %squeeze3A_665 : i32 to index
      %get3A_676 = tpu.vector_load %arg12[%get3A_674, %get3A_675] {strides = array<i32>} : memref<256x128xf32, #tpu.memory_space<vmem>>, vector<1x16xf32>,
      %get3A_677 = vector.shape_cast %get3A_676 : vector<1x16xf32> to vector<16xf32>
      %sub3A_678 = arith.constant 256 : i32
      %sub3A_679 = arith.subi %add3A_661, %sub3A_678 : i32
      %add3A_680 = arith.constant 16 : i32
      %add3A_681 = arith.addi %squeeze3A_663, %add3A_680 : i32
      %get3A_682 = arith.index_cast %sub3A_679 : i32 to index
      %get3A_683 = arith.index_cast %add3A_681 : i32 to index
      %get3A_684 = tpu.vector_load %arg11[%get3A_682, %get3A_683] {strides = array<i32>} : memref<256x128xf32, #tpu.memory_space<vmem>>, vector<1x16xf32>,
      %get3A_685 = vector.shape_cast %get3A_684 : vector<1x16xf32> to vector<16xf32>
      %sub3A_686 = arith.constant 256 : i32
      %sub3A_687 = arith.subi %add3A_661, %sub3A_686 : i32
      %add3A_688 = arith.constant 16 : i32
      %add3A_689 = arith.addi %squeeze3A_665, %add3A_688 : i32
      %get3A_690 = arith.index_cast %sub3A_687 : i32 to index
      %get3A_691 = arith.index_cast %add3A_689 : i32 to index
      %get3A_692 = tpu.vector_load %arg12[%get3A_690, %get3A_691] {strides = array<i32>} : memref<256x128xf32, #tpu.memory_space<vmem>>, vector<1x16xf32>,
      %get3A_693 = vector.shape_cast %get3A_692 : vector<1x16xf32> to vector<16xf32>
      %mul3A_694 = arith.mulf %get3A_671, %get3A_677 : vector<16xf32>
      %mul3A_695 = arith.mulf %get3A_685, %get3A_693 : vector<16xf32>
      %add3A_696 = arith.addf %mul3A_694, %mul3A_695 : vector<16xf32>
      %gather3A_697 = vector.shape_cast %reshape3A : vector<16x1xi32> to vector<16xi32>
      %gather3A_698 = tpu.dynamic_gather %add3A_696[%gather3A_697] in [0] : vector<16xf32>, vector<16xi32> -> vector<16xf32>
      %add3A_699 = arith.addf %add3A_696, %gather3A_698 : vector<16xf32>
      %gather3A_700 = vector.shape_cast %reshape3A_13 : vector<16x1xi32> to vector<16xi32>
      %gather3A_701 = tpu.dynamic_gather %add3A_699[%gather3A_700] in [0] : vector<16xf32>, vector<16xi32> -> vector<16xf32>
      %add3A_702 = arith.addf %add3A_699, %gather3A_701 : vector<16xf32>
      %gather3A_703 = vector.shape_cast %reshape3A_17 : vector<16x1xi32> to vector<16xi32>
      %gather3A_704 = tpu.dynamic_gather %add3A_702[%gather3A_703] in [0] : vector<16xf32>, vector<16xi32> -> vector<16xf32>
      %add3A_705 = arith.addf %add3A_702, %gather3A_704 : vector<16xf32>
      %gather3A_706 = vector.shape_cast %reshape3A_21 : vector<16x1xi32> to vector<16xi32>
      %gather3A_707 = tpu.dynamic_gather %add3A_705[%gather3A_706] in [0] : vector<16xf32>, vector<16xi32> -> vector<16xf32>
      %add3A_708 = arith.addf %add3A_705, %gather3A_707 : vector<16xf32>
      %eq3A_709 = arith.constant 11 : i32
      %eq3A_710 = vector.broadcast %eq3A_709 : i32 to vector<16xi32>
      %eq3A_711 = arith.cmpi eq, %iota3A, %eq3A_710 : vector<16xi32>
      %select_n3A_712 = arith.select %eq3A_711, %add3A_708, %select_n3A_659 : vector<16xi1>, vector<16xf32>
      %add3A_713 = arith.constant 12 : i32
      %add3A_714 = arith.addi %add3A_76, %add3A_713 : i32
      %slice3A_715 = vector.extract_strided_slice %get3A_78 {offsets = [12], sizes = [1], strides = [1]} : vector<16xi32> to vector<1xi32>
      %squeeze3A_716 = vector.extract %slice3A_715[0] : i32 from vector<1xi32>
      %slice3A_717 = vector.extract_strided_slice %get3A_81 {offsets = [12], sizes = [1], strides = [1]} : vector<16xi32> to vector<1xi32>
      %squeeze3A_718 = vector.extract %slice3A_717[0] : i32 from vector<1xi32>
      %sub3A_719 = arith.constant 256 : i32
      %sub3A_720 = arith.subi %add3A_714, %sub3A_719 : i32
      %get3A_721 = arith.index_cast %sub3A_720 : i32 to index
      %get3A_722 = arith.index_cast %squeeze3A_716 : i32 to index
      %get3A_723 = tpu.vector_load %arg11[%get3A_721, %get3A_722] {strides = array<i32>} : memref<256x128xf32, #tpu.memory_space<vmem>>, vector<1x16xf32>,
      %get3A_724 = vector.shape_cast %get3A_723 : vector<1x16xf32> to vector<16xf32>
      %sub3A_725 = arith.constant 256 : i32
      %sub3A_726 = arith.subi %add3A_714, %sub3A_725 : i32
      %get3A_727 = arith.index_cast %sub3A_726 : i32 to index
      %get3A_728 = arith.index_cast %squeeze3A_718 : i32 to index
      %get3A_729 = tpu.vector_load %arg12[%get3A_727, %get3A_728] {strides = array<i32>} : memref<256x128xf32, #tpu.memory_space<vmem>>, vector<1x16xf32>,
      %get3A_730 = vector.shape_cast %get3A_729 : vector<1x16xf32> to vector<16xf32>
      %sub3A_731 = arith.constant 256 : i32
      %sub3A_732 = arith.subi %add3A_714, %sub3A_731 : i32
      %add3A_733 = arith.constant 16 : i32
      %add3A_734 = arith.addi %squeeze3A_716, %add3A_733 : i32
      %get3A_735 = arith.index_cast %sub3A_732 : i32 to index
      %get3A_736 = arith.index_cast %add3A_734 : i32 to index
      %get3A_737 = tpu.vector_load %arg11[%get3A_735, %get3A_736] {strides = array<i32>} : memref<256x128xf32, #tpu.memory_space<vmem>>, vector<1x16xf32>,
      %get3A_738 = vector.shape_cast %get3A_737 : vector<1x16xf32> to vector<16xf32>
      %sub3A_739 = arith.constant 256 : i32
      %sub3A_740 = arith.subi %add3A_714, %sub3A_739 : i32
      %add3A_741 = arith.constant 16 : i32
      %add3A_742 = arith.addi %squeeze3A_718, %add3A_741 : i32
      %get3A_743 = arith.index_cast %sub3A_740 : i32 to index
      %get3A_744 = arith.index_cast %add3A_742 : i32 to index
      %get3A_745 = tpu.vector_load %arg12[%get3A_743, %get3A_744] {strides = array<i32>} : memref<256x128xf32, #tpu.memory_space<vmem>>, vector<1x16xf32>,
      %get3A_746 = vector.shape_cast %get3A_745 : vector<1x16xf32> to vector<16xf32>
      %mul3A_747 = arith.mulf %get3A_724, %get3A_730 : vector<16xf32>
      %mul3A_748 = arith.mulf %get3A_738, %get3A_746 : vector<16xf32>
      %add3A_749 = arith.addf %mul3A_747, %mul3A_748 : vector<16xf32>
      %gather3A_750 = vector.shape_cast %reshape3A : vector<16x1xi32> to vector<16xi32>
      %gather3A_751 = tpu.dynamic_gather %add3A_749[%gather3A_750] in [0] : vector<16xf32>, vector<16xi32> -> vector<16xf32>
      %add3A_752 = arith.addf %add3A_749, %gather3A_751 : vector<16xf32>
      %gather3A_753 = vector.shape_cast %reshape3A_13 : vector<16x1xi32> to vector<16xi32>
      %gather3A_754 = tpu.dynamic_gather %add3A_752[%gather3A_753] in [0] : vector<16xf32>, vector<16xi32> -> vector<16xf32>
      %add3A_755 = arith.addf %add3A_752, %gather3A_754 : vector<16xf32>
      %gather3A_756 = vector.shape_cast %reshape3A_17 : vector<16x1xi32> to vector<16xi32>
      %gather3A_757 = tpu.dynamic_gather %add3A_755[%gather3A_756] in [0] : vector<16xf32>, vector<16xi32> -> vector<16xf32>
      %add3A_758 = arith.addf %add3A_755, %gather3A_757 : vector<16xf32>
      %gather3A_759 = vector.shape_cast %reshape3A_21 : vector<16x1xi32> to vector<16xi32>
      %gather3A_760 = tpu.dynamic_gather %add3A_758[%gather3A_759] in [0] : vector<16xf32>, vector<16xi32> -> vector<16xf32>
      %add3A_761 = arith.addf %add3A_758, %gather3A_760 : vector<16xf32>
      %eq3A_762 = arith.constant 12 : i32
      %eq3A_763 = vector.broadcast %eq3A_762 : i32 to vector<16xi32>
      %eq3A_764 = arith.cmpi eq, %iota3A, %eq3A_763 : vector<16xi32>
      %select_n3A_765 = arith.select %eq3A_764, %add3A_761, %select_n3A_712 : vector<16xi1>, vector<16xf32>
      %add3A_766 = arith.constant 13 : i32
      %add3A_767 = arith.addi %add3A_76, %add3A_766 : i32
      %slice3A_768 = vector.extract_strided_slice %get3A_78 {offsets = [13], sizes = [1], strides = [1]} : vector<16xi32> to vector<1xi32>
      %squeeze3A_769 = vector.extract %slice3A_768[0] : i32 from vector<1xi32>
      %slice3A_770 = vector.extract_strided_slice %get3A_81 {offsets = [13], sizes = [1], strides = [1]} : vector<16xi32> to vector<1xi32>
      %squeeze3A_771 = vector.extract %slice3A_770[0] : i32 from vector<1xi32>
      %sub3A_772 = arith.constant 256 : i32
      %sub3A_773 = arith.subi %add3A_767, %sub3A_772 : i32
      %get3A_774 = arith.index_cast %sub3A_773 : i32 to index
      %get3A_775 = arith.index_cast %squeeze3A_769 : i32 to index
      %get3A_776 = tpu.vector_load %arg11[%get3A_774, %get3A_775] {strides = array<i32>} : memref<256x128xf32, #tpu.memory_space<vmem>>, vector<1x16xf32>,
      %get3A_777 = vector.shape_cast %get3A_776 : vector<1x16xf32> to vector<16xf32>
      %sub3A_778 = arith.constant 256 : i32
      %sub3A_779 = arith.subi %add3A_767, %sub3A_778 : i32
      %get3A_780 = arith.index_cast %sub3A_779 : i32 to index
      %get3A_781 = arith.index_cast %squeeze3A_771 : i32 to index
      %get3A_782 = tpu.vector_load %arg12[%get3A_780, %get3A_781] {strides = array<i32>} : memref<256x128xf32, #tpu.memory_space<vmem>>, vector<1x16xf32>,
      %get3A_783 = vector.shape_cast %get3A_782 : vector<1x16xf32> to vector<16xf32>
      %sub3A_784 = arith.constant 256 : i32
      %sub3A_785 = arith.subi %add3A_767, %sub3A_784 : i32
      %add3A_786 = arith.constant 16 : i32
      %add3A_787 = arith.addi %squeeze3A_769, %add3A_786 : i32
      %get3A_788 = arith.index_cast %sub3A_785 : i32 to index
      %get3A_789 = arith.index_cast %add3A_787 : i32 to index
      %get3A_790 = tpu.vector_load %arg11[%get3A_788, %get3A_789] {strides = array<i32>} : memref<256x128xf32, #tpu.memory_space<vmem>>, vector<1x16xf32>,
      %get3A_791 = vector.shape_cast %get3A_790 : vector<1x16xf32> to vector<16xf32>
      %sub3A_792 = arith.constant 256 : i32
      %sub3A_793 = arith.subi %add3A_767, %sub3A_792 : i32
      %add3A_794 = arith.constant 16 : i32
      %add3A_795 = arith.addi %squeeze3A_771, %add3A_794 : i32
      %get3A_796 = arith.index_cast %sub3A_793 : i32 to index
      %get3A_797 = arith.index_cast %add3A_795 : i32 to index
      %get3A_798 = tpu.vector_load %arg12[%get3A_796, %get3A_797] {strides = array<i32>} : memref<256x128xf32, #tpu.memory_space<vmem>>, vector<1x16xf32>,
      %get3A_799 = vector.shape_cast %get3A_798 : vector<1x16xf32> to vector<16xf32>
      %mul3A_800 = arith.mulf %get3A_777, %get3A_783 : vector<16xf32>
      %mul3A_801 = arith.mulf %get3A_791, %get3A_799 : vector<16xf32>
      %add3A_802 = arith.addf %mul3A_800, %mul3A_801 : vector<16xf32>
      %gather3A_803 = vector.shape_cast %reshape3A : vector<16x1xi32> to vector<16xi32>
      %gather3A_804 = tpu.dynamic_gather %add3A_802[%gather3A_803] in [0] : vector<16xf32>, vector<16xi32> -> vector<16xf32>
      %add3A_805 = arith.addf %add3A_802, %gather3A_804 : vector<16xf32>
      %gather3A_806 = vector.shape_cast %reshape3A_13 : vector<16x1xi32> to vector<16xi32>
      %gather3A_807 = tpu.dynamic_gather %add3A_805[%gather3A_806] in [0] : vector<16xf32>, vector<16xi32> -> vector<16xf32>
      %add3A_808 = arith.addf %add3A_805, %gather3A_807 : vector<16xf32>
      %gather3A_809 = vector.shape_cast %reshape3A_17 : vector<16x1xi32> to vector<16xi32>
      %gather3A_810 = tpu.dynamic_gather %add3A_808[%gather3A_809] in [0] : vector<16xf32>, vector<16xi32> -> vector<16xf32>
      %add3A_811 = arith.addf %add3A_808, %gather3A_810 : vector<16xf32>
      %gather3A_812 = vector.shape_cast %reshape3A_21 : vector<16x1xi32> to vector<16xi32>
      %gather3A_813 = tpu.dynamic_gather %add3A_811[%gather3A_812] in [0] : vector<16xf32>, vector<16xi32> -> vector<16xf32>
      %add3A_814 = arith.addf %add3A_811, %gather3A_813 : vector<16xf32>
      %eq3A_815 = arith.constant 13 : i32
      %eq3A_816 = vector.broadcast %eq3A_815 : i32 to vector<16xi32>
      %eq3A_817 = arith.cmpi eq, %iota3A, %eq3A_816 : vector<16xi32>
      %select_n3A_818 = arith.select %eq3A_817, %add3A_814, %select_n3A_765 : vector<16xi1>, vector<16xf32>
      %add3A_819 = arith.constant 14 : i32
      %add3A_820 = arith.addi %add3A_76, %add3A_819 : i32
      %slice3A_821 = vector.extract_strided_slice %get3A_78 {offsets = [14], sizes = [1], strides = [1]} : vector<16xi32> to vector<1xi32>
      %squeeze3A_822 = vector.extract %slice3A_821[0] : i32 from vector<1xi32>
      %slice3A_823 = vector.extract_strided_slice %get3A_81 {offsets = [14], sizes = [1], strides = [1]} : vector<16xi32> to vector<1xi32>
      %squeeze3A_824 = vector.extract %slice3A_823[0] : i32 from vector<1xi32>
      %sub3A_825 = arith.constant 256 : i32
      %sub3A_826 = arith.subi %add3A_820, %sub3A_825 : i32
      %get3A_827 = arith.index_cast %sub3A_826 : i32 to index
      %get3A_828 = arith.index_cast %squeeze3A_822 : i32 to index
      %get3A_829 = tpu.vector_load %arg11[%get3A_827, %get3A_828] {strides = array<i32>} : memref<256x128xf32, #tpu.memory_space<vmem>>, vector<1x16xf32>,
      %get3A_830 = vector.shape_cast %get3A_829 : vector<1x16xf32> to vector<16xf32>
      %sub3A_831 = arith.constant 256 : i32
      %sub3A_832 = arith.subi %add3A_820, %sub3A_831 : i32
      %get3A_833 = arith.index_cast %sub3A_832 : i32 to index
      %get3A_834 = arith.index_cast %squeeze3A_824 : i32 to index
      %get3A_835 = tpu.vector_load %arg12[%get3A_833, %get3A_834] {strides = array<i32>} : memref<256x128xf32, #tpu.memory_space<vmem>>, vector<1x16xf32>,
      %get3A_836 = vector.shape_cast %get3A_835 : vector<1x16xf32> to vector<16xf32>
      %sub3A_837 = arith.constant 256 : i32
      %sub3A_838 = arith.subi %add3A_820, %sub3A_837 : i32
      %add3A_839 = arith.constant 16 : i32
      %add3A_840 = arith.addi %squeeze3A_822, %add3A_839 : i32
      %get3A_841 = arith.index_cast %sub3A_838 : i32 to index
      %get3A_842 = arith.index_cast %add3A_840 : i32 to index
      %get3A_843 = tpu.vector_load %arg11[%get3A_841, %get3A_842] {strides = array<i32>} : memref<256x128xf32, #tpu.memory_space<vmem>>, vector<1x16xf32>,
      %get3A_844 = vector.shape_cast %get3A_843 : vector<1x16xf32> to vector<16xf32>
      %sub3A_845 = arith.constant 256 : i32
      %sub3A_846 = arith.subi %add3A_820, %sub3A_845 : i32
      %add3A_847 = arith.constant 16 : i32
      %add3A_848 = arith.addi %squeeze3A_824, %add3A_847 : i32
      %get3A_849 = arith.index_cast %sub3A_846 : i32 to index
      %get3A_850 = arith.index_cast %add3A_848 : i32 to index
      %get3A_851 = tpu.vector_load %arg12[%get3A_849, %get3A_850] {strides = array<i32>} : memref<256x128xf32, #tpu.memory_space<vmem>>, vector<1x16xf32>,
      %get3A_852 = vector.shape_cast %get3A_851 : vector<1x16xf32> to vector<16xf32>
      %mul3A_853 = arith.mulf %get3A_830, %get3A_836 : vector<16xf32>
      %mul3A_854 = arith.mulf %get3A_844, %get3A_852 : vector<16xf32>
      %add3A_855 = arith.addf %mul3A_853, %mul3A_854 : vector<16xf32>
      %gather3A_856 = vector.shape_cast %reshape3A : vector<16x1xi32> to vector<16xi32>
      %gather3A_857 = tpu.dynamic_gather %add3A_855[%gather3A_856] in [0] : vector<16xf32>, vector<16xi32> -> vector<16xf32>
      %add3A_858 = arith.addf %add3A_855, %gather3A_857 : vector<16xf32>
      %gather3A_859 = vector.shape_cast %reshape3A_13 : vector<16x1xi32> to vector<16xi32>
      %gather3A_860 = tpu.dynamic_gather %add3A_858[%gather3A_859] in [0] : vector<16xf32>, vector<16xi32> -> vector<16xf32>
      %add3A_861 = arith.addf %add3A_858, %gather3A_860 : vector<16xf32>
      %gather3A_862 = vector.shape_cast %reshape3A_17 : vector<16x1xi32> to vector<16xi32>
      %gather3A_863 = tpu.dynamic_gather %add3A_861[%gather3A_862] in [0] : vector<16xf32>, vector<16xi32> -> vector<16xf32>
      %add3A_864 = arith.addf %add3A_861, %gather3A_863 : vector<16xf32>
      %gather3A_865 = vector.shape_cast %reshape3A_21 : vector<16x1xi32> to vector<16xi32>
      %gather3A_866 = tpu.dynamic_gather %add3A_864[%gather3A_865] in [0] : vector<16xf32>, vector<16xi32> -> vector<16xf32>
      %add3A_867 = arith.addf %add3A_864, %gather3A_866 : vector<16xf32>
      %eq3A_868 = arith.constant 14 : i32
      %eq3A_869 = vector.broadcast %eq3A_868 : i32 to vector<16xi32>
      %eq3A_870 = arith.cmpi eq, %iota3A, %eq3A_869 : vector<16xi32>
      %select_n3A_871 = arith.select %eq3A_870, %add3A_867, %select_n3A_818 : vector<16xi1>, vector<16xf32>
      %add3A_872 = arith.constant 15 : i32
      %add3A_873 = arith.addi %add3A_76, %add3A_872 : i32
      %slice3A_874 = vector.extract_strided_slice %get3A_78 {offsets = [15], sizes = [1], strides = [1]} : vector<16xi32> to vector<1xi32>
      %squeeze3A_875 = vector.extract %slice3A_874[0] : i32 from vector<1xi32>
      %slice3A_876 = vector.extract_strided_slice %get3A_81 {offsets = [15], sizes = [1], strides = [1]} : vector<16xi32> to vector<1xi32>
      %squeeze3A_877 = vector.extract %slice3A_876[0] : i32 from vector<1xi32>
      %sub3A_878 = arith.constant 256 : i32
      %sub3A_879 = arith.subi %add3A_873, %sub3A_878 : i32
      %get3A_880 = arith.index_cast %sub3A_879 : i32 to index
      %get3A_881 = arith.index_cast %squeeze3A_875 : i32 to index
      %get3A_882 = tpu.vector_load %arg11[%get3A_880, %get3A_881] {strides = array<i32>} : memref<256x128xf32, #tpu.memory_space<vmem>>, vector<1x16xf32>,
      %get3A_883 = vector.shape_cast %get3A_882 : vector<1x16xf32> to vector<16xf32>
      %sub3A_884 = arith.constant 256 : i32
      %sub3A_885 = arith.subi %add3A_873, %sub3A_884 : i32
      %get3A_886 = arith.index_cast %sub3A_885 : i32 to index
      %get3A_887 = arith.index_cast %squeeze3A_877 : i32 to index
      %get3A_888 = tpu.vector_load %arg12[%get3A_886, %get3A_887] {strides = array<i32>} : memref<256x128xf32, #tpu.memory_space<vmem>>, vector<1x16xf32>,
      %get3A_889 = vector.shape_cast %get3A_888 : vector<1x16xf32> to vector<16xf32>
      %sub3A_890 = arith.constant 256 : i32
      %sub3A_891 = arith.subi %add3A_873, %sub3A_890 : i32
      %add3A_892 = arith.constant 16 : i32
      %add3A_893 = arith.addi %squeeze3A_875, %add3A_892 : i32
      %get3A_894 = arith.index_cast %sub3A_891 : i32 to index
      %get3A_895 = arith.index_cast %add3A_893 : i32 to index
      %get3A_896 = tpu.vector_load %arg11[%get3A_894, %get3A_895] {strides = array<i32>} : memref<256x128xf32, #tpu.memory_space<vmem>>, vector<1x16xf32>,
      %get3A_897 = vector.shape_cast %get3A_896 : vector<1x16xf32> to vector<16xf32>
      %sub3A_898 = arith.constant 256 : i32
      %sub3A_899 = arith.subi %add3A_873, %sub3A_898 : i32
      %add3A_900 = arith.constant 16 : i32
      %add3A_901 = arith.addi %squeeze3A_877, %add3A_900 : i32
      %get3A_902 = arith.index_cast %sub3A_899 : i32 to index
      %get3A_903 = arith.index_cast %add3A_901 : i32 to index
      %get3A_904 = tpu.vector_load %arg12[%get3A_902, %get3A_903] {strides = array<i32>} : memref<256x128xf32, #tpu.memory_space<vmem>>, vector<1x16xf32>,
      %get3A_905 = vector.shape_cast %get3A_904 : vector<1x16xf32> to vector<16xf32>
      %mul3A_906 = arith.mulf %get3A_883, %get3A_889 : vector<16xf32>
      %mul3A_907 = arith.mulf %get3A_897, %get3A_905 : vector<16xf32>
      %add3A_908 = arith.addf %mul3A_906, %mul3A_907 : vector<16xf32>
      %gather3A_909 = vector.shape_cast %reshape3A : vector<16x1xi32> to vector<16xi32>
      %gather3A_910 = tpu.dynamic_gather %add3A_908[%gather3A_909] in [0] : vector<16xf32>, vector<16xi32> -> vector<16xf32>
      %add3A_911 = arith.addf %add3A_908, %gather3A_910 : vector<16xf32>
      %gather3A_912 = vector.shape_cast %reshape3A_13 : vector<16x1xi32> to vector<16xi32>
      %gather3A_913 = tpu.dynamic_gather %add3A_911[%gather3A_912] in [0] : vector<16xf32>, vector<16xi32> -> vector<16xf32>
      %add3A_914 = arith.addf %add3A_911, %gather3A_913 : vector<16xf32>
      %gather3A_915 = vector.shape_cast %reshape3A_17 : vector<16x1xi32> to vector<16xi32>
      %gather3A_916 = tpu.dynamic_gather %add3A_914[%gather3A_915] in [0] : vector<16xf32>, vector<16xi32> -> vector<16xf32>
      %add3A_917 = arith.addf %add3A_914, %gather3A_916 : vector<16xf32>
      %gather3A_918 = vector.shape_cast %reshape3A_21 : vector<16x1xi32> to vector<16xi32>
      %gather3A_919 = tpu.dynamic_gather %add3A_917[%gather3A_918] in [0] : vector<16xf32>, vector<16xi32> -> vector<16xf32>
      %add3A_920 = arith.addf %add3A_917, %gather3A_919 : vector<16xf32>
      %eq3A_921 = arith.constant 15 : i32
      %eq3A_922 = vector.broadcast %eq3A_921 : i32 to vector<16xi32>
      %eq3A_923 = arith.cmpi eq, %iota3A, %eq3A_922 : vector<16xi32>
      %select_n3A_924 = arith.select %eq3A_923, %add3A_920, %select_n3A_871 : vector<16xi1>, vector<16xf32>
      %swap3A = arith.index_cast %add3A_76 : i32 to index
      %swap3A_925 = tpu.vector_load %arg13[%swap3A] {strides = array<i32>} : memref<512xf32, #tpu.memory_space<vmem>>, vector<16xf32>,
      %swap3A_926 = vector.shape_cast %swap3A_925 : vector<16xf32> to vector<16xf32>
      %swap3A_927 = vector.shape_cast %select_n3A_924 : vector<16xf32> to vector<16xf32>
      tpu.vector_store %arg13[%swap3A], %swap3A_927 {strides = array<i32>} : memref<512xf32, #tpu.memory_space<vmem>>, vector<16xf32>,
    }
    %scan3A_71 = arith.constant 16 : i32
    "tpu.region"() ({
      %run_scoped3A = tpu.sem_alloc : memref<!tpu.dma_semaphore, #tpu.memory_space<semaphore_mem>>
      %dma_start3A_72 = tpu.memref_slice %arg6[%mul3A_2] : memref<16384xf32, #tpu.memory_space<hbm>> -> memref<512xf32, #tpu.memory_space<hbm>>
      %dma_start3A_73 = tpu.memref_slice %arg6[%mul3A_2] : memref<16384xf32, #tpu.memory_space<hbm>> -> memref<512xf32, #tpu.memory_space<hbm>>
      tpu.enqueue_dma source(%arg13 : memref<512xf32, #tpu.memory_space<vmem>>) target(%dma_start3A_73 : memref<512xf32, #tpu.memory_space<hbm>>) target_semaphore(%run_scoped3A : memref<!tpu.dma_semaphore, #tpu.memory_space<semaphore_mem>>)
      %dma_wait3A_74 = tpu.memref_slice %arg6[%mul3A_2] : memref<16384xf32, #tpu.memory_space<hbm>> -> memref<512xf32, #tpu.memory_space<hbm>>
      %dma_wait3A_75 = tpu.memref_slice %arg6[%mul3A_2] : memref<16384xf32, #tpu.memory_space<hbm>> -> memref<512xf32, #tpu.memory_space<hbm>>
      tpu.wait_dma2 semaphore(%run_scoped3A : memref<!tpu.dma_semaphore, #tpu.memory_space<semaphore_mem>>) src(%arg13 : memref<512xf32, #tpu.memory_space<vmem>>) dst(%dma_wait3A_75 : memref<512xf32, #tpu.memory_space<hbm>>)
      tpu.yield
    }) : () -> ()
    return
  }
}

</mosaic_0001>

<sc_bundles>
// kernel: _mf.3.cloned.1.call-start
scs
__scs_entry_jumppad:
0x0: {  	(pc) =	sbr.rel $0x88, $3  }
0x1: {  	(tag) =	ssettag $0x0;
	lr =	simm.s32 $0x1  }
0x2: {  	[smem:$0x3F9D] =	sst lr;
	_ =	strace $0xD0000000  }
0x3: {  	_ = 	snop  }
0x4: {  	_ = 	snop  }
0x5: {  	_ = 	snop  }
0x6: {  	_ = 	snop  }
0x7: {  	_ = 	snop  }
__scs_overlays_trampoline_lowered:
0x8: {  	[smem:$0x3FAC] =	sst s0  }
0x9: {  	[smem:$0x3FAD] =	sst s1  }
0xa: {  	[smem:$0x3FAE] =	sst s2  }
0xb: {  	[smem:$0x3FAF] =	sst s3  }
0xc: {  	[smem:$0x3FB0] =	sst s4  }
0xd: {  	[smem:$0x3FB1] =	sst s5  }
0xe: {  	[smem:$0x3FB2] =	sst s6  }
0xf: {  	[smem:$0x3FB3] =	sst s7  }
0x10: {  	[smem:$0x3FB4] =	sst s8  }
0x11: {  	[smem:$0x3FB5] =	sst s9;
	s0 =	simm.s32 @!p0 $0x0  }
0x12: {  	s1 =	sld [smem:$0x3F9B];
	s0 =	simm.s32 @p0 $0x1  }
0x13: {  	[smem:$0x3FB6] =	sst s0;
	s0 =	simm.s32 @!p1 $0x0  }
0x14: {  	s2 =	sld [smem:$0x3F9A];
	s0 =	simm.s32 @p1 $0x1  }
0x15: {  	[smem:$0x3FB7] =	sst s0;
	s0 =	simm.s32 @!p2 $0x0  }
0x16: {  	s3 =	sld [smem:$0x3FDB];
	s0 =	simm.s32 @p2 $0x1  }
0x17: {  	s4 =	simm.s32 $0x1BF5;
	[smem:$0x3FB9] =	sst s0  }
0x18: {  	s0 =	sld [smem:$0x3F9C];
	_ =	swait.ge [sflag:s4], $0x0  }
0x19: {  	s7 =	sld [smem:$0x3F9D]  }
0x1a: {  	s8 =	sadd.s32 $0xFFFFE003, lr  }
0x1b: {  	s9 =	sadd.s32 $0xFFFFFEF7, lr;
	s5 =	simm.s32 $0xFFFFFFFF;
	p2 =	slt.u32 s8, $0xFFFFF086  }
0x1c: {  	p1 =	slt.u32 s9, $0xF7A;
	s5 =	simm.s32 @!p2 $0x0  }
0x1d: {  	s5 =	simm.s32 @p1 $0x1;
	p0 =	seq.s32 s7, s2  }
0x1e: {  	s7 =	smul.u32 @!p0 $0xF7A, s2;
	p2 =	seq.s32 @!p0 s5, $0x0  }
0x1f: {  	s9 =	smul.u32 $0xF7A, s1;
	s8 =	simm.s32 @!p0 $0x1BF5;
	p2 =	por !p2, p0  }
0x20: {  	[sflag:s8] =	ssyncset.s32 @!p0 $0xFFFFF086;
	s6 =	sadd.s32 @!p0 s3, s7;
	s7 =	simm.s32 @!p0 $0x108  }
0x21: {  	s3 =	sadd.s32 s3, s9;
	s6 =	sadd.s32 @!p0 $0x88, s6;
	s7 =	simm.s32 @p2 $0x1082  }
0x22: {  	[simem:s7], [sflag:s8] =	dma.local @!p0 [hbm:s6], $0xF7A  }
0x23: {  	s9 =	sor.u32 $0xD0000000, s2;
	s6 =	simm.s32 $0x108;
	_ =	swait.ge @!p0 [sflag:s8], $0x0  }
0x24: {  	s3 =	sadd.s32 $0x88, s3;
	s6 =	simm.s32 @!p1 $0x1082;
	[sflag:s4] =	ssyncset.s32 $0xFFFFF086  }
0x25: {  	[simem:s6], [sflag:s4] =	dma.local [hbm:s3], $0xF7A  }
0x26: {  	[smem:$0x3F9D] =	sst s1;
	(tag) =	ssettag s2;
	_ =	strace s9  }
0x27: {  	s1 =	sld [smem:$0x3FAD]  }
0x28: {  	s2 =	sld [smem:$0x3FAE]  }
0x29: {  	s4 =	sld [smem:$0x3FB0]  }
0x2a: {  	p0 =	seq.s32 s5, $0x0;
	s5 =	sld [smem:$0x3FB1]  }
0x2b: {  	s6 =	sld [smem:$0x3FB2]  }
0x2c: {  	s7 =	sld [smem:$0x3FB3]  }
0x2d: {  	s3 =	simm.s32 $0x108;
	s8 =	sld [smem:$0x3FB4]  }
0x2e: {  	s3 =	simm.s32 @!p0 $0x1082;
	s9 =	sld [smem:$0x3FB5]  }
0x2f: {  	lr =	sadd.s32 s0, s3;
	s0 =	sld [smem:$0x3FAC]  }
0x30: {  	s3 =	sld [smem:$0x3FAF]  }
0x31: {  	[smem:$0x3FB8] =	sst s10  }
0x32: {  	s10 =	sld [smem:$0x3FB6];
	_ =	sdelay $0x3  }
0x33: {  	p0 =	seq.s32 s10, $0x1;
	s10 =	sld [smem:$0x3FB8];
	_ =	sdelay $0x3  }
0x34: {  	[smem:$0x3FB8] =	sst s10  }
0x35: {  	s10 =	sld [smem:$0x3FB7];
	_ =	sdelay $0x3  }
0x36: {  	p1 =	seq.s32 s10, $0x1;
	s10 =	sld [smem:$0x3FB8];
	_ =	sdelay $0x3  }
0x37: {  	[smem:$0x3FB8] =	sst s10  }
0x38: {  	s10 =	sld [smem:$0x3FB9]  }
0x39: {  	_ = 	snop;
	(pc) =	sbr.ind lr, $3  }
0x3a: {  	_ = 	snop  }
0x3b: {  	_ = 	snop  }
0x3c: {  	p2 =	seq.s32 s10, $0x1;
	s10 =	sld [smem:$0x3FB8]  }
0x3d: {  	_ =	shalt  }
0x3e: {  	_ =	shalt  }
0x3f: {  	_ =	shalt  }
0x40: {  	_ =	shalt  }
0x41: {  	_ =	shalt  }
0x42: {  	_ =	shalt  }
0x43: {  	_ =	shalt  }
0x44: {  	_ =	shalt  }
0x45: {  	_ =	shalt  }
0x46: {  	_ =	shalt  }
0x47: {  	_ =	shalt  }
0x48: {  	_ =	shalt  }
0x49: {  	_ =	shalt  }
0x4a: {  	_ =	shalt  }
0x4b: {  	_ =	shalt  }
0x4c: {  	_ =	shalt  }
0x4d: {  	_ =	shalt  }
0x4e: {  	_ =	shalt  }
0x4f: {  	_ =	shalt  }
0x50: {  	_ =	shalt  }
0x51: {  	_ =	shalt  }
0x52: {  	_ =	shalt  }
0x53: {  	_ =	shalt  }
0x54: {  	_ =	shalt  }
0x55: {  	_ =	shalt  }
0x56: {  	_ =	shalt  }
0x57: {  	_ =	shalt  }
0x58: {  	_ =	shalt  }
0x59: {  	_ =	shalt  }
0x5a: {  	_ =	shalt  }
0x5b: {  	_ =	shalt  }
0x5c: {  	_ =	shalt  }
0x5d: {  	_ =	shalt  }
0x5e: {  	_ =	shalt  }
0x5f: {  	_ =	shalt  }
0x60: {  	_ =	shalt  }
0x61: {  	_ =	shalt  }
0x62: {  	_ =	shalt  }
0x63: {  	_ =	shalt  }
0x64: {  	_ =	shalt  }
0x65: {  	_ =	shalt  }
0x66: {  	_ =	shalt  }
0x67: {  	_ =	shalt  }
0x68: {  	_ =	shalt  }
0x69: {  	_ =	shalt  }
0x6a: {  	_ =	shalt  }
0x6b: {  	_ =	shalt  }
0x6c: {  	_ =	shalt  }
0x6d: {  	_ =	shalt  }
0x6e: {  	_ =	shalt  }
0x6f: {  	_ =	shalt  }
0x70: {  	_ =	shalt  }
0x71: {  	_ =	shalt  }
0x72: {  	_ =	shalt  }
0x73: {  	_ =	shalt  }
0x74: {  	_ =	shalt  }
0x75: {  	_ =	shalt  }
0x76: {  	_ =	shalt  }
0x77: {  	_ =	shalt  }
0x78: {  	_ =	shalt  }
0x79: {  	_ =	shalt  }
0x7a: {  	_ =	shalt  }
0x7b: {  	_ =	shalt  }
0x7c: {  	_ =	shalt  }
0x7d: {  	_ =	shalt  }
0x7e: {  	_ =	shalt  }
0x7f: {  	_ =	shalt  }
0x80: {  	_ =	shalt  }
0x81: {  	_ =	shalt  }
0x82: {  	_ =	shalt  }
0x83: {  	_ =	shalt  }
0x84: {  	_ =	shalt  }
0x85: {  	_ =	shalt  }
0x86: {  	_ =	shalt  }
0x87: {  	_ =	shalt  }
.Lfunc_end0:
.L_simem_size_0:
called_computation_lowered:
.L_overlay_start_0:
0x88: {  	s2 =	sld [smem:$0x3FD9]  }
0x89: {  	s3 =	sld [smem:$0x3FFE];
	_ =	sdelay $0x1  }
0x8a: {  	s1 =	srdreg.scid  }
0x8b: {  	s0 =	sand.u32 $0x1, s1  }
0x8c: {  	s18 =	sshll.u32 s0, $0xA;
	s2 =	sadd.s32 s3, s2  }
0x8d: {  	s2 =	sadd.s32 s2, s18  }
0x8e: {  	[smem:$0x3FC4] =	sst s2  }
0x8f: {  	_ = 	snop  }
0x90: {  	s2 =	sld [smem:$0x3FC9]  }
0x91: {  	s19 =	sld [smem:$0x3FC8]  }
0x92: {  	s4 =	sld [smem:$0x3FC7]  }
0x93: {  	s5 =	sld [smem:$0x3FC6]  }
0x94: {  	s6 =	sld [smem:$0x3FD0];
	(tm) =	ssettm $0x1  }
0x95: {  	s7 =	sld [smem:$0x3FFB];
	_ =	sdelay $0x3  }
0x96: {  	_ =	strace s7  }
0x97: {  	s7 =	sld [smem:$0x3FFC];
	_ =	sdelay $0x3  }
0x98: {  	_ =	strace s7  }
0x99: {  	s7 =	sld [smem:$0x3FFD];
	_ =	sdelay $0x3  }
0x9a: {  	_ =	strace s7  }
0x9b: {  	_ =	strace $0x8FFFFFFF  }
0x9c: {  	s20 =	sld [smem:$0x3FDB];
	_ =	sdelay $0x1  }
0x9d: {  	s8 =	simm.s32 $_scs_section_size  }
0x9e: {  	s9 =	simm.s32 $_size__tile_overlayer_lowered;
	s10 =	simm.s32 $_tile_overlayer_lowered  }
0x9f: {  	s23 =	simm.s32 $0x1BFF;
	s22 =	sshll.u32 s10, $0x1;
	s7 =	sadd.s32 s8, s20  }
0xa0: {  	s11 =	simm.s32 $0x0;
	s21 =	sshll.u32 s9, $0x1;
	s9 =	sadd.s32 s22, s7  }
0xa1: {  	[timem:s11], [sflag:s23] =	dma.local [hbm:s9], s21  }
0xa2: {  	_ =	swait.ge [sflag:s23], s21  }
0xa3: {  	s8 =	ssub.s32 $0x0, s21;
	[sflag:s23] =	ssyncset.done $0x0  }
0xa4: {  	[sflag:s23] =	ssyncadd.s32 s8;
	_ =	sdelay $0x1  }
0xa5: {  	s24 =	simm.s32 $0x1B8B  }
0xa6: {  	_ =	swait.ge [sflag:s24], $0x1  }
0xa7: {  	[sflag:s24] =	ssyncset.done $0x0  }
0xa8: {  	s25 =	simm.s32 $0x1B8E;
	[sflag:s24] =	ssyncadd.s32 $0xFFFFFFFF  }
0xa9: {  	s26 =	simm.s32 $execute0_lowered;
	[smem:$0x3FD2] =	sst s25  }
0xaa: {  	s8 =	sshll.u32 s26, $0x1;
	_ =	strace $0x80000046;
	[dreg:$0x1] =	wrdreg $0xFFFFFFFF  }
0xab: {  	s28 =	simm.s32 $_size_execute0_lowered;
	s7 =	sadd.s32 s7, s8;
	[dreg:$0x0] =	wrdreg $0x0  }
0xac: {  	s8 =	sshll.u32 s28, $0x1;
	[dreg:$0x2] =	wrdreg s7  }
0xad: {  	[dreg:$0x3] =	wrdreg s8  }
0xae: {  	[dreg:$0x4] =	wrdreg $0xC0  }
0xaf: {  	_ =	task [dreg:s11], $0x5FFFF  }
0xb0: {  	[dreg:$0x1] =	wrdreg $0xFFFFFFFF  }
0xb1: {  	[dreg:$0x0] =	wrdreg $0x60  }
0xb2: {  	[dreg:$0x2] =	wrdreg s2  }
0xb3: {  	[dreg:$0x3] =	wrdreg s19  }
0xb4: {  	[dreg:$0x4] =	wrdreg s4  }
0xb5: {  	[dreg:$0x5] =	wrdreg s5  }
0xb6: {  	[dreg:$0x6] =	wrdreg s6  }
0xb7: {  	[dreg:$0x7] =	wrdreg $0x9  }
0xb8: {  	_ =	task.clear_ibuf [dreg:s11], $0x8FFFF;
	_ =	strace $0x90000046  }
0xb9: {  	s29 =	simm.s32 $0x9;
	_ =	strace $0x80000048  }
0xba: {  	_ =	swait.ge [sflag:s29], $0x1  }
0xbb: {  	[sflag:s29] =	ssyncadd.s32 $0xFFFFFFFF  }
0xbc: {  	_ =	strace $0x90000048  }
0xbd: {  	_ =	sfence  }
0xbe: {  	s30 =	sld [smem:$0x0];
	_ =	sdelay $0x2  }
0xbf: {  	s31 =	sshll.u32 s1, $0xD;
	s1 =	sshrl.u32 s1, $0x2  }
0xc0: {  	s3 =	sand.u32 $0x4000, s31;
	s1 =	sadd.s32 s1, s30  }
0xc1: {  	s0 =	sor.u32 s3, s0;
	s1 =	sshll.u32 s1, $0x11  }
0xc2: {  	s0 =	sor.u32 s1, s0  }
0xc3: {  	s0 =	sadd.s32 $0x8F2B, s0  }
0xc4: {  	[sflag:s0] =	ssyncadd.remote.s32 $0x1  }
0xc5: {  	_ =	sfence.sel $0xFFFF  }
0xc6: {  	[dreg:$0x0] =	wrdreg $0xFFFFFFFF;
	(pc) =	sbr.abs _section_cstart, $3  }
0xc7: {  	[dreg:$0x1] =	wrdreg $0xFFFFFFFF  }
0xc8: {  	_ =	task.clear_ibuf [dreg:s11], $0x2FFFF;
	_ =	strace $0x9FFFFFFF  }
0xc9: {  	(tm) =	ssettm $0x7FFFFFFF  }
tec
execute0_lowered:
.L_overlay_start_1:
0x0: {  	(tag) =	ssettag $0x1  }
0x1: {  	v0 =	vimm.s32 $0xEFCDAB89;
	v1 =	vimm.s32 $0x67452301  }
0x2: {  	v2 =	vimm.s32 $0xDCFE98BA;
	v3 =	vimm.s32 $0x54761032;
	v4 =	vimm.s32 $0xBA98FEDC  }
0x3: {  	v5 =	vimm.s32 $0x32107654;
	v6 =	vimm.s32 $0xFEDCBA98;
	v7 =	vimm.s32 $0x76543210  }
0x4: {  	vm0 =	vmmov $0x1;
	vm1 =	vmmov $0x3;
	vm2 =	vmmov $0x7  }
0x5: {  	vm3 =	vmmov $0xf;
	vm4 =	vmmov $0x1f;
	vm5 =	vmmov $0x3f  }
0x6: {  	vm6 =	vmmov $0x7f;
	vm7 =	vmmov $0xff;
	vm8 =	vmmov $0x1ff  }
0x7: {  	s0 =	rddreg [dreg:$0x0];
	vm9 =	vmmov $0x3ff;
	vm10 =	vmmov $0x7ff;
	vm11 =	vmmov $0xfff  }
0x8: {  	s1 =	rddreg [dreg:$0x1];
	vm12 =	vmmov $0x1fff;
	v0 =	vunpack.c.l.s4.s8 v0;
	v1 =	vunpack.c.l.s4.s8 v1  }
0x9: {  	s2 =	rddreg [dreg:$0x4];
	v2 =	vunpack.c.l.s4.s8 v2;
	v3 =	vunpack.c.l.s4.s8 v3;
	v4 =	vunpack.c.l.s4.s8 v4  }
0xa: {  	s3 =	srdreg.scid;
	s4 =	simm.s32 $0x0;
	s6 =	stileid.u32;
	v5 =	vunpack.c.l.s4.s8 v5;
	v6 =	vunpack.c.l.s4.s8 v6;
	v7 =	vunpack.c.l.s4.s8 v7  }
0xb: {  	s9 =	simm.s32 $0x2;
	s16 =	simm.s32 $0x1;
	s3 =	sand.u32 $0x1, s3;
	v0 =	vunpack.c.0.s8.s32 v0;
	v1 =	vunpack.c.0.s8.s32 v1;
	v2 =	vunpack.c.0.s8.s32 v2  }
0xc: {  	s6 =	sshll.u32 s6, $0x7;
	s5 =	ssub.s32 $0x2, s3;
	s3 =	sshll.u32 s3, $0x6;
	v3 =	vunpack.c.0.s8.s32 v3;
	v4 =	vunpack.c.0.s8.s32 v4;
	v5 =	vunpack.c.0.s8.s32 v5  }
0xd: {  	vm13 =	vmmov $0x3fff;
	s20 =	simm.s32 $0x0;
	[smem:$0x7FF] =	sst s4;
	s3 =	sor.u32 s3, s6;
	v0 =	vcombine.low v1, v0;
	v1 =	vunpack.c.0.s8.s32 v6  }
0xe: {  	_ =	strace $0x80000047;
	s7 =	sshrl.u32 s5, $0x1;
	s0 =	sadd.s32 s0, s3;
	v2 =	vcombine.low v3, v2;
	v3 =	vcombine.low v5, v4;
	v4 =	vunpack.c.0.s8.s32 v7  }
0xf: {  	vm14 =	vmmov $0x7fff;
	s8 =	ssub.s32 s5, s7;
	s31 =	sadd.s32 s1, s3;
	[dreg:$0x6] =	wrdreg s0;
	v0 =	vand.u32 $0xF, v0;
	v5 =	vand.u32 $0xF, v1  }
0x10: {  	s7 =	sadd.s32 s2, s3;
	[dreg:$0x7] =	wrdreg s31;
	s8 =	smax.u32 s8, $0x1;
	v1 =	vand.u32 $0xF, v2;
	v2 =	vand.u32 $0xF, v3;
	v3 =	vcombine.low v5, v4  }
.LBB2_1:
0x11: {  	s0 =	rddreg [dreg:$0x6]  }
0x12: {  	[tilespmem:s4], [sflag:$0x2] =	stream.linear.gather [hbm4b:s0+s4], $0x200, $0x38;
	[tilespmem:$0x10A00] =	vst v63  }
0x13: {  	_ =	swait.ge [sflag:s9], $0x200  }
0x14: {  	[sflag:s9] =	ssyncset.done $0x0  }
0x15: {  	s1 =	simm.s32 $0x200;
	s31 =	rddreg [dreg:$0x7];
	[sflag:s9] =	ssyncadd.s32 $0xFFFFFE00  }
0x16: {  	[tilespmem:s1], [sflag:$0x2] =	stream.linear.gather [hbm4b:s31+s4], $0x200, $0x38;
	[tilespmem:$0x10A00] =	vst v63  }
0x17: {  	_ =	swait.ge [sflag:s9], $0x200  }
0x18: {  	[sflag:s9] =	ssyncset.done $0x0  }
0x19: {  	s0 =	simm.s32 $0x0;
	[sflag:s9] =	ssyncadd.s32 $0xFFFFFE00  }
0x1a: {  	v4 =	vld [tilespmem:s0+$0x0]  }
0x1b: {  	v5 =	vld [tilespmem:s0+$0x200];
	_ =	sdelay $0x3  }
0x1c: {  	v6 =	vshra.s32 v4, $0x2;
	v4 =	vshll.u32 v4, $0x5  }
0x1d: {  	[tilespmem:s0+$0x400] =	vst v6;
	v4 =	vand.u32 $0x60, v4;
	v6 =	vshll.u32 v5, $0x5  }
0x1e: {  	s1 =	simm.s32 $0x10;
	[tilespmem:s0+$0x0] =	vst v4;
	v6 =	vand.u32 $0x60, v6  }
0x1f: {  	s2 =	simm.s32 $0x80;
	v5 =	vshra.s32 v5, $0x2;
	v4 =	vld [tilespmem:s1+$0x0];
	[tilespmem:s0+$0x200] =	vst v6  }
.LBB2_2:
0x20: {  	p0 =	sne.s32 s2, $0x7C0;
	v6 =	vld [tilespmem:s1+$0x200];
	[tilespmem:s0+$0x600] =	vst v5;
	s0 =	smov.u32 s1;
	_ =	sdelay $0x2  }
.Ltmp0:
0x21: {  	(pc) =	sbr.rel @p0 .LBB2_2-.Ltmp0, $4  }
0x22: {  	v5 =	vshra.s32 v4, $0x2;
	v4 =	vshll.u32 v4, $0x5  }
0x23: {  	[tilespmem:s0+$0x400] =	vst v5;
	v5 =	vshra.s32 v6, $0x2;
	v4 =	vand.u32 $0x60, v4;
	v6 =	vshll.u32 v6, $0x5  }
0x24: {  	s1 =	sshra.s32 s2, $0x2;
	[tilespmem:s0+$0x0] =	vst v4;
	v6 =	vand.u32 $0x60, v6  }
0x25: {  	s2 =	sadd.s32 $0x40, s2;
	v4 =	vld [tilespmem:s1+$0x0];
	[tilespmem:s0+$0x200] =	vst v6  }
0x26: {  	v6 =	vld [tilespmem:s1+$0x200];
	_ =	sdelay $0x3  }
0x27: {  	[tilespmem:s0+$0x600] =	vst v5;
	v5 =	vshra.s32 v4, $0x2;
	v4 =	vshll.u32 v4, $0x5  }
0x28: {  	[tilespmem:s1+$0x400] =	vst v5;
	v4 =	vand.u32 $0x60, v4;
	v5 =	vshll.u32 v6, $0x5  }
0x29: {  	[tilespmem:s1+$0x0] =	vst v4;
	v4 =	vand.u32 $0x60, v5  }
0x2a: {  	s26 =	rddreg [dreg:$0x2];
	v5 =	vshra.s32 v6, $0x2;
	[tilespmem:s1+$0x200] =	vst v4  }
0x2b: {  	s28 =	simm.s32 $0x100;
	s2 =	simm.s32 $0x400;
	s3 =	simm.s32 $0x800;
	[tilespmem:s1+$0x600] =	vst v5  }
0x2c: {  	[tilespmem:s3], [sflag:$0x1] =	stream.indirect.gather [hbm4b:s26+s28], $0x80, s2, s28, $0xb8;
	[tilespmem:$0x10A00] =	vst v63  }
0x2d: {  	s29 =	rddreg [dreg:$0x3];
	s30 =	simm.s32 $0x600;
	s31 =	simm.s32 $0x8800  }
0x2e: {  	[tilespmem:s31], [sflag:$0x1] =	stream.indirect.gather [hbm4b:s29+s28], $0x80, s30, s28, $0xb8;
	[tilespmem:$0x10A00] =	vst v63  }
0x2f: {  	_ =	swait.ge [sflag:s16], $0x8000  }
0x30: {  	[sflag:s16] =	ssyncset.done $0x0  }
0x31: {  	[sflag:s16] =	ssyncadd.s32 $0xFFFF8000  }
0x32: {  	_ =	swait.ge [sflag:s16], $0x8000  }
0x33: {  	s21 =	simm.s32 $0x0;
	s22 =	simm.s32 $0x200;
	[sflag:s16] =	ssyncset.done $0x0  }
0x34: {  	s23 =	simm.s32 $0x10800;
	s24 =	simm.s32 $0x0;
	[sflag:s16] =	ssyncadd.s32 $0xFFFF8000  }
.LBB2_4:
0x35: {  	v5 =	vld [tilespmem:s21+$0x0]  }
0x36: {  	v4 =	vld [tilespmem:s22+$0x0];
	_ =	sdelay $0x3  }
0x37: {  	(v2sf) =	vpush v5, $0x0  }
0x38: {  	(v2sf) =	vpush v4, $0x0  }
0x39: {  	(v2sf) =	vpush v5, $0x1  }
0x3a: {  	(v2sf) =	vpush v4, $0x1  }
0x3b: {  	(v2sf) =	vpush v5, $0x2;
	_ =	sdelay $0x2  }
0x3c: {  	(v2sf) =	vpush v4, $0x2  }
0x3d: {  	(v2sf) =	vpush v5, $0x3;
	_ =	sdelay $0x1  }
0x3e: {  	(v2sf) =	vpush v4, $0x3;
	_ =	sdelay $0x1  }
0x3f: {  	(v2sf) =	vpush v5, $0x4;
	_ =	sdelay $0x1  }
0x40: {  	(v2sf) =	vpush v4, $0x4  }
0x41: {  	(v2sf) =	vpush v5, $0x5;
	s0 =	spop (v2sf)  }
0x42: {  	(v2sf) =	vpush v4, $0x5;
	s1 =	spop (v2sf);
	s2 =	sand.u32 $0x7, s0;
	s0 =	sshll.u32 s0, $0x2  }
0x43: {  	s25 =	sshra.s32 s24, $0x2;
	(v2sf) =	vpush v5, $0x6;
	s10 =	spop (v2sf);
	s0 =	sand.u32 $0xFFFFFFE0, s0  }
0x44: {  	(v2sf) =	vpush v4, $0x6;
	s2 =	sshll.u32 s2, $0x2;
	s13 =	sand.u32 $0x7, s1;
	s18 =	spop (v2sf)  }
0x45: {  	s1 =	sshll.u32 s1, $0x2;
	s0 =	sor.u32 s2, s0;
	s19 =	spop (v2sf);
	(v2sf) =	vpush v5, $0x7  }
0x46: {  	s1 =	sand.u32 $0xFFFFFFE0, s1;
	s31 =	sshll.u32 s10, $0x2;
	s15 =	sand.u32 $0x7, s10;
	(v2sf) =	vpush v4, $0x7  }
0x47: {  	s0 =	sshra.s32 s0, $0x2;
	s5 =	sand.u32 $0xFFFFFFE0, s31;
	s6 =	sand.u32 $0x7, s18  }
0x48: {  	s18 =	sshll.u32 s18, $0x2;
	s30 =	spop (v2sf);
	s17 =	sadd.s32 s25, s0  }
0x49: {  	s0 =	sshll.u32 s13, $0x2;
	s13 =	sand.u32 $0xFFFFFFE0, s18;
	s11 =	spop (v2sf)  }
0x4a: {  	s0 =	sor.u32 s0, s1;
	s1 =	sshll.u32 s15, $0x2;
	s15 =	sshll.u32 s6, $0x2  }
0x4b: {  	s28 =	spop (v2sf);
	s1 =	sor.u32 s1, s5;
	s0 =	sshra.s32 s0, $0x2  }
0x4c: {  	s10 =	sor.u32 s15, s13;
	s5 =	sand.u32 $0x7, s19;
	s19 =	sshll.u32 s19, $0x2  }
0x4d: {  	s15 =	sand.u32 $0x7, s30;
	s14 =	spop (v2sf);
	s1 =	sshra.s32 s1, $0x2  }
0x4e: {  	s13 =	sadd.s32 s25, s0;
	s18 =	sshra.s32 s10, $0x2;
	s6 =	sand.u32 $0xFFFFFFE0, s19  }
0x4f: {  	(v2sf) =	vpush v5, $0x8;
	s10 =	sshll.u32 s5, $0x2;
	s5 =	sshll.u32 s30, $0x2;
	s12 =	spop (v2sf)  }
0x50: {  	(v2sf) =	vpush v4, $0x8;
	s1 =	sadd.s32 s25, s1;
	s18 =	sadd.s32 s25, s18;
	s2 =	spop (v2sf)  }
0x51: {  	s0 =	sor.u32 s10, s6;
	s19 =	sand.u32 $0xFFFFFFE0, s5;
	s3 =	spop (v2sf)  }
0x52: {  	s10 =	sshll.u32 s15, $0x2;
	s6 =	sand.u32 $0x7, s11;
	s29 =	spop (v2sf)  }
0x53: {  	s11 =	sshll.u32 s11, $0x2;
	s0 =	sshra.s32 s0, $0x2;
	s26 =	spop (v2sf)  }
0x54: {  	s19 =	sor.u32 s10, s19;
	s11 =	sand.u32 $0xFFFFFFE0, s11;
	s31 =	spop (v2sf);
	(v2sf) =	vpush v5, $0x9  }
0x55: {  	s15 =	sshll.u32 s6, $0x2;
	s5 =	sadd.s32 s25, s0;
	s10 =	spop (v2sf);
	(v2sf) =	vpush v4, $0x9  }
0x56: {  	s6 =	sshra.s32 s19, $0x2;
	s11 =	sor.u32 s15, s11;
	s15 =	sand.u32 $0x7, s28  }
0x57: {  	s0 =	sadd.s32 s25, s6;
	s11 =	sshra.s32 s11, $0x2;
	s6 =	sshll.u32 s28, $0x2  }
0x58: {  	s15 =	sshll.u32 s15, $0x2;
	s19 =	sadd.s32 s25, s11;
	s6 =	sand.u32 $0xFFFFFFE0, s6  }
0x59: {  	v12 =	vld [tilespmem:s18+$0x8880];
	s6 =	sor.u32 s15, s6;
	s15 =	sand.u32 $0x7, s14;
	s14 =	sshll.u32 s14, $0x2  }
0x5a: {  	v13 =	vld [tilespmem:s18+$0x8890];
	s18 =	sand.u32 $0x7, s29;
	s29 =	sshll.u32 s29, $0x2;
	s14 =	sand.u32 $0xFFFFFFE0, s14  }
0x5b: {  	v6 =	vld [tilespmem:s17+$0x800];
	s11 =	sshll.u32 s15, $0x2;
	s15 =	sand.u32 $0x7, s12;
	s12 =	sshll.u32 s12, $0x2  }
0x5c: {  	v7 =	vld [tilespmem:s17+$0x810];
	s6 =	sshra.s32 s6, $0x2;
	s11 =	sor.u32 s11, s14;
	s17 =	sand.u32 $0xFFFFFFE0, s12  }
0x5d: {  	s14 =	sshll.u32 s15, $0x2;
	s6 =	sadd.s32 s25, s6;
	s15 =	sand.u32 $0x7, s2  }
0x5e: {  	v8 =	vld [tilespmem:s13+$0x8800];
	s11 =	sshra.s32 s11, $0x2;
	s14 =	sor.u32 s14, s17;
	s30 =	spop (v2sf);
	(v2sf) =	vpush v5, $0xA  }
0x5f: {  	v9 =	vld [tilespmem:s13+$0x8810];
	s17 =	sshll.u32 s2, $0x2;
	s13 =	sshll.u32 s15, $0x2;
	s28 =	spop (v2sf);
	(v2sf) =	vpush v4, $0xA  }
0x60: {  	s15 =	sand.u32 $0x7, s3;
	s3 =	sshll.u32 s3, $0x2;
	s12 =	sadd.s32 s25, s11  }
0x61: {  	v10 =	vld [tilespmem:s1+$0x880];
	s11 =	sshra.s32 s14, $0x2;
	s14 =	sand.u32 $0xFFFFFFE0, s17;
	s3 =	sand.u32 $0xFFFFFFE0, s3  }
0x62: {  	v11 =	vld [tilespmem:s1+$0x890];
	s14 =	sor.u32 s13, s14;
	s13 =	sshll.u32 s15, $0x2;
	s11 =	sadd.s32 s25, s11  }
0x63: {  	v14 =	vld [tilespmem:s5+$0x900];
	s15 =	sand.u32 $0xFFFFFFE0, s29;
	s1 =	sshra.s32 s14, $0x2;
	s2 =	spop (v2sf);
	(v2sf) =	vpush v5, $0xB  }
0x64: {  	v18 =	vld [tilespmem:s19+$0x980];
	s17 =	sor.u32 s13, s3;
	s13 =	sshll.u32 s18, $0x2;
	s3 =	spop (v2sf);
	(v2sf) =	vpush v4, $0xB  }
0x65: {  	v19 =	vld [tilespmem:s19+$0x990];
	s18 =	sand.u32 $0x7, s31;
	s19 =	sshll.u32 s31, $0x2;
	s14 =	sadd.s32 s25, s1  }
0x66: {  	v16 =	vld [tilespmem:s5+$0x910];
	s1 =	sshra.s32 s17, $0x2;
	s5 =	sor.u32 s13, s15;
	s13 =	sand.u32 $0x7, s26;
	(v2sf) =	vpush v5, $0xC  }
0x67: {  	v15 =	vld [tilespmem:s0+$0x8900];
	s15 =	sshll.u32 s26, $0x2;
	s31 =	sand.u32 $0xFFFFFFE0, s19;
	s17 =	sadd.s32 s25, s1  }
0x68: {  	v17 =	vld [tilespmem:s0+$0x8910];
	s1 =	sshra.s32 s5, $0x2;
	s5 =	sand.u32 $0xFFFFFFE0, s15;
	s0 =	sshll.u32 s13, $0x2  }
0x69: {  	v20 =	vld [tilespmem:s6+$0x8980];
	s13 =	sshll.u32 s18, $0x2;
	s15 =	sand.u32 $0x7, s30;
	s18 =	sshll.u32 s30, $0x2  }
0x6a: {  	v6 =	vmul.f32 v8, v6;
	v7 =	vmul.f32 v9, v7;
	v21 =	vld [tilespmem:s6+$0x8990];
	s5 =	sor.u32 s0, s5;
	s0 =	sadd.s32 s25, s1;
	s1 =	sor.u32 s13, s31  }
0x6b: {  	v46 =	vmul.f32 v12, v10;
	v47 =	vmul.f32 v13, v11;
	v8 =	vld [tilespmem:s12+$0xA00];
	s13 =	sand.u32 $0x7, s10;
	s10 =	sshll.u32 s10, $0x2;
	s19 =	sand.u32 $0xFFFFFFE0, s18  }
0x6c: {  	v51 =	vld [tilespmem:s12+$0xA10];
	s31 =	sand.u32 $0x7, s28;
	s5 =	sshra.s32 s5, $0x2;
	s10 =	sand.u32 $0xFFFFFFE0, s10  }
0x6d: {  	v6 =	vadd.f32 v7, v6;
	v53 =	vadd.f32 v47, v46;
	v48 =	vld [tilespmem:s11+$0x8A00];
	s6 =	sshll.u32 s13, $0x2;
	s1 =	sshra.s32 s1, $0x2;
	s29 =	spop (v2sf)  }
0x6e: {  	v49 =	vmul.f32 v15, v14;
	v50 =	vmul.f32 v17, v16;
	v52 =	vld [tilespmem:s11+$0x8A10];
	s13 =	sshll.u32 s28, $0x2;
	s11 =	sshll.u32 s31, $0x2;
	s26 =	spop (v2sf);
	(v2sf) =	vpush v4, $0xC  }
0x6f: {  	v55 =	vmul.f32 v20, v18;
	v56 =	vmul.f32 v21, v19;
	v57 =	vld [tilespmem:s14+$0xA80];
	s5 =	sadd.s32 s25, s5;
	s6 =	sor.u32 s6, s10;
	s10 =	sshll.u32 s15, $0x2;
	(v2sf) =	vpush v5, $0xD  }
0x70: {  	v58 =	vperm.xlane v6, v0;
	v54 =	vadd.f32 v50, v49;
	v59 =	vld [tilespmem:s14+$0xA90];
	s12 =	sand.u32 $0xFFFFFFE0, s13;
	s1 =	sadd.s32 s25, s1;
	s6 =	sshra.s32 s6, $0x2  }
0x71: {  	v60 =	vperm.xlane v53, v0;
	v62 =	vld [tilespmem:s17+$0x8A80];
	v10 =	vadd.f32 v56, v55;
	s10 =	sor.u32 s10, s19;
	s11 =	sor.u32 s11, s12;
	s6 =	sadd.s32 s25, s6  }
0x72: {  	v6 =	vadd.f32 v6, v58;
	v61 =	vperm.xlane v54, v0;
	v63 =	vld [tilespmem:s17+$0x8A90];
	s14 =	sshll.u32 s2, $0x2;
	s2 =	sand.u32 $0x7, s2;
	s30 =	spop (v2sf)  }
0x73: {  	v7 =	vadd.f32 v53, v60;
	v36 =	vld [tilespmem:s0+$0xB00];
	v35 =	vperm.xlane v10, v0;
	s17 =	sand.u32 $0x7, s3;
	s18 =	sshll.u32 s3, $0x2;
	s3 =	spop (v2sf);
	(v2sf) =	vpush v4, $0xD  }
0x74: {  	v38 =	vperm.xlane v6, v1;
	v9 =	vadd.f32 v54, v61;
	v37 =	vld [tilespmem:s0+$0xB10];
	s10 =	sshra.s32 s10, $0x2;
	s15 =	sand.u32 $0xFFFFFFE0, s14;
	s2 =	sshll.u32 s2, $0x2  }
0x75: {  	v22 =	vperm.xlane v7, v1;
	v39 =	vld [tilespmem:s5+$0x8B00];
	s11 =	sshra.s32 s11, $0x2;
	v10 =	vadd.f32 v10, v35;
	s19 =	sor.u32 s2, s15;
	s2 =	spop (v2sf);
	(v2sf) =	vpush v5, $0xE  }
0x76: {  	v23 =	vperm.xlane v9, v1;
	v24 =	vld [tilespmem:s5+$0x8B10];
	s5 =	sadd.s32 s25, s10;
	s14 =	sand.u32 $0xFFFFFFE0, s18;
	s13 =	sshll.u32 s17, $0x2  }
0x77: {  	v6 =	vadd.f32 v6, v38;
	v7 =	vadd.f32 v7, v22;
	v41 =	vld [tilespmem:s1+$0xB80];
	s11 =	sadd.s32 s25, s11;
	v40 =	vperm.xlane v10, v1;
	s31 =	sor.u32 s13, s14;
	s0 =	sshra.s32 s19, $0x2  }
0x78: {  	v25 =	vld [tilespmem:s1+$0xB90];
	v9 =	vadd.f32 v9, v23;
	s13 =	sand.u32 $0x7, s29;
	s14 =	sshll.u32 s29, $0x2;
	s12 =	sshra.s32 s31, $0x2  }
0x79: {  	v42 =	vperm.xlane v6, v2;
	v26 =	vperm.xlane v7, v2;
	v43 =	vld [tilespmem:s6+$0x8B80];
	v10 =	vadd.f32 v10, v40;
	s10 =	sshll.u32 s13, $0x2;
	s1 =	sadd.s32 s25, s12;
	s12 =	sand.u32 $0xFFFFFFE0, s14  }
0x7a: {  	v28 =	vld [tilespmem:s6+$0x8B90];
	v27 =	vperm.xlane v9, v2;
	s17 =	sand.u32 $0x7, s26;
	s18 =	sshll.u32 s26, $0x2;
	s15 =	sor.u32 s10, s12  }
0x7b: {  	v6 =	vadd.f32 v6, v42;
	v7 =	vadd.f32 v7, v26;
	v45 =	vld [tilespmem:s5+$0xC00];
	v44 =	vperm.xlane v10, v2;
	s12 =	sand.u32 $0xFFFFFFE0, s18;
	s10 =	sshll.u32 s17, $0x2;
	s6 =	sshra.s32 s15, $0x2  }
0x7c: {  	v8 =	vmul.f32 v48, v8;
	v48 =	vmul.f32 v52, v51;
	v29 =	vld [tilespmem:s11+$0x8C00];
	v9 =	vadd.f32 v9, v27;
	s0 =	sadd.s32 s25, s0;
	s12 =	sor.u32 s10, s12;
	s6 =	sadd.s32 s25, s6  }
0x7d: {  	v47 =	vld [tilespmem:s5+$0xC10];
	v46 =	vperm.xlane v6, v3;
	v30 =	vperm.xlane v7, v3;
	v10 =	vadd.f32 v10, v44;
	s19 =	sshra.s32 s12, $0x2;
	s29 =	sshll.u32 s30, $0x2;
	s28 =	spop (v2sf)  }
0x7e: {  	v8 =	vadd.f32 v48, v8;
	v32 =	vld [tilespmem:s11+$0x8C10];
	v31 =	vperm.xlane v9, v3;
	s26 =	sand.u32 $0x7, s30;
	s30 =	sand.u32 $0xFFFFFFE0, s29;
	s10 =	spop (v2sf);
	(v2sf) =	vpush v4, $0xE  }
0x7f: {  	v6 =	vadd.f32 v6, v46;
	v7 =	vadd.f32 v7, v30;
	v49 =	vperm.xlane v10, v3;
	v50 =	vld [tilespmem:s0+$0xC80];
	s12 =	sshll.u32 s26, $0x2;
	s31 =	sand.u32 $0x7, s3;
	s3 =	sshll.u32 s3, $0x2  }
0x80: {  	v51 =	vmul.f32 v62, v57;
	v52 =	vmul.f32 v63, v59;
	v9 =	vadd.f32 v9, v31;
	v56 =	vld [tilespmem:s0+$0xC90];
	s5 =	sadd.s32 s25, s19;
	s11 =	sor.u32 s12, s30;
	s3 =	sand.u32 $0xFFFFFFE0, s3  }
0x81: {  	v60 =	vperm.xlane v8, v0;
	v6 =	vsel vm0, v6, v7;
	v57 =	vadd.f32 v10, v49;
	v53 =	vld [tilespmem:s1+$0x8C80];
	s12 =	sshll.u32 s31, $0x2;
	s17 =	sand.u32 $0x7, s2;
	s2 =	sshll.u32 s2, $0x2  }
0x82: {  	v58 =	vadd.f32 v52, v51;
	v6 =	vsel vm1, v6, v9;
	v59 =	vld [tilespmem:s1+$0x8C90];
	s11 =	sshra.s32 s11, $0x2;
	s13 =	sor.u32 s12, s3;
	s14 =	spop (v2sf);
	(v2sf) =	vpush v5, $0xF  }
0x83: {  	v54 =	vmul.f32 v39, v36;
	v55 =	vmul.f32 v24, v37;
	v7 =	vsel vm2, v6, v57;
	v6 =	vld [tilespmem:s5+$0x8D00];
	s2 =	sand.u32 $0xFFFFFFE0, s2;
	s18 =	sshll.u32 s17, $0x2;
	s26 =	sand.u32 $0x7, s28  }
0x84: {  	v62 =	vmul.f32 v43, v41;
	v63 =	vmul.f32 v28, v25;
	v20 =	vld [tilespmem:s5+$0x8D10];
	s28 =	sshll.u32 s28, $0x2;
	s11 =	sadd.s32 s25, s11;
	s19 =	spop (v2sf);
	(v2sf) =	vpush v4, $0xF  }
0x85: {  	v8 =	vadd.f32 v8, v60;
	v24 =	vperm.xlane v58, v0;
	v61 =	vadd.f32 v55, v54;
	s15 =	sshra.s32 s13, $0x2;
	s2 =	sor.u32 s18, s2;
	s12 =	sand.u32 $0xFFFFFFE0, s28;
	v13 =	vld [tilespmem:s11+$0xD80]  }
0x86: {  	v26 =	vmul.f32 v29, v45;
	v27 =	vmul.f32 v32, v47;
	v9 =	vadd.f32 v63, v62;
	s30 =	sand.u32 $0x7, s10;
	s10 =	sshll.u32 s10, $0x2;
	s2 =	sshra.s32 s2, $0x2;
	v15 =	vld [tilespmem:s11+$0xD90]  }
0x87: {  	v30 =	vperm.xlane v8, v1;
	v25 =	vperm.xlane v61, v0;
	s1 =	sadd.s32 s25, s15;
	s10 =	sand.u32 $0xFFFFFFE0, s10;
	s2 =	sadd.s32 s25, s2;
	v5 =	vld [tilespmem:s6+$0xD00]  }
0x88: {  	v16 =	vadd.f32 v27, v26;
	v10 =	vadd.f32 v58, v24;
	v29 =	vperm.xlane v9, v0;
	v4 =	vld [tilespmem:s6+$0xD10];
	s6 =	sshll.u32 s26, $0x2;
	s31 =	sand.u32 $0x7, s14;
	s3 =	sshll.u32 s14, $0x2  }
0x89: {  	v14 =	vadd.f32 v61, v25;
	v28 =	vmul.f32 v53, v50;
	v11 =	vmul.f32 v59, v56;
	v12 =	vld [tilespmem:s1+$0x8D80];
	s29 =	sor.u32 s6, s12;
	s6 =	sshll.u32 s30, $0x2;
	s3 =	sand.u32 $0xFFFFFFE0, s3  }
0x8a: {  	v32 =	vperm.xlane v16, v0;
	v31 =	vperm.xlane v10, v1;
	v9 =	vadd.f32 v9, v29;
	v19 =	vld [tilespmem:s1+$0x8D90];
	s12 =	sand.u32 $0x7, s19;
	s0 =	sshll.u32 s19, $0x2;
	s6 =	sor.u32 s6, s10  }
0x8b: {  	v8 =	vadd.f32 v8, v30;
	v33 =	vperm.xlane v14, v1;
	v11 =	vadd.f32 v11, v28;
	v23 =	vld [tilespmem:s2+$0xE00];
	s10 =	sshll.u32 s31, $0x2;
	s5 =	sshra.s32 s29, $0x2;
	s0 =	sand.u32 $0xFFFFFFE0, s0  }
0x8c: {  	v16 =	vadd.f32 v16, v32;
	v10 =	vadd.f32 v10, v31;
	v35 =	vperm.xlane v9, v1;
	v17 =	vld [tilespmem:s2+$0xE10];
	s6 =	sshra.s32 s6, $0x2;
	s3 =	sor.u32 s10, s3;
	s1 =	sadd.s32 s25, s5  }
0x8d: {  	v36 =	vperm.xlane v8, v2;
	v14 =	vadd.f32 v14, v33;
	v34 =	vperm.xlane v11, v0;
	s10 =	spop (v2sf);
	s5 =	sadd.s32 s25, s6;
	s11 =	sshra.s32 s3, $0x2;
	v37 =	vld [tilespmem:s1+$0x8E00]  }
0x8e: {  	v40 =	vperm.xlane v16, v1;
	v39 =	vperm.xlane v10, v2;
	v9 =	vadd.f32 v9, v35;
	s3 =	sshll.u32 s12, $0x2;
	v38 =	vld [tilespmem:s1+$0x8E10];
	s13 =	sand.u32 $0x7, s10;
	s14 =	sshll.u32 s10, $0x2  }
0x8f: {  	v8 =	vadd.f32 v8, v36;
	v41 =	vperm.xlane v14, v2;
	v11 =	vadd.f32 v11, v34;
	s0 =	sor.u32 s3, s0;
	v43 =	vld [tilespmem:s5+$0xE80];
	s3 =	sand.u32 $0xFFFFFFE0, s14;
	s1 =	sshll.u32 s13, $0x2  }
0x90: {  	v16 =	vadd.f32 v16, v40;
	v10 =	vadd.f32 v10, v39;
	v44 =	vperm.xlane v9, v2;
	s2 =	sadd.s32 s25, s11;
	v47 =	vld [tilespmem:s5+$0xE90];
	s0 =	sshra.s32 s0, $0x2;
	s1 =	sor.u32 s1, s3  }
0x91: {  	v46 =	vperm.xlane v8, v3;
	v14 =	vadd.f32 v14, v41;
	v42 =	vperm.xlane v11, v1;
	v45 =	vld [tilespmem:s2+$0x8E80];
	s0 =	sadd.s32 s25, s0;
	s1 =	sshra.s32 s1, $0x2;
	s15 =	spop (v2sf)  }
0x92: {  	v49 =	vperm.xlane v16, v2;
	v48 =	vperm.xlane v10, v3;
	v9 =	vadd.f32 v9, v44;
	v50 =	vld [tilespmem:s2+$0x8E90];
	s26 =	sadd.s32 s25, s1;
	s17 =	sand.u32 $0x7, s15;
	s3 =	sshll.u32 s15, $0x2  }
0x93: {  	v8 =	vadd.f32 v8, v46;
	v51 =	vperm.xlane v14, v3;
	v11 =	vadd.f32 v11, v42;
	v53 =	vld [tilespmem:s0+$0xF00];
	s18 =	spop (v2sf);
	s3 =	sand.u32 $0xFFFFFFE0, s3;
	s5 =	sshll.u32 s17, $0x2  }
0x94: {  	v16 =	vadd.f32 v16, v49;
	v10 =	vadd.f32 v10, v48;
	v55 =	vperm.xlane v9, v3;
	v54 =	vld [tilespmem:s0+$0xF10];
	s19 =	sand.u32 $0x7, s18;
	s2 =	sshll.u32 s18, $0x2;
	s3 =	sor.u32 s5, s3  }
0x95: {  	v7 =	vsel vm3, v7, v8;
	v56 =	vadd.f32 v14, v51;
	v52 =	vperm.xlane v11, v2;
	v57 =	vld [tilespmem:s26+$0x8F00];
	s28 =	sand.u32 $0xFFFFFFE0, s2;
	s29 =	sshll.u32 s19, $0x2;
	s30 =	sshra.s32 s3, $0x2  }
0x96: {  	v58 =	vperm.xlane v16, v3;
	v7 =	vsel vm4, v7, v10;
	v9 =	vadd.f32 v9, v55;
	v59 =	vld [tilespmem:s26+$0x8F10];
	s1 =	sor.u32 s29, s28;
	s31 =	sadd.s32 s25, s30  }
0x97: {  	v11 =	vadd.f32 v11, v52;
	v30 =	vmul.f32 v12, v13;
	v33 =	vmul.f32 v19, v15;
	s1 =	sshra.s32 s1, $0x2;
	v61 =	vld [tilespmem:s31+$0xF80]  }
0x98: {  	v7 =	vsel vm5, v7, v56;
	v5 =	vmul.f32 v6, v5;
	v4 =	vmul.f32 v20, v4;
	s1 =	sadd.s32 s25, s1;
	v28 =	vld [tilespmem:s31+$0xF90]  }
0x99: {  	v7 =	vsel vm6, v7, v9;
	v60 =	vperm.xlane v11, v3;
	v9 =	vadd.f32 v33, v30;
	v63 =	vld [tilespmem:s1+$0x8F80]  }
0x9a: {  	v62 =	vadd.f32 v16, v58;
	v4 =	vadd.f32 v4, v5;
	v34 =	vld [tilespmem:s1+$0x8F90]  }
0x9b: {  	v8 =	vadd.f32 v11, v60;
	v41 =	vperm.xlane v9, v0;
	v35 =	vmul.f32 v37, v23  }
0x9c: {  	v7 =	vsel vm7, v7, v62;
	v36 =	vmul.f32 v38, v17;
	v40 =	vperm.xlane v4, v0  }
0x9d: {  	v7 =	vsel vm8, v7, v8;
	v5 =	vmul.f32 v45, v43;
	v37 =	vmul.f32 v50, v47  }
0x9e: {  	v8 =	vadd.f32 v36, v35;
	v38 =	vmul.f32 v57, v53;
	v39 =	vmul.f32 v59, v54  }
0x9f: {  	v5 =	vadd.f32 v37, v5;
	v10 =	vmul.f32 v63, v61;
	v6 =	vmul.f32 v34, v28  }
0xa0: {  	v4 =	vadd.f32 v4, v40;
	v42 =	vperm.xlane v8, v0;
	v11 =	vadd.f32 v39, v38  }
0xa1: {  	v9 =	vadd.f32 v9, v41;
	v43 =	vperm.xlane v5, v0;
	v6 =	vadd.f32 v6, v10  }
0xa2: {  	v44 =	vperm.xlane v4, v1;
	v8 =	vadd.f32 v8, v42;
	v45 =	vperm.xlane v11, v0  }
0xa3: {  	v46 =	vperm.xlane v9, v1;
	v5 =	vadd.f32 v5, v43;
	v47 =	vperm.xlane v6, v0  }
0xa4: {  	v4 =	vadd.f32 v4, v44;
	v48 =	vperm.xlane v8, v1;
	v11 =	vadd.f32 v11, v45  }
0xa5: {  	v9 =	vadd.f32 v9, v46;
	v49 =	vperm.xlane v5, v1;
	v6 =	vadd.f32 v6, v47  }
0xa6: {  	v50 =	vperm.xlane v4, v2;
	v8 =	vadd.f32 v8, v48;
	v51 =	vperm.xlane v11, v1  }
0xa7: {  	v14 =	vperm.xlane v9, v2;
	v5 =	vadd.f32 v5, v49;
	v52 =	vperm.xlane v6, v1  }
0xa8: {  	v4 =	vadd.f32 v4, v50;
	v53 =	vperm.xlane v8, v2;
	v10 =	vadd.f32 v11, v51  }
0xa9: {  	v9 =	vadd.f32 v9, v14;
	v54 =	vperm.xlane v5, v2;
	v6 =	vadd.f32 v6, v52  }
0xaa: {  	v55 =	vperm.xlane v4, v3;
	v8 =	vadd.f32 v8, v53;
	v56 =	vperm.xlane v10, v2  }
0xab: {  	v14 =	vperm.xlane v9, v3;
	v5 =	vadd.f32 v5, v54;
	v57 =	vperm.xlane v6, v2  }
0xac: {  	v4 =	vadd.f32 v4, v55;
	v58 =	vperm.xlane v8, v3;
	v10 =	vadd.f32 v10, v56  }
0xad: {  	v9 =	vadd.f32 v9, v14;
	v59 =	vperm.xlane v5, v3;
	v6 =	vadd.f32 v6, v57  }
0xae: {  	v4 =	vsel vm9, v7, v4;
	v60 =	vadd.f32 v8, v58;
	v61 =	vperm.xlane v10, v3  }
0xaf: {  	p0 =	sne.s32 s24, $0x1E000;
	v4 =	vsel vm10, v4, v9;
	v5 =	vadd.f32 v5, v59;
	v62 =	vperm.xlane v6, v3  }
.Ltmp1:
0xb0: {  	v4 =	vsel vm11, v4, v60;
	v63 =	vadd.f32 v10, v61;
	(pc) =	sbr.rel @p0 .LBB2_4-.Ltmp1, $4  }
0xb1: {  	v4 =	vsel vm12, v4, v5;
	v5 =	vadd.f32 v6, v62  }
0xb2: {  	v4 =	vsel vm13, v4, v63  }
0xb3: {  	s21 =	sadd.s32 $0x10, s21;
	v4 =	vsel vm14, v4, v5  }
0xb4: {  	s22 =	sadd.s32 $0x10, s22;
	s24 =	sadd.s32 $0x2000, s24;
	[tilespmem:s23+$0x0] =	vst v4;
	s23 =	sadd.s32 $0x10, s23  }
0xb5: {  	s21 =	simm.s32 $0x100  }
0xb6: {  	s0 =	rddreg [dreg:$0x2];
	s1 =	simm.s32 $0x800;
	s2 =	simm.s32 $0x500  }
0xb7: {  	[tilespmem:s1], [sflag:$0x1] =	stream.indirect.gather [hbm4b:s0+s21], $0x80, s2, s21, $0xb8;
	[tilespmem:$0x10A00] =	vst v63  }
0xb8: {  	s29 =	rddreg [dreg:$0x3];
	s30 =	simm.s32 $0x8800;
	s31 =	simm.s32 $0x700  }
0xb9: {  	[tilespmem:s30], [sflag:$0x1] =	stream.indirect.gather [hbm4b:s29+s21], $0x80, s31, s21, $0xb8;
	[tilespmem:$0x10A00] =	vst v63  }
0xba: {  	_ =	swait.ge [sflag:s16], $0x8000  }
0xbb: {  	[sflag:s16] =	ssyncset.done $0x0  }
0xbc: {  	[sflag:s16] =	ssyncadd.s32 $0xFFFF8000  }
0xbd: {  	_ =	swait.ge [sflag:s16], $0x8000  }
0xbe: {  	s22 =	simm.s32 $0x0;
	[sflag:s16] =	ssyncset.done $0x0  }
0xbf: {  	s23 =	simm.s32 $0x300;
	s24 =	simm.s32 $0x10900;
	[sflag:s16] =	ssyncadd.s32 $0xFFFF8000  }
.LBB2_6:
0xc0: {  	v5 =	vld [tilespmem:s21+$0x0]  }
0xc1: {  	v4 =	vld [tilespmem:s23+$0x0];
	_ =	sdelay $0x3  }
0xc2: {  	(v2sf) =	vpush v5, $0x0  }
0xc3: {  	(v2sf) =	vpush v4, $0x0  }
0xc4: {  	(v2sf) =	vpush v5, $0x1  }
0xc5: {  	(v2sf) =	vpush v4, $0x1  }
0xc6: {  	(v2sf) =	vpush v5, $0x2;
	_ =	sdelay $0x2  }
0xc7: {  	(v2sf) =	vpush v4, $0x2;
	_ =	sdelay $0x1  }
0xc8: {  	(v2sf) =	vpush v5, $0x3;
	_ =	sdelay $0x2  }
0xc9: {  	(v2sf) =	vpush v4, $0x3  }
0xca: {  	(v2sf) =	vpush v5, $0x4  }
0xcb: {  	(v2sf) =	vpush v4, $0x4  }
0xcc: {  	(v2sf) =	vpush v5, $0x5;
	s0 =	spop (v2sf)  }
0xcd: {  	(v2sf) =	vpush v4, $0x5;
	s1 =	spop (v2sf);
	s2 =	sand.u32 $0x7, s0;
	s0 =	sshll.u32 s0, $0x2  }
0xce: {  	s25 =	sshra.s32 s22, $0x2;
	(v2sf) =	vpush v5, $0x6;
	s5 =	spop (v2sf);
	s0 =	sand.u32 $0xFFFFFFE0, s0  }
0xcf: {  	(v2sf) =	vpush v4, $0x6;
	s2 =	sshll.u32 s2, $0x2;
	s31 =	sand.u32 $0x7, s1;
	s6 =	spop (v2sf)  }
0xd0: {  	s1 =	sshll.u32 s1, $0x2;
	s0 =	sor.u32 s2, s0;
	s10 =	spop (v2sf);
	(v2sf) =	vpush v5, $0x7  }
0xd1: {  	s1 =	sand.u32 $0xFFFFFFE0, s1;
	s15 =	sshll.u32 s5, $0x2;
	s5 =	sand.u32 $0x7, s5;
	(v2sf) =	vpush v4, $0x7  }
0xd2: {  	s0 =	sshra.s32 s0, $0x2;
	s18 =	sand.u32 $0xFFFFFFE0, s15;
	s19 =	sand.u32 $0x7, s6  }
0xd3: {  	s6 =	sshll.u32 s6, $0x2;
	s11 =	spop (v2sf);
	s17 =	sadd.s32 s25, s0  }
0xd4: {  	s0 =	sshll.u32 s31, $0x2;
	s30 =	sand.u32 $0xFFFFFFE0, s6;
	s31 =	sshll.u32 s19, $0x2  }
0xd5: {  	s15 =	sand.u32 $0x7, s10;
	s10 =	sshll.u32 s10, $0x2;
	s13 =	spop (v2sf)  }
0xd6: {  	s0 =	sor.u32 s0, s1;
	s1 =	sshll.u32 s5, $0x2;
	s5 =	sor.u32 s31, s30  }
0xd7: {  	s19 =	sand.u32 $0xFFFFFFE0, s10;
	s30 =	sand.u32 $0x7, s11;
	s11 =	sshll.u32 s11, $0x2  }
0xd8: {  	s28 =	spop (v2sf);
	s1 =	sor.u32 s1, s18;
	s0 =	sshra.s32 s0, $0x2  }
0xd9: {  	(v2sf) =	vpush v5, $0x8;
	s5 =	sshra.s32 s5, $0x2;
	s10 =	sand.u32 $0xFFFFFFE0, s11;
	s14 =	spop (v2sf)  }
0xda: {  	(v2sf) =	vpush v4, $0x8;
	s1 =	sshra.s32 s1, $0x2;
	s6 =	sadd.s32 s25, s0;
	s12 =	spop (v2sf)  }
0xdb: {  	s18 =	sadd.s32 s25, s5;
	s5 =	sshll.u32 s15, $0x2;
	s2 =	spop (v2sf)  }
0xdc: {  	s15 =	sand.u32 $0x7, s13;
	s1 =	sadd.s32 s25, s1;
	s3 =	spop (v2sf)  }
0xdd: {  	s0 =	sor.u32 s5, s19;
	s5 =	sshll.u32 s30, $0x2;
	s29 =	spop (v2sf)  }
0xde: {  	s19 =	sshll.u32 s13, $0x2;
	s30 =	sshll.u32 s15, $0x2;
	s26 =	spop (v2sf)  }
0xdf: {  	s13 =	sshll.u32 s28, $0x2;
	s0 =	sshra.s32 s0, $0x2;
	s31 =	spop (v2sf);
	(v2sf) =	vpush v5, $0x9  }
0xe0: {  	s5 =	sor.u32 s5, s10;
	s11 =	sand.u32 $0xFFFFFFE0, s19;
	s10 =	spop (v2sf);
	(v2sf) =	vpush v4, $0x9  }
0xe1: {  	s15 =	sadd.s32 s25, s0;
	s5 =	sshra.s32 s5, $0x2;
	s11 =	sor.u32 s30, s11  }
0xe2: {  	v12 =	vld [tilespmem:s18+$0x8880];
	s0 =	sadd.s32 s25, s5;
	s5 =	sshra.s32 s11, $0x2;
	s11 =	sand.u32 $0x7, s28  }
0xe3: {  	v13 =	vld [tilespmem:s18+$0x8890];
	s13 =	sand.u32 $0xFFFFFFE0, s13;
	s19 =	sadd.s32 s25, s5;
	s11 =	sshll.u32 s11, $0x2  }
0xe4: {  	v14 =	vld [tilespmem:s15+$0x900];
	s18 =	sand.u32 $0x7, s29;
	s29 =	sshll.u32 s29, $0x2;
	s5 =	sor.u32 s11, s13  }
0xe5: {  	v16 =	vld [tilespmem:s15+$0x910];
	s11 =	sand.u32 $0x7, s14;
	s14 =	sshll.u32 s14, $0x2;
	s15 =	sshll.u32 s26, $0x2  }
0xe6: {  	s5 =	sshra.s32 s5, $0x2;
	s13 =	sand.u32 $0xFFFFFFE0, s14;
	s11 =	sshll.u32 s11, $0x2  }
0xe7: {  	v6 =	vld [tilespmem:s17+$0x800];
	s14 =	sand.u32 $0x7, s12;
	s12 =	sshll.u32 s12, $0x2;
	s11 =	sor.u32 s11, s13  }
0xe8: {  	v7 =	vld [tilespmem:s17+$0x810];
	s17 =	sand.u32 $0xFFFFFFE0, s12;
	s13 =	sshll.u32 s14, $0x2;
	s30 =	spop (v2sf);
	(v2sf) =	vpush v5, $0xA  }
0xe9: {  	s5 =	sadd.s32 s25, s5;
	s14 =	sand.u32 $0x7, s2;
	s28 =	spop (v2sf);
	(v2sf) =	vpush v4, $0xA  }
0xea: {  	v8 =	vld [tilespmem:s6+$0x8800];
	s11 =	sshra.s32 s11, $0x2;
	s13 =	sor.u32 s13, s17;
	s17 =	sshll.u32 s2, $0x2  }
0xeb: {  	v9 =	vld [tilespmem:s6+$0x8810];
	s6 =	sshll.u32 s14, $0x2;
	s14 =	sand.u32 $0x7, s3;
	s3 =	sshll.u32 s3, $0x2  }
0xec: {  	s12 =	sadd.s32 s25, s11;
	s11 =	sshra.s32 s13, $0x2;
	s13 =	sand.u32 $0xFFFFFFE0, s17  }
0xed: {  	v10 =	vld [tilespmem:s1+$0x880];
	s3 =	sand.u32 $0xFFFFFFE0, s3;
	s13 =	sor.u32 s6, s13;
	s6 =	sshll.u32 s14, $0x2  }
0xee: {  	v11 =	vld [tilespmem:s1+$0x890];
	s11 =	sadd.s32 s25, s11;
	s1 =	sshra.s32 s13, $0x2;
	s2 =	spop (v2sf);
	(v2sf) =	vpush v5, $0xB  }
0xef: {  	v18 =	vld [tilespmem:s19+$0x980];
	s17 =	sor.u32 s6, s3;
	s13 =	sand.u32 $0xFFFFFFE0, s29;
	s3 =	spop (v2sf);
	(v2sf) =	vpush v4, $0xB  }
0xf0: {  	v19 =	vld [tilespmem:s19+$0x990];
	s6 =	sshll.u32 s18, $0x2;
	s18 =	sand.u32 $0x7, s31;
	s19 =	sshll.u32 s31, $0x2  }
0xf1: {  	s14 =	sadd.s32 s25, s1;
	s1 =	sshra.s32 s17, $0x2;
	s6 =	sor.u32 s6, s13;
	(v2sf) =	vpush v5, $0xC  }
0xf2: {  	v15 =	vld [tilespmem:s0+$0x8900];
	s13 =	sand.u32 $0x7, s26;
	s31 =	sand.u32 $0xFFFFFFE0, s19;
	s17 =	sadd.s32 s25, s1  }
0xf3: {  	v17 =	vld [tilespmem:s0+$0x8910];
	s1 =	sshra.s32 s6, $0x2;
	s6 =	sand.u32 $0xFFFFFFE0, s15;
	s0 =	sshll.u32 s13, $0x2  }
0xf4: {  	v20 =	vld [tilespmem:s5+$0x8980];
	s13 =	sshll.u32 s18, $0x2;
	s15 =	sand.u32 $0x7, s30;
	s18 =	sshll.u32 s30, $0x2  }
0xf5: {  	v21 =	vld [tilespmem:s5+$0x8990];
	s6 =	sor.u32 s0, s6;
	s0 =	sadd.s32 s25, s1;
	s1 =	sor.u32 s13, s31  }
0xf6: {  	v6 =	vmul.f32 v8, v6;
	v7 =	vmul.f32 v9, v7;
	v8 =	vld [tilespmem:s12+$0xA00];
	s13 =	sand.u32 $0x7, s10;
	s10 =	sshll.u32 s10, $0x2;
	s19 =	sand.u32 $0xFFFFFFE0, s18  }
0xf7: {  	v46 =	vmul.f32 v12, v10;
	v51 =	vld [tilespmem:s12+$0xA10];
	s31 =	sand.u32 $0x7, s28;
	s6 =	sshra.s32 s6, $0x2;
	s29 =	spop (v2sf)  }
0xf8: {  	v47 =	vmul.f32 v13, v11;
	v6 =	vadd.f32 v7, v6;
	v48 =	vld [tilespmem:s11+$0x8A00];
	s10 =	sand.u32 $0xFFFFFFE0, s10;
	s5 =	sshll.u32 s13, $0x2;
	s26 =	spop (v2sf);
	(v2sf) =	vpush v4, $0xC  }
0xf9: {  	v49 =	vmul.f32 v15, v14;
	v50 =	vmul.f32 v17, v16;
	v52 =	vld [tilespmem:s11+$0x8A10];
	s1 =	sshra.s32 s1, $0x2;
	s13 =	sshll.u32 s28, $0x2;
	s11 =	sshll.u32 s31, $0x2;
	(v2sf) =	vpush v5, $0xD  }
0xfa: {  	v53 =	vadd.f32 v47, v46;
	v55 =	vmul.f32 v20, v18;
	v56 =	vmul.f32 v21, v19;
	v57 =	vld [tilespmem:s14+$0xA80];
	s6 =	sadd.s32 s25, s6;
	s5 =	sor.u32 s5, s10;
	s10 =	sshll.u32 s15, $0x2  }
0xfb: {  	v58 =	vperm.xlane v6, v0;
	v54 =	vadd.f32 v50, v49;
	v59 =	vld [tilespmem:s14+$0xA90];
	s12 =	sand.u32 $0xFFFFFFE0, s13;
	s1 =	sadd.s32 s25, s1;
	s5 =	sshra.s32 s5, $0x2  }
0xfc: {  	v60 =	vperm.xlane v53, v0;
	v62 =	vld [tilespmem:s17+$0x8A80];
	v10 =	vadd.f32 v56, v55;
	s10 =	sor.u32 s10, s19;
	s11 =	sor.u32 s11, s12;
	s5 =	sadd.s32 s25, s5  }
0xfd: {  	v6 =	vadd.f32 v6, v58;
	v61 =	vperm.xlane v54, v0;
	v63 =	vld [tilespmem:s17+$0x8A90];
	s14 =	sshll.u32 s2, $0x2;
	s2 =	sand.u32 $0x7, s2;
	s30 =	spop (v2sf)  }
0xfe: {  	v7 =	vadd.f32 v53, v60;
	v36 =	vld [tilespmem:s0+$0xB00];
	v35 =	vperm.xlane v10, v0;
	s17 =	sand.u32 $0x7, s3;
	s18 =	sshll.u32 s3, $0x2;
	s3 =	spop (v2sf);
	(v2sf) =	vpush v4, $0xD  }
0xff: {  	v38 =	vperm.xlane v6, v1;
	v9 =	vadd.f32 v54, v61;
	v37 =	vld [tilespmem:s0+$0xB10];
	s10 =	sshra.s32 s10, $0x2;
	s15 =	sand.u32 $0xFFFFFFE0, s14;
	s2 =	sshll.u32 s2, $0x2  }
0x100: {  	v22 =	vperm.xlane v7, v1;
	v39 =	vld [tilespmem:s6+$0x8B00];
	s11 =	sshra.s32 s11, $0x2;
	v10 =	vadd.f32 v10, v35;
	s19 =	sor.u32 s2, s15;
	s2 =	spop (v2sf);
	(v2sf) =	vpush v5, $0xE  }
0x101: {  	v6 =	vadd.f32 v6, v38;
	v23 =	vperm.xlane v9, v1;
	v24 =	vld [tilespmem:s6+$0x8B10];
	s6 =	sadd.s32 s25, s10;
	s14 =	sand.u32 $0xFFFFFFE0, s18;
	s13 =	sshll.u32 s17, $0x2  }
0x102: {  	v7 =	vadd.f32 v7, v22;
	v41 =	vld [tilespmem:s1+$0xB80];
	s11 =	sadd.s32 s25, s11;
	v40 =	vperm.xlane v10, v1;
	s31 =	sor.u32 s13, s14;
	s0 =	sshra.s32 s19, $0x2  }
0x103: {  	v42 =	vperm.xlane v6, v2;
	v25 =	vld [tilespmem:s1+$0xB90];
	v9 =	vadd.f32 v9, v23;
	s13 =	sand.u32 $0x7, s29;
	s14 =	sshll.u32 s29, $0x2;
	s17 =	sand.u32 $0x7, s26  }
0x104: {  	v26 =	vperm.xlane v7, v2;
	v43 =	vld [tilespmem:s5+$0x8B80];
	v10 =	vadd.f32 v10, v40;
	s18 =	sshll.u32 s26, $0x2;
	s0 =	sadd.s32 s25, s0;
	s12 =	sshra.s32 s31, $0x2  }
0x105: {  	v28 =	vld [tilespmem:s5+$0x8B90];
	v6 =	vadd.f32 v6, v42;
	v27 =	vperm.xlane v9, v2;
	s10 =	sshll.u32 s13, $0x2;
	s1 =	sadd.s32 s25, s12;
	s12 =	sand.u32 $0xFFFFFFE0, s14  }
0x106: {  	v8 =	vmul.f32 v48, v8;
	v7 =	vadd.f32 v7, v26;
	v45 =	vld [tilespmem:s6+$0xC00];
	v44 =	vperm.xlane v10, v2;
	s15 =	sor.u32 s10, s12;
	s12 =	sand.u32 $0xFFFFFFE0, s18;
	s10 =	sshll.u32 s17, $0x2  }
0x107: {  	v48 =	vmul.f32 v52, v51;
	v29 =	vld [tilespmem:s11+$0x8C00];
	v46 =	vperm.xlane v6, v3;
	v9 =	vadd.f32 v9, v27;
	s5 =	sshra.s32 s15, $0x2;
	s12 =	sor.u32 s10, s12;
	s28 =	spop (v2sf)  }
0x108: {  	v47 =	vld [tilespmem:s6+$0xC10];
	v30 =	vperm.xlane v7, v3;
	v10 =	vadd.f32 v10, v44;
	s5 =	sadd.s32 s25, s5;
	s29 =	sshll.u32 s30, $0x2;
	s10 =	spop (v2sf);
	(v2sf) =	vpush v4, $0xE  }
0x109: {  	v8 =	vadd.f32 v48, v8;
	v32 =	vld [tilespmem:s11+$0x8C10];
	v31 =	vperm.xlane v9, v3;
	s19 =	sshra.s32 s12, $0x2;
	s26 =	sand.u32 $0x7, s30;
	s30 =	sand.u32 $0xFFFFFFE0, s29  }
0x10a: {  	v6 =	vadd.f32 v6, v46;
	v7 =	vadd.f32 v7, v30;
	v49 =	vperm.xlane v10, v3;
	v50 =	vld [tilespmem:s0+$0xC80];
	s12 =	sshll.u32 s26, $0x2;
	s31 =	sand.u32 $0x7, s3;
	s3 =	sshll.u32 s3, $0x2  }
0x10b: {  	v51 =	vmul.f32 v62, v57;
	v52 =	vmul.f32 v63, v59;
	v9 =	vadd.f32 v9, v31;
	v56 =	vld [tilespmem:s0+$0xC90];
	s6 =	sadd.s32 s25, s19;
	s11 =	sor.u32 s12, s30;
	s3 =	sand.u32 $0xFFFFFFE0, s3  }
0x10c: {  	v60 =	vperm.xlane v8, v0;
	v6 =	vsel vm0, v6, v7;
	v57 =	vadd.f32 v10, v49;
	v53 =	vld [tilespmem:s1+$0x8C80];
	s12 =	sshll.u32 s31, $0x2;
	s17 =	sand.u32 $0x7, s2;
	s2 =	sshll.u32 s2, $0x2  }
0x10d: {  	v58 =	vadd.f32 v52, v51;
	v6 =	vsel vm1, v6, v9;
	v59 =	vld [tilespmem:s1+$0x8C90];
	s11 =	sshra.s32 s11, $0x2;
	s13 =	sor.u32 s12, s3;
	s14 =	spop (v2sf);
	(v2sf) =	vpush v5, $0xF  }
0x10e: {  	v54 =	vmul.f32 v39, v36;
	v55 =	vmul.f32 v24, v37;
	v7 =	vsel vm2, v6, v57;
	v6 =	vld [tilespmem:s6+$0x8D00];
	s2 =	sand.u32 $0xFFFFFFE0, s2;
	s18 =	sshll.u32 s17, $0x2;
	s26 =	sand.u32 $0x7, s28  }
0x10f: {  	v62 =	vmul.f32 v43, v41;
	v63 =	vmul.f32 v28, v25;
	v20 =	vld [tilespmem:s6+$0x8D10];
	s11 =	sadd.s32 s25, s11;
	s15 =	sshra.s32 s13, $0x2;
	s19 =	spop (v2sf);
	(v2sf) =	vpush v4, $0xF  }
0x110: {  	v8 =	vadd.f32 v8, v60;
	v24 =	vperm.xlane v58, v0;
	v61 =	vadd.f32 v55, v54;
	s2 =	sor.u32 s18, s2;
	s30 =	sand.u32 $0x7, s10;
	s10 =	sshll.u32 s10, $0x2;
	v13 =	vld [tilespmem:s11+$0xD80]  }
0x111: {  	v26 =	vmul.f32 v29, v45;
	v27 =	vmul.f32 v32, v47;
	v9 =	vadd.f32 v63, v62;
	s1 =	sadd.s32 s25, s15;
	s10 =	sand.u32 $0xFFFFFFE0, s10;
	s6 =	sshll.u32 s30, $0x2;
	v15 =	vld [tilespmem:s11+$0xD90]  }
0x112: {  	v30 =	vperm.xlane v8, v1;
	v25 =	vperm.xlane v61, v0;
	s29 =	sshll.u32 s28, $0x2;
	s2 =	sshra.s32 s2, $0x2;
	s6 =	sor.u32 s6, s10;
	v12 =	vld [tilespmem:s1+$0x8D80]  }
0x113: {  	v16 =	vadd.f32 v27, v26;
	v10 =	vadd.f32 v58, v24;
	v29 =	vperm.xlane v9, v0;
	s12 =	sand.u32 $0xFFFFFFE0, s29;
	s2 =	sadd.s32 s25, s2;
	s6 =	sshra.s32 s6, $0x2;
	v5 =	vld [tilespmem:s5+$0xD00]  }
0x114: {  	v14 =	vadd.f32 v61, v25;
	v28 =	vmul.f32 v53, v50;
	v11 =	vmul.f32 v59, v56;
	v4 =	vld [tilespmem:s5+$0xD10];
	s5 =	sshll.u32 s26, $0x2;
	s31 =	sand.u32 $0x7, s14;
	s3 =	sshll.u32 s14, $0x2  }
0x115: {  	v32 =	vperm.xlane v16, v0;
	v31 =	vperm.xlane v10, v1;
	v9 =	vadd.f32 v9, v29;
	v19 =	vld [tilespmem:s1+$0x8D90];
	s5 =	sor.u32 s5, s12;
	s3 =	sand.u32 $0xFFFFFFE0, s3;
	s10 =	sshll.u32 s31, $0x2  }
0x116: {  	v8 =	vadd.f32 v8, v30;
	v33 =	vperm.xlane v14, v1;
	v11 =	vadd.f32 v11, v28;
	v23 =	vld [tilespmem:s2+$0xE00];
	s12 =	sand.u32 $0x7, s19;
	s0 =	sshll.u32 s19, $0x2;
	s5 =	sshra.s32 s5, $0x2  }
0x117: {  	v16 =	vadd.f32 v16, v32;
	v10 =	vadd.f32 v10, v31;
	v35 =	vperm.xlane v9, v1;
	v17 =	vld [tilespmem:s2+$0xE10];
	s3 =	sor.u32 s10, s3;
	s10 =	spop (v2sf);
	s1 =	sadd.s32 s25, s5  }
0x118: {  	v36 =	vperm.xlane v8, v2;
	v14 =	vadd.f32 v14, v33;
	v34 =	vperm.xlane v11, v0;
	s0 =	sand.u32 $0xFFFFFFE0, s0;
	s5 =	sadd.s32 s25, s6;
	s11 =	sshra.s32 s3, $0x2;
	v37 =	vld [tilespmem:s1+$0x8E00]  }
0x119: {  	v40 =	vperm.xlane v16, v1;
	v39 =	vperm.xlane v10, v2;
	v9 =	vadd.f32 v9, v35;
	s3 =	sshll.u32 s12, $0x2;
	s13 =	sand.u32 $0x7, s10;
	s14 =	sshll.u32 s10, $0x2;
	v38 =	vld [tilespmem:s1+$0x8E10]  }
0x11a: {  	v8 =	vadd.f32 v8, v36;
	v41 =	vperm.xlane v14, v2;
	v11 =	vadd.f32 v11, v34;
	s0 =	sor.u32 s3, s0;
	v43 =	vld [tilespmem:s5+$0xE80];
	s3 =	sand.u32 $0xFFFFFFE0, s14;
	s1 =	sshll.u32 s13, $0x2  }
0x11b: {  	v16 =	vadd.f32 v16, v40;
	v10 =	vadd.f32 v10, v39;
	v44 =	vperm.xlane v9, v2;
	s2 =	sadd.s32 s25, s11;
	v47 =	vld [tilespmem:s5+$0xE90];
	s0 =	sshra.s32 s0, $0x2;
	s1 =	sor.u32 s1, s3  }
0x11c: {  	v46 =	vperm.xlane v8, v3;
	v14 =	vadd.f32 v14, v41;
	v42 =	vperm.xlane v11, v1;
	v45 =	vld [tilespmem:s2+$0x8E80];
	s0 =	sadd.s32 s25, s0;
	s1 =	sshra.s32 s1, $0x2;
	s15 =	spop (v2sf)  }
0x11d: {  	v49 =	vperm.xlane v16, v2;
	v48 =	vperm.xlane v10, v3;
	v9 =	vadd.f32 v9, v44;
	v50 =	vld [tilespmem:s2+$0x8E90];
	s26 =	sadd.s32 s25, s1;
	s17 =	sand.u32 $0x7, s15;
	s3 =	sshll.u32 s15, $0x2  }
0x11e: {  	v8 =	vadd.f32 v8, v46;
	v51 =	vperm.xlane v14, v3;
	v11 =	vadd.f32 v11, v42;
	v53 =	vld [tilespmem:s0+$0xF00];
	s18 =	spop (v2sf);
	s3 =	sand.u32 $0xFFFFFFE0, s3;
	s5 =	sshll.u32 s17, $0x2  }
0x11f: {  	v16 =	vadd.f32 v16, v49;
	v10 =	vadd.f32 v10, v48;
	v55 =	vperm.xlane v9, v3;
	v54 =	vld [tilespmem:s0+$0xF10];
	s19 =	sand.u32 $0x7, s18;
	s2 =	sshll.u32 s18, $0x2;
	s3 =	sor.u32 s5, s3  }
0x120: {  	v7 =	vsel vm3, v7, v8;
	v56 =	vadd.f32 v14, v51;
	v52 =	vperm.xlane v11, v2;
	v57 =	vld [tilespmem:s26+$0x8F00];
	s28 =	sand.u32 $0xFFFFFFE0, s2;
	s29 =	sshll.u32 s19, $0x2;
	s30 =	sshra.s32 s3, $0x2  }
0x121: {  	v58 =	vperm.xlane v16, v3;
	v7 =	vsel vm4, v7, v10;
	v9 =	vadd.f32 v9, v55;
	v59 =	vld [tilespmem:s26+$0x8F10];
	s1 =	sor.u32 s29, s28;
	s31 =	sadd.s32 s25, s30  }
0x122: {  	v11 =	vadd.f32 v11, v52;
	v30 =	vmul.f32 v12, v13;
	v33 =	vmul.f32 v19, v15;
	s1 =	sshra.s32 s1, $0x2;
	v61 =	vld [tilespmem:s31+$0xF80]  }
0x123: {  	v7 =	vsel vm5, v7, v56;
	v5 =	vmul.f32 v6, v5;
	v4 =	vmul.f32 v20, v4;
	s1 =	sadd.s32 s25, s1;
	v28 =	vld [tilespmem:s31+$0xF90]  }
0x124: {  	v7 =	vsel vm6, v7, v9;
	v60 =	vperm.xlane v11, v3;
	v9 =	vadd.f32 v33, v30;
	v63 =	vld [tilespmem:s1+$0x8F80]  }
0x125: {  	v62 =	vadd.f32 v16, v58;
	v4 =	vadd.f32 v4, v5;
	v34 =	vld [tilespmem:s1+$0x8F90]  }
0x126: {  	v8 =	vadd.f32 v11, v60;
	v41 =	vperm.xlane v9, v0;
	v35 =	vmul.f32 v37, v23  }
0x127: {  	v7 =	vsel vm7, v7, v62;
	v36 =	vmul.f32 v38, v17;
	v40 =	vperm.xlane v4, v0  }
0x128: {  	v7 =	vsel vm8, v7, v8;
	v5 =	vmul.f32 v45, v43;
	v37 =	vmul.f32 v50, v47  }
0x129: {  	v8 =	vadd.f32 v36, v35;
	v38 =	vmul.f32 v57, v53;
	v39 =	vmul.f32 v59, v54  }
0x12a: {  	v5 =	vadd.f32 v37, v5;
	v10 =	vmul.f32 v63, v61;
	v6 =	vmul.f32 v34, v28  }
0x12b: {  	v4 =	vadd.f32 v4, v40;
	v42 =	vperm.xlane v8, v0;
	v11 =	vadd.f32 v39, v38  }
0x12c: {  	v9 =	vadd.f32 v9, v41;
	v43 =	vperm.xlane v5, v0;
	v6 =	vadd.f32 v6, v10  }
0x12d: {  	v44 =	vperm.xlane v4, v1;
	v8 =	vadd.f32 v8, v42;
	v45 =	vperm.xlane v11, v0  }
0x12e: {  	v46 =	vperm.xlane v9, v1;
	v5 =	vadd.f32 v5, v43;
	v47 =	vperm.xlane v6, v0  }
0x12f: {  	v4 =	vadd.f32 v4, v44;
	v48 =	vperm.xlane v8, v1;
	v11 =	vadd.f32 v11, v45  }
0x130: {  	v9 =	vadd.f32 v9, v46;
	v49 =	vperm.xlane v5, v1;
	v6 =	vadd.f32 v6, v47  }
0x131: {  	v50 =	vperm.xlane v4, v2;
	v8 =	vadd.f32 v8, v48;
	v51 =	vperm.xlane v11, v1  }
0x132: {  	v14 =	vperm.xlane v9, v2;
	v5 =	vadd.f32 v5, v49;
	v52 =	vperm.xlane v6, v1  }
0x133: {  	v4 =	vadd.f32 v4, v50;
	v53 =	vperm.xlane v8, v2;
	v10 =	vadd.f32 v11, v51  }
0x134: {  	v9 =	vadd.f32 v9, v14;
	v54 =	vperm.xlane v5, v2;
	v6 =	vadd.f32 v6, v52  }
0x135: {  	v55 =	vperm.xlane v4, v3;
	v8 =	vadd.f32 v8, v53;
	v56 =	vperm.xlane v10, v2  }
0x136: {  	v14 =	vperm.xlane v9, v3;
	v5 =	vadd.f32 v5, v54;
	v57 =	vperm.xlane v6, v2  }
0x137: {  	v4 =	vadd.f32 v4, v55;
	v58 =	vperm.xlane v8, v3;
	v10 =	vadd.f32 v10, v56  }
0x138: {  	v9 =	vadd.f32 v9, v14;
	v59 =	vperm.xlane v5, v3;
	v6 =	vadd.f32 v6, v57  }
0x139: {  	v4 =	vsel vm9, v7, v4;
	v60 =	vadd.f32 v8, v58;
	v61 =	vperm.xlane v10, v3  }
0x13a: {  	p0 =	sne.s32 s22, $0x1E000;
	v4 =	vsel vm10, v4, v9;
	v5 =	vadd.f32 v5, v59;
	v62 =	vperm.xlane v6, v3  }
.Ltmp2:
0x13b: {  	v4 =	vsel vm11, v4, v60;
	v63 =	vadd.f32 v10, v61;
	(pc) =	sbr.rel @p0 .LBB2_6-.Ltmp2, $4  }
0x13c: {  	v4 =	vsel vm12, v4, v5;
	v5 =	vadd.f32 v6, v62  }
0x13d: {  	v4 =	vsel vm13, v4, v63  }
0x13e: {  	s21 =	sadd.s32 $0x10, s21;
	v4 =	vsel vm14, v4, v5  }
0x13f: {  	s23 =	sadd.s32 $0x10, s23;
	s22 =	sadd.s32 $0x2000, s22;
	[tilespmem:s24+$0x0] =	vst v4;
	s24 =	sadd.s32 $0x10, s24  }
0x140: {  	s20 =	sadd.s32 $0x1, s20  }
0x141: {  	p0 =	sne.s32 s20, s8  }
.Ltmp3:
0x142: {  	s0 =	simm.s32 $0x10800;
	(pc) =	sbr.rel @p0 .LBB2_1-.Ltmp3, $4  }
0x143: {  	[hbm4b:s7+s4] =	stream.linear.scatter [tilespmem:s0], [sflag:$0x2], $0x200, $0x38;
	[tilespmem:$0x10A00] =	vst v63  }
0x144: {  	_ =	swait.ge [sflag:s9], $0x200  }
0x145: {  	[sflag:s9] =	ssyncset.done $0x0  }
0x146: {  	[sflag:s9] =	ssyncadd.s32 $0xFFFFFE00  }
0x147: {  	_ =	sfence.sel $0x180000  }
0x148: {  	[bflag:$0x0] =	sbarrier.arrive $0xFFFF  }
0x149: {  	_ =	strace $0x90000047  }
0x14a: {  	s0 =	stileid.u32;
	[bflag:$0x2] =	sbarrier.arrive $0xFFFF  }
0x14b: {  	p0 =	sne.s32 s0, $0x0;
	s0 =	rddreg [dreg:$0x5]  }
0x14c: {  	s0 =	sadd.s32 @!p0 $0x100000, s0  }
0x14d: {  	[sflag:s0] =	ssyncadd.tile.s32 @!p0 $0x1;
	_ =	shalt  }
.Lfunc_end2:
_tile_overlayer_lowered:
.L_overlay_start_2:
0x14e: {  	(tag) =	ssettag $0x2  }
0x14f: {  	s0 =	rddreg [dreg:$0x0];
	s2 =	stileid.u32  }
0x150: {  	s1 =	rddreg [dreg:$0x1];
	p0 =	sne.s32 s2, $0x0  }
0x151: {  	s3 =	rddreg [dreg:$0x2];
	[bflag:$0x3] =	sbarrier.arrive $0xFFFF;
	s2 =	simm.s32 @!p0 $0x1C02  }
0x152: {  	[timem:s3], [sflag:s2] =	dma.local @!p0 [hbm:s0], s1  }
0x153: {  	s0 =	simm.s32 @!p0 $0x2  }
0x154: {  	_ =	swait.ge @!p0 [sflag:s0], s1  }
0x155: {  	s1 =	ssub.s32 @!p0 $0x0, s1;
	[sflag:s0] =	ssyncset.done @!p0 $0x0  }
0x156: {  	[sflag:s0] =	ssyncadd.s32 @!p0 s1  }
0x157: {  	[bflag:$0x3] =	sbarrier.arrive $0xFFFF  }
0x158: {  	_ =	shalt  }

</sc_bundles>
